<compile_context>
chip_gen: v7x
topology: tpu7x:2x2x1
jax: 0.10.2.dev20260603
libtpu: 0.0.44.dev20260713+nightly
codegen_flags: <defaults>
</compile_context>

<pallas_src>
import functools

import jax
import jax.numpy as jnp
from jax import lax
from jax.experimental import pallas as pl
from jax.experimental.pallas import tpu as pltpu
from jax.experimental.pallas import tpu_sc as plsc

N = 10000
E = 320000
D = 128
B = 16
SV = 64
A = 32

NC = 2
NS = 16
NT = NC * NS
EPT = E // NT
K = 80
NCH = EPT // K
NP = 10240
RPT = NP // NS

DEG_GRP = 25


def _deg_body(dst3_hbm, ones_hbm, zeros_hbm, out_hbm, dstv, onesv, acc, sem):
    c = lax.axis_index("c")
    s = lax.axis_index("s")
    t = c * NS + s
    pltpu.sync_copy(dst3_hbm.at[t], dstv)
    pltpu.sync_copy(ones_hbm, onesv)
    pltpu.sync_copy(zeros_hbm, acc.at[pl.ds(s * RPT, RPT)])
    plsc.subcore_barrier()

    def body(i, carry):
        j = i * DEG_GRP
        for u in range(DEG_GRP):
            pltpu.async_copy(onesv, acc.at[dstv.at[j + u]], sem, add=True)
        for u in range(DEG_GRP):
            pltpu.make_async_copy(onesv, acc.at[dstv.at[0]], sem).wait()
        return carry

    lax.fori_loop(0, NCH // DEG_GRP, body, 0)
    plsc.subcore_barrier()
    pltpu.sync_copy(acc.at[pl.ds(s * RPT, RPT)],
                    out_hbm.at[c, pl.ds(s * RPT, RPT)])


def _prop_body(h_hbm, src3_hbm, dst3_hbm, zeros_hbm, out_hbm,
               srcv, dstb0, dstb1, rows0, rows1, acc,
               semg0, semg1, semd0, semd1):
    c = lax.axis_index("c")
    s = lax.axis_index("s")
    t = c * NS + s
    pltpu.sync_copy(src3_hbm.at[t], srcv)
    pltpu.sync_copy(zeros_hbm, acc.at[pl.ds(s * RPT, RPT)])
    plsc.subcore_barrier()

    def issue(j, rows, dstb, semg, semd):
        pltpu.async_copy(dst3_hbm.at[t, j], dstb, semd)
        pltpu.async_copy(h_hbm.at[srcv.at[j]], rows, semg)

    def drain(rows, dstb, semg, semd):
        pltpu.make_async_copy(dst3_hbm.at[t, 0], dstb, semd).wait()
        pltpu.make_async_copy(h_hbm.at[srcv.at[0]], rows, semg).wait()
        pltpu.sync_copy(rows, acc.at[dstb], add=True)

    issue(0, rows0, dstb0, semg0, semd0)
    issue(1, rows1, dstb1, semg1, semd1)

    def body(i, carry):
        j = 2 * i
        drain(rows0, dstb0, semg0, semd0)

        @pl.when(j + 2 < NCH)
        def _():
            issue(j + 2, rows0, dstb0, semg0, semd0)

        drain(rows1, dstb1, semg1, semd1)

        @pl.when(j + 3 < NCH)
        def _():
            issue(j + 3, rows1, dstb1, semg1, semd1)

        return carry

    lax.fori_loop(0, (NCH - 1) // 2, body, 0)
    drain(rows0, dstb0, semg0, semd0)
    plsc.subcore_barrier()
    pltpu.sync_copy(acc.at[pl.ds(s * RPT, RPT)],
                    out_hbm.at[c, pl.ds(s * RPT, RPT)])


@functools.cache
def _sc_kernels():
    mesh = plsc.VectorSubcoreMesh(
        core_axis_name="c", subcore_axis_name="s",
        num_cores=NC, num_subcores=NS)
    deg = pl.kernel(
        _deg_body,
        out_type=jax.ShapeDtypeStruct((NC, NP, D), jnp.float32),
        mesh=mesh,
        scratch_types=[
            pltpu.VMEM((NCH, K), jnp.int32),
            pltpu.VMEM((K, D), jnp.float32),
            pltpu.VMEM_SHARED((NP, D), jnp.float32),
            pltpu.SemaphoreType.DMA,
        ],
    )
    prop = pl.kernel(
        _prop_body,
        out_type=jax.ShapeDtypeStruct((NC, NP, D), jnp.float32),
        mesh=mesh,
        scratch_types=[
            pltpu.VMEM((NCH, K), jnp.int32),
            pltpu.VMEM((K,), jnp.int32),
            pltpu.VMEM((K,), jnp.int32),
            pltpu.VMEM((K, D), jnp.float32),
            pltpu.VMEM((K, D), jnp.float32),
            pltpu.VMEM_SHARED((NP, D), jnp.float32),
            pltpu.SemaphoreType.DMA,
            pltpu.SemaphoreType.DMA,
            pltpu.SemaphoreType.DMA,
            pltpu.SemaphoreType.DMA,
        ],
    )
    return deg, prop


R = 10000
G = N // R


def _dis_from(dacc_ref):
    deg = dacc_ref[0, :, 0:1] + dacc_ref[1, :, 0:1] + 1.0
    return lax.rsqrt(deg)


def _mm1_body(x_ref, w1_ref, dacc_ref, out_ref, dis8_ref):
    h = jnp.dot(x_ref[...], w1_ref[...], preferred_element_type=jnp.float32)
    dis = _dis_from(dacc_ref)
    dis8_ref[...] = jnp.broadcast_to(dis, (R, 8))
    out_ref[...] = h * dis


def _mid_body(acc_ref, h1_ref, dis8_ref, b1_ref, w2_ref, out_ref):
    dis = dis8_ref[:, 0:1]
    s1 = jnp.maximum(
        (acc_ref[0] + acc_ref[1] + h1_ref[...]) * dis + b1_ref[...], 0.0)
    h2 = jnp.dot(s1, w2_ref[...], preferred_element_type=jnp.float32)
    out_ref[...] = h2 * dis


def _head_body(acc_ref, h2_ref, dis8_ref, b2_ref, batch_ref, sv_ref,
               wg_ref, bg_ref, wf_ref, bf_ref, out_ref, pooled_acc, cnt_acc):
    i = pl.program_id(0)

    @pl.when(i == 0)
    def _():
        pooled_acc[...] = jnp.zeros_like(pooled_acc)
        cnt_acc[...] = jnp.zeros_like(cnt_acc)

    dis = dis8_ref[:, 0:1]
    s2 = jnp.maximum(
        (acc_ref[0] + acc_ref[1] + h2_ref[...]) * dis + b2_ref[...], 0.0)
    gids = lax.broadcasted_iota(jnp.int32, (B, R), 0)
    m = (batch_ref[0, 0:1, :] == gids).astype(jnp.float32)
    pooled_acc[...] += jnp.dot(m, s2, preferred_element_type=jnp.float32)
    cnt_acc[...] += jnp.sum(m, axis=1, keepdims=True)

    @pl.when(i == G - 1)
    def _():
        pooled = pooled_acc[...] / jnp.maximum(cnt_acc[...], 1.0)
        z = jnp.maximum(
            jnp.dot(pooled, wg_ref[0:D, :], preferred_element_type=jnp.float32)
            + jnp.dot(sv_ref[...], wg_ref[D:D + SV, :],
                      preferred_element_type=jnp.float32)
            + bg_ref[...], 0.0)
        out_ref[...] = jnp.tanh(
            jnp.dot(z, wf_ref[...], preferred_element_type=jnp.float32)
            + bf_ref[...])


def _full(shape):
    return pl.BlockSpec(shape, lambda i: tuple(0 for _ in shape))


def _rows(shape, dim=0):
    def idx(i):
        out = [0] * len(shape)
        out[dim] = i
        return tuple(out)
    return pl.BlockSpec(shape, idx)


def kernel(x, edge_index, batch, state_vector, W1, b1, W2, b2, Wg, bg, Wf, bf):
    src3 = edge_index[0].reshape(NT, NCH, K)
    dst3 = edge_index[1].reshape(NT, NCH, K)
    ones128 = jnp.ones((K, D), jnp.float32)
    zeros = jnp.zeros((RPT, D), jnp.float32)
    batch3 = batch.reshape(G, 1, R)
    b1r = b1.reshape(1, D)
    b2r = b2.reshape(1, D)
    bgr = bg.reshape(1, 256)
    bfr = bf.reshape(1, A)

    _deg_kernel, _prop_kernel = _sc_kernels()
    dacc = _deg_kernel(dst3, ones128, zeros)

    h1s, dis8 = pl.pallas_call(
        _mm1_body,
        grid=(G,),
        in_specs=[_rows((R, D)), _full((D, D)), _rows((NC, R, D), dim=1)],
        out_specs=[_rows((R, D)), _rows((R, 8))],
        out_shape=[jax.ShapeDtypeStruct((N, D), jnp.float32),
                   jax.ShapeDtypeStruct((N, 8), jnp.float32)],
    )(x, W1, dacc)

    acc1 = _prop_kernel(h1s, src3, dst3, zeros)

    h2s = pl.pallas_call(
        _mid_body,
        grid=(G,),
        in_specs=[_rows((NC, R, D), dim=1), _rows((R, D)),
                  _rows((R, 8)), _full((1, D)), _full((D, D))],
        out_specs=_rows((R, D)),
        out_shape=jax.ShapeDtypeStruct((N, D), jnp.float32),
    )(acc1, h1s, dis8, b1r, W2)

    acc2 = _prop_kernel(h2s, src3, dst3, zeros)

    out = pl.pallas_call(
        _head_body,
        grid=(G,),
        in_specs=[_rows((NC, R, D), dim=1), _rows((R, D)),
                  _rows((R, 8)), _full((1, D)),
                  _rows((1, 1, R), dim=0), _full((B, SV)),
                  _full((D + SV, 256)), _full((1, 256)),
                  _full((256, A)), _full((1, A))],
        out_specs=_full((B, A)),
        out_shape=jax.ShapeDtypeStruct((B, A), jnp.float32),
        scratch_shapes=[pltpu.VMEM((B, D), jnp.float32),
                        pltpu.VMEM((B, D), jnp.float32)],
    )(acc2, h2s, dis8, b2r, batch3, state_vector, Wg, bgr, Wf, bfr)

    return out

# --- scband reference (transcript-rebuilt; emitter-appended) ---
"""Pipeline reference for scband-actor-19164144075375 (READ-ONLY COPY).

The authoritative reference and input builder live on the scoring server;
editing this copy changes nothing except your own understanding.
"""

import jax, jax.numpy as jnp
import numpy as np

N = 10000
E = 320000
D = 128
H = 128
B = 16
SV = 64
A = 32
MAX_ACTION = 1.0


def setup_inputs(seed: int = 0) -> dict:
    key = jax.random.key(seed)
    ks = jax.random.split(key, 12)
    x = jax.random.normal(ks[0], (N, D), dtype=jnp.float32)
    edge_index = jax.random.randint(ks[1], (2, E), 0, N, dtype=jnp.int32)
    batch = jnp.sort(jax.random.randint(ks[2], (N,), 0, B, dtype=jnp.int32))
    state_vector = jax.random.normal(ks[3], (B, SV), dtype=jnp.float32)
    W1 = jax.random.normal(ks[4], (D, H), dtype=jnp.float32) * 0.05
    b1 = jnp.zeros((H,), dtype=jnp.float32)
    W2 = jax.random.normal(ks[5], (H, H), dtype=jnp.float32) * 0.05
    b2 = jnp.zeros((H,), dtype=jnp.float32)
    Wg = jax.random.normal(ks[6], (H + SV, 256), dtype=jnp.float32) * 0.05
    bg = jnp.zeros((256,), dtype=jnp.float32)
    Wf = jax.random.normal(ks[7], (256, A), dtype=jnp.float32) * 0.05
    bf = jnp.zeros((A,), dtype=jnp.float32)
    return {"x": x, "edge_index": edge_index, "batch": batch, "state_vector": state_vector,
            "W1": W1, "b1": b1, "W2": W2, "b2": b2, "Wg": Wg, "bg": bg, "Wf": Wf, "bf": bf}


def _gcn_conv(x, edge_index, W, b):
    src = edge_index[0]
    dst = edge_index[1]
    loop = jnp.arange(N, dtype=edge_index.dtype)
    src = jnp.concatenate([src, loop])
    dst = jnp.concatenate([dst, loop])
    deg = jnp.zeros((N,), dtype=x.dtype).at[dst].add(1.0)
    dis = jnp.where(deg > 0, 1.0 / jnp.sqrt(jnp.maximum(deg, 1e-12)), 0.0)
    norm = dis[src] * dis[dst]
    h = x @ W
    msg = h[src] * norm[:, None]
    out = jnp.zeros((N, W.shape[1]), dtype=x.dtype).at[dst].add(msg)
    return out + b


def reference(x, edge_index, batch, state_vector, W1, b1, W2, b2, Wg, bg, Wf, bf):
    h = jax.nn.relu(_gcn_conv(x, edge_index, W1, b1))
    h = jax.nn.relu(_gcn_conv(h, edge_index, W2, b2))
    sums = jax.ops.segment_sum(h, batch, num_segments=B)
    cnt = jax.ops.segment_sum(jnp.ones((N, 1), dtype=h.dtype), batch, num_segments=B)
    pooled = sums / jnp.maximum(cnt, 1.0)
    comb = jnp.concatenate([pooled, state_vector], axis=1)
    z = jax.nn.relu(comb @ Wg + bg)
    out = jnp.tanh(z @ Wf + bf)
    return out * MAX_ACTION

if __name__ == "__main__":
    import jax
    _d = setup_inputs()
    print(jax.jit(kernel)(*tuple(_d.values())))

</pallas_src>

<mosaic_0001>
#map = affine_map<(d0, d1) -> (0, 0)>
#map1 = affine_map<(d0, d1) -> (0, 0, 0)>
module attributes {stable_mosaic.version = 14 : i64} {
  func.func @_prop_body(%arg0: i32, %arg1: i32, %arg2: memref<10000x128xf32, #tpu.memory_space<hbm>>, %arg3: memref<32x125x80xi32, #tpu.memory_space<hbm>>, %arg4: memref<32x125x80xi32, #tpu.memory_space<hbm>>, %arg5: memref<640x128xf32, #tpu.memory_space<hbm>>, %arg6: memref<2x10240x128xf32, #tpu.memory_space<hbm>>, %arg7: memref<125x80xi32, #tpu.memory_space<vmem>>, %arg8: memref<80xi32, #tpu.memory_space<vmem>>, %arg9: memref<80xi32, #tpu.memory_space<vmem>>, %arg10: memref<80x128xf32, #tpu.memory_space<vmem>>, %arg11: memref<80x128xf32, #tpu.memory_space<vmem>>, %arg12: memref<10240x128xf32, #tpu.memory_space<vmem_shared>>, %arg13: memref<!tpu.dma_semaphore, #tpu.memory_space<semaphore_mem>>, %arg14: memref<!tpu.dma_semaphore, #tpu.memory_space<semaphore_mem>>, %arg15: memref<!tpu.dma_semaphore, #tpu.memory_space<semaphore_mem>>, %arg16: memref<!tpu.dma_semaphore, #tpu.memory_space<semaphore_mem>>) attributes {dimension_semantics = [#tpu.dimension_semantics<core_parallel>, #tpu.dimension_semantics<subcore_parallel>], iteration_bounds = array<i64: 2, 16>, scalar_prefetch = 0 : i64, scratch_operands = 10 : i64, tpu.core_type = #tpu.core_type<sc_vector_subcore>, window_params = [{transform_indices = #map}, {transform_indices = #map1}, {transform_indices = #map1}, {transform_indices = #map}, {transform_indices = #map1}]} {
    %mul3A = arith.constant 16 : i32
    %mul3A_0 = arith.muli %arg0, %mul3A : i32
    %add3A = arith.addi %mul3A_0, %arg1 : i32
    "tpu.region"() ({
      %run_scoped3A = tpu.sem_alloc : memref<!tpu.dma_semaphore, #tpu.memory_space<semaphore_mem>>
      %dma_start3A_53 = arith.constant 0 : i32
      %dma_start3A_54 = arith.constant 0 : i32
      %dma_start3A_55 = tpu.memref_slice %arg3[%add3A, %dma_start3A_53, %dma_start3A_54] : memref<32x125x80xi32, #tpu.memory_space<hbm>> -> memref<1x125x80xi32, #tpu.memory_space<hbm>>
      %dma_start3A_56 = tpu.memref_squeeze %dma_start3A_55 : memref<1x125x80xi32, #tpu.memory_space<hbm>> -> memref<125x80xi32, #tpu.memory_space<hbm>>
      %dma_start3A_57 = arith.constant 0 : i32
      %dma_start3A_58 = arith.constant 0 : i32
      %dma_start3A_59 = tpu.memref_slice %arg3[%add3A, %dma_start3A_57, %dma_start3A_58] : memref<32x125x80xi32, #tpu.memory_space<hbm>> -> memref<1x125x80xi32, #tpu.memory_space<hbm>>
      %dma_start3A_60 = tpu.memref_squeeze %dma_start3A_59 : memref<1x125x80xi32, #tpu.memory_space<hbm>> -> memref<125x80xi32, #tpu.memory_space<hbm>>
      tpu.enqueue_dma source(%dma_start3A_60 : memref<125x80xi32, #tpu.memory_space<hbm>>) target(%arg7 : memref<125x80xi32, #tpu.memory_space<vmem>>) target_semaphore(%run_scoped3A : memref<!tpu.dma_semaphore, #tpu.memory_space<semaphore_mem>>)
      %dma_wait3A_61 = arith.constant 0 : i32
      %dma_wait3A_62 = arith.constant 0 : i32
      %dma_wait3A_63 = tpu.memref_slice %arg3[%add3A, %dma_wait3A_61, %dma_wait3A_62] : memref<32x125x80xi32, #tpu.memory_space<hbm>> -> memref<1x125x80xi32, #tpu.memory_space<hbm>>
      %dma_wait3A_64 = tpu.memref_squeeze %dma_wait3A_63 : memref<1x125x80xi32, #tpu.memory_space<hbm>> -> memref<125x80xi32, #tpu.memory_space<hbm>>
      %dma_wait3A_65 = arith.constant 0 : i32
      %dma_wait3A_66 = arith.constant 0 : i32
      %dma_wait3A_67 = tpu.memref_slice %arg3[%add3A, %dma_wait3A_65, %dma_wait3A_66] : memref<32x125x80xi32, #tpu.memory_space<hbm>> -> memref<1x125x80xi32, #tpu.memory_space<hbm>>
      %dma_wait3A_68 = tpu.memref_squeeze %dma_wait3A_67 : memref<1x125x80xi32, #tpu.memory_space<hbm>> -> memref<125x80xi32, #tpu.memory_space<hbm>>
      tpu.wait_dma2 semaphore(%run_scoped3A : memref<!tpu.dma_semaphore, #tpu.memory_space<semaphore_mem>>) src(%dma_wait3A_68 : memref<125x80xi32, #tpu.memory_space<hbm>>) dst(%arg7 : memref<125x80xi32, #tpu.memory_space<vmem>>)
      tpu.yield
    }) : () -> ()
    %mul3A_1 = arith.constant 640 : i32
    %mul3A_2 = arith.muli %arg1, %mul3A_1 : i32
    "tpu.region"() ({
      %run_scoped3A = tpu.sem_alloc : memref<!tpu.dma_semaphore, #tpu.memory_space<semaphore_mem>>
      %dma_start3A_53 = arith.constant 0 : i32
      %dma_start3A_54 = tpu.memref_slice %arg12[%mul3A_2, %dma_start3A_53] : memref<10240x128xf32, #tpu.memory_space<vmem_shared>> -> memref<640x128xf32, #tpu.memory_space<vmem_shared>>
      tpu.enqueue_dma source(%arg5 : memref<640x128xf32, #tpu.memory_space<hbm>>) target(%dma_start3A_54 : memref<640x128xf32, #tpu.memory_space<vmem_shared>>) target_semaphore(%run_scoped3A : memref<!tpu.dma_semaphore, #tpu.memory_space<semaphore_mem>>)
      %dma_wait3A_55 = arith.constant 0 : i32
      %dma_wait3A_56 = tpu.memref_slice %arg12[%mul3A_2, %dma_wait3A_55] : memref<10240x128xf32, #tpu.memory_space<vmem_shared>> -> memref<640x128xf32, #tpu.memory_space<vmem_shared>>
      tpu.wait_dma2 semaphore(%run_scoped3A : memref<!tpu.dma_semaphore, #tpu.memory_space<semaphore_mem>>) src(%arg5 : memref<640x128xf32, #tpu.memory_space<hbm>>) dst(%dma_wait3A_56 : memref<640x128xf32, #tpu.memory_space<vmem_shared>>)
      tpu.yield
    }) : () -> ()
    %barrier3A = arith.constant 0 : index
    tpu.barrier barrier_id(%barrier3A)
    %dma_start3A = arith.constant 0 : i32
    %dma_start3A_3 = arith.constant 0 : i32
    %dma_start3A_4 = tpu.memref_slice %arg4[%add3A, %dma_start3A, %dma_start3A_3] : memref<32x125x80xi32, #tpu.memory_space<hbm>> -> memref<1x1x80xi32, #tpu.memory_space<hbm>>
    %dma_start3A_5 = tpu.memref_squeeze %dma_start3A_4 : memref<1x1x80xi32, #tpu.memory_space<hbm>> -> memref<80xi32, #tpu.memory_space<hbm>>
    %dma_start3A_6 = arith.constant 0 : i32
    %dma_start3A_7 = tpu.memref_slice %arg4[%add3A, %dma_start3A, %dma_start3A_6] : memref<32x125x80xi32, #tpu.memory_space<hbm>> -> memref<1x1x80xi32, #tpu.memory_space<hbm>>
    %dma_start3A_8 = tpu.memref_squeeze %dma_start3A_7 : memref<1x1x80xi32, #tpu.memory_space<hbm>> -> memref<80xi32, #tpu.memory_space<hbm>>
    tpu.enqueue_dma source(%dma_start3A_8 : memref<80xi32, #tpu.memory_space<hbm>>) target(%arg8 : memref<80xi32, #tpu.memory_space<vmem>>) target_semaphore(%arg15 : memref<!tpu.dma_semaphore, #tpu.memory_space<semaphore_mem>>)
    %dma_start3A_9 = arith.constant 0 : i32
    %dma_start3A_10 = arith.constant 0 : i32
    %dma_start3A_11 = tpu.memref_slice %arg7[%dma_start3A_9, %dma_start3A_10] : memref<125x80xi32, #tpu.memory_space<vmem>> -> memref<1x80xi32, #tpu.memory_space<vmem>>
    %dma_start3A_12 = tpu.memref_squeeze %dma_start3A_11 : memref<1x80xi32, #tpu.memory_space<vmem>> -> memref<80xi32, #tpu.memory_space<vmem>>
    %dma_start3A_13 = arith.constant 0 : i32
    %dma_start3A_14 = arith.constant 0 : i32
    %dma_start3A_15 = tpu.memref_slice %arg2[%dma_start3A_13, %dma_start3A_14] : memref<10000x128xf32, #tpu.memory_space<hbm>> -> memref<10000x128xf32, #tpu.memory_space<hbm>>
    tpu.enqueue_indirect_dma source(%dma_start3A_15 : memref<10000x128xf32, #tpu.memory_space<hbm>>) target(%arg10 : memref<80x128xf32, #tpu.memory_space<vmem>>) offsets(%dma_start3A_12 : memref<80xi32, #tpu.memory_space<vmem>>) semaphore(%arg13 : memref<!tpu.dma_semaphore, #tpu.memory_space<semaphore_mem>>)
    %dma_start3A_16 = arith.constant 1 : i32
    %dma_start3A_17 = arith.constant 0 : i32
    %dma_start3A_18 = tpu.memref_slice %arg4[%add3A, %dma_start3A_16, %dma_start3A_17] : memref<32x125x80xi32, #tpu.memory_space<hbm>> -> memref<1x1x80xi32, #tpu.memory_space<hbm>>
    %dma_start3A_19 = tpu.memref_squeeze %dma_start3A_18 : memref<1x1x80xi32, #tpu.memory_space<hbm>> -> memref<80xi32, #tpu.memory_space<hbm>>
    %dma_start3A_20 = arith.constant 0 : i32
    %dma_start3A_21 = tpu.memref_slice %arg4[%add3A, %dma_start3A_16, %dma_start3A_20] : memref<32x125x80xi32, #tpu.memory_space<hbm>> -> memref<1x1x80xi32, #tpu.memory_space<hbm>>
    %dma_start3A_22 = tpu.memref_squeeze %dma_start3A_21 : memref<1x1x80xi32, #tpu.memory_space<hbm>> -> memref<80xi32, #tpu.memory_space<hbm>>
    tpu.enqueue_dma source(%dma_start3A_22 : memref<80xi32, #tpu.memory_space<hbm>>) target(%arg9 : memref<80xi32, #tpu.memory_space<vmem>>) target_semaphore(%arg16 : memref<!tpu.dma_semaphore, #tpu.memory_space<semaphore_mem>>)
    %dma_start3A_23 = arith.constant 1 : i32
    %dma_start3A_24 = arith.constant 0 : i32
    %dma_start3A_25 = tpu.memref_slice %arg7[%dma_start3A_23, %dma_start3A_24] : memref<125x80xi32, #tpu.memory_space<vmem>> -> memref<1x80xi32, #tpu.memory_space<vmem>>
    %dma_start3A_26 = tpu.memref_squeeze %dma_start3A_25 : memref<1x80xi32, #tpu.memory_space<vmem>> -> memref<80xi32, #tpu.memory_space<vmem>>
    %dma_start3A_27 = arith.constant 0 : i32
    %dma_start3A_28 = arith.constant 0 : i32
    %dma_start3A_29 = tpu.memref_slice %arg2[%dma_start3A_27, %dma_start3A_28] : memref<10000x128xf32, #tpu.memory_space<hbm>> -> memref<10000x128xf32, #tpu.memory_space<hbm>>
    tpu.enqueue_indirect_dma source(%dma_start3A_29 : memref<10000x128xf32, #tpu.memory_space<hbm>>) target(%arg11 : memref<80x128xf32, #tpu.memory_space<vmem>>) offsets(%dma_start3A_26 : memref<80xi32, #tpu.memory_space<vmem>>) semaphore(%arg14 : memref<!tpu.dma_semaphore, #tpu.memory_space<semaphore_mem>>)
    %scan3A = arith.constant 0 : i32
    %scan3A_30 = arith.constant 0 : i32
    %scan3A_31 = arith.constant 62 : i32
    %scan3A_32 = arith.addi %scan3A_30, %scan3A_31 : i32
    %scan3A_33 = arith.constant 1 : i32
    scf.for %scan3A_53 = %scan3A_30 to %scan3A_32 step %scan3A_33  : i32 {
      %mul3A_54 = arith.constant 2 : i32
      %mul3A_55 = arith.muli %mul3A_54, %scan3A_53 : i32
      %dma_wait3A_56 = arith.constant 0 : i32
      %dma_wait3A_57 = arith.constant 0 : i32
      %dma_wait3A_58 = tpu.memref_slice %arg4[%add3A, %dma_wait3A_56, %dma_wait3A_57] : memref<32x125x80xi32, #tpu.memory_space<hbm>> -> memref<1x1x80xi32, #tpu.memory_space<hbm>>
      %dma_wait3A_59 = tpu.memref_squeeze %dma_wait3A_58 : memref<1x1x80xi32, #tpu.memory_space<hbm>> -> memref<80xi32, #tpu.memory_space<hbm>>
      %dma_wait3A_60 = arith.constant 0 : i32
      %dma_wait3A_61 = tpu.memref_slice %arg4[%add3A, %dma_wait3A_56, %dma_wait3A_60] : memref<32x125x80xi32, #tpu.memory_space<hbm>> -> memref<1x1x80xi32, #tpu.memory_space<hbm>>
      %dma_wait3A_62 = tpu.memref_squeeze %dma_wait3A_61 : memref<1x1x80xi32, #tpu.memory_space<hbm>> -> memref<80xi32, #tpu.memory_space<hbm>>
      tpu.wait_dma2 semaphore(%arg15 : memref<!tpu.dma_semaphore, #tpu.memory_space<semaphore_mem>>) src(%dma_wait3A_62 : memref<80xi32, #tpu.memory_space<hbm>>) dst(%arg8 : memref<80xi32, #tpu.memory_space<vmem>>)
      %dma_wait3A_63 = arith.constant 0 : i32
      %dma_wait3A_64 = arith.constant 0 : i32
      %dma_wait3A_65 = tpu.memref_slice %arg7[%dma_wait3A_63, %dma_wait3A_64] : memref<125x80xi32, #tpu.memory_space<vmem>> -> memref<1x80xi32, #tpu.memory_space<vmem>>
      %dma_wait3A_66 = tpu.memref_squeeze %dma_wait3A_65 : memref<1x80xi32, #tpu.memory_space<vmem>> -> memref<80xi32, #tpu.memory_space<vmem>>
      %dma_wait3A_67 = arith.constant 0 : i32
      %dma_wait3A_68 = arith.constant 0 : i32
      %dma_wait3A_69 = tpu.memref_slice %arg2[%dma_wait3A_67, %dma_wait3A_68] : memref<10000x128xf32, #tpu.memory_space<hbm>> -> memref<10000x128xf32, #tpu.memory_space<hbm>>
      tpu.wait_indirect_dma semaphore(%arg13 : memref<!tpu.dma_semaphore, #tpu.memory_space<semaphore_mem>>) src(%dma_wait3A_69 : memref<10000x128xf32, #tpu.memory_space<hbm>>) dst(%arg10 : memref<80x128xf32, #tpu.memory_space<vmem>>)
      "tpu.region"() ({
        %run_scoped3A = tpu.sem_alloc : memref<!tpu.dma_semaphore, #tpu.memory_space<semaphore_mem>>
        %dma_start3A_95 = arith.constant 0 : i32
        %dma_start3A_96 = arith.constant 0 : i32
        %dma_start3A_97 = tpu.memref_slice %arg12[%dma_start3A_95, %dma_start3A_96] : memref<10240x128xf32, #tpu.memory_space<vmem_shared>> -> memref<10240x128xf32, #tpu.memory_space<vmem_shared>>
        tpu.enqueue_indirect_dma source(%arg10 : memref<80x128xf32, #tpu.memory_space<vmem>>) target(%dma_start3A_97 : memref<10240x128xf32, #tpu.memory_space<vmem_shared>>) offsets(%arg8 : memref<80xi32, #tpu.memory_space<vmem>>) semaphore(%run_scoped3A : memref<!tpu.dma_semaphore, #tpu.memory_space<semaphore_mem>>) {add = true}
        %dma_wait3A_98 = arith.constant 0 : i32
        %dma_wait3A_99 = arith.constant 0 : i32
        %dma_wait3A_100 = tpu.memref_slice %arg12[%dma_wait3A_98, %dma_wait3A_99] : memref<10240x128xf32, #tpu.memory_space<vmem_shared>> -> memref<10240x128xf32, #tpu.memory_space<vmem_shared>>
        tpu.wait_indirect_dma semaphore(%run_scoped3A : memref<!tpu.dma_semaphore, #tpu.memory_space<semaphore_mem>>) src(%arg10 : memref<80x128xf32, #tpu.memory_space<vmem>>) dst(%dma_wait3A_100 : memref<10240x128xf32, #tpu.memory_space<vmem_shared>>)
        tpu.yield
      }) : () -> ()
      %add3A_70 = arith.constant 2 : i32
      %add3A_71 = arith.addi %mul3A_55, %add3A_70 : i32
      %lt3A = arith.constant 125 : i32
      %lt3A_72 = arith.cmpi slt, %add3A_71, %lt3A : i32
      %convert_element_type3A = arith.extui %lt3A_72 : i1 to i32
      %cond3A = arith.constant 0 : i32
      %cond3A_73 = arith.cmpi ne, %convert_element_type3A, %cond3A : i32
      scf.if %cond3A_73 {
        %add3A_95 = arith.constant 2 : i32
        %add3A_96 = arith.addi %mul3A_55, %add3A_95 : i32
        %dma_start3A_97 = arith.constant 0 : i32
        %dma_start3A_98 = tpu.memref_slice %arg4[%add3A, %add3A_96, %dma_start3A_97] : memref<32x125x80xi32, #tpu.memory_space<hbm>> -> memref<1x1x80xi32, #tpu.memory_space<hbm>>
        %dma_start3A_99 = tpu.memref_squeeze %dma_start3A_98 : memref<1x1x80xi32, #tpu.memory_space<hbm>> -> memref<80xi32, #tpu.memory_space<hbm>>
        %dma_start3A_100 = arith.constant 0 : i32
        %dma_start3A_101 = tpu.memref_slice %arg4[%add3A, %add3A_96, %dma_start3A_100] : memref<32x125x80xi32, #tpu.memory_space<hbm>> -> memref<1x1x80xi32, #tpu.memory_space<hbm>>
        %dma_start3A_102 = tpu.memref_squeeze %dma_start3A_101 : memref<1x1x80xi32, #tpu.memory_space<hbm>> -> memref<80xi32, #tpu.memory_space<hbm>>
        tpu.enqueue_dma source(%dma_start3A_102 : memref<80xi32, #tpu.memory_space<hbm>>) target(%arg8 : memref<80xi32, #tpu.memory_space<vmem>>) target_semaphore(%arg15 : memref<!tpu.dma_semaphore, #tpu.memory_space<semaphore_mem>>)
        %dma_start3A_103 = arith.constant 0 : i32
        %dma_start3A_104 = tpu.memref_slice %arg7[%add3A_96, %dma_start3A_103] : memref<125x80xi32, #tpu.memory_space<vmem>> -> memref<1x80xi32, #tpu.memory_space<vmem>>
        %dma_start3A_105 = tpu.memref_squeeze %dma_start3A_104 : memref<1x80xi32, #tpu.memory_space<vmem>> -> memref<80xi32, #tpu.memory_space<vmem>>
        %dma_start3A_106 = arith.constant 0 : i32
        %dma_start3A_107 = arith.constant 0 : i32
        %dma_start3A_108 = tpu.memref_slice %arg2[%dma_start3A_106, %dma_start3A_107] : memref<10000x128xf32, #tpu.memory_space<hbm>> -> memref<10000x128xf32, #tpu.memory_space<hbm>>
        tpu.enqueue_indirect_dma source(%dma_start3A_108 : memref<10000x128xf32, #tpu.memory_space<hbm>>) target(%arg10 : memref<80x128xf32, #tpu.memory_space<vmem>>) offsets(%dma_start3A_105 : memref<80xi32, #tpu.memory_space<vmem>>) semaphore(%arg13 : memref<!tpu.dma_semaphore, #tpu.memory_space<semaphore_mem>>)
      } else {
      }
      %dma_wait3A_74 = arith.constant 0 : i32
      %dma_wait3A_75 = arith.constant 0 : i32
      %dma_wait3A_76 = tpu.memref_slice %arg4[%add3A, %dma_wait3A_74, %dma_wait3A_75] : memref<32x125x80xi32, #tpu.memory_space<hbm>> -> memref<1x1x80xi32, #tpu.memory_space<hbm>>
      %dma_wait3A_77 = tpu.memref_squeeze %dma_wait3A_76 : memref<1x1x80xi32, #tpu.memory_space<hbm>> -> memref<80xi32, #tpu.memory_space<hbm>>
      %dma_wait3A_78 = arith.constant 0 : i32
      %dma_wait3A_79 = tpu.memref_slice %arg4[%add3A, %dma_wait3A_74, %dma_wait3A_78] : memref<32x125x80xi32, #tpu.memory_space<hbm>> -> memref<1x1x80xi32, #tpu.memory_space<hbm>>
      %dma_wait3A_80 = tpu.memref_squeeze %dma_wait3A_79 : memref<1x1x80xi32, #tpu.memory_space<hbm>> -> memref<80xi32, #tpu.memory_space<hbm>>
      tpu.wait_dma2 semaphore(%arg16 : memref<!tpu.dma_semaphore, #tpu.memory_space<semaphore_mem>>) src(%dma_wait3A_80 : memref<80xi32, #tpu.memory_space<hbm>>) dst(%arg9 : memref<80xi32, #tpu.memory_space<vmem>>)
      %dma_wait3A_81 = arith.constant 0 : i32
      %dma_wait3A_82 = arith.constant 0 : i32
      %dma_wait3A_83 = tpu.memref_slice %arg7[%dma_wait3A_81, %dma_wait3A_82] : memref<125x80xi32, #tpu.memory_space<vmem>> -> memref<1x80xi32, #tpu.memory_space<vmem>>
      %dma_wait3A_84 = tpu.memref_squeeze %dma_wait3A_83 : memref<1x80xi32, #tpu.memory_space<vmem>> -> memref<80xi32, #tpu.memory_space<vmem>>
      %dma_wait3A_85 = arith.constant 0 : i32
      %dma_wait3A_86 = arith.constant 0 : i32
      %dma_wait3A_87 = tpu.memref_slice %arg2[%dma_wait3A_85, %dma_wait3A_86] : memref<10000x128xf32, #tpu.memory_space<hbm>> -> memref<10000x128xf32, #tpu.memory_space<hbm>>
      tpu.wait_indirect_dma semaphore(%arg14 : memref<!tpu.dma_semaphore, #tpu.memory_space<semaphore_mem>>) src(%dma_wait3A_87 : memref<10000x128xf32, #tpu.memory_space<hbm>>) dst(%arg11 : memref<80x128xf32, #tpu.memory_space<vmem>>)
      "tpu.region"() ({
        %run_scoped3A = tpu.sem_alloc : memref<!tpu.dma_semaphore, #tpu.memory_space<semaphore_mem>>
        %dma_start3A_95 = arith.constant 0 : i32
        %dma_start3A_96 = arith.constant 0 : i32
        %dma_start3A_97 = tpu.memref_slice %arg12[%dma_start3A_95, %dma_start3A_96] : memref<10240x128xf32, #tpu.memory_space<vmem_shared>> -> memref<10240x128xf32, #tpu.memory_space<vmem_shared>>
        tpu.enqueue_indirect_dma source(%arg11 : memref<80x128xf32, #tpu.memory_space<vmem>>) target(%dma_start3A_97 : memref<10240x128xf32, #tpu.memory_space<vmem_shared>>) offsets(%arg9 : memref<80xi32, #tpu.memory_space<vmem>>) semaphore(%run_scoped3A : memref<!tpu.dma_semaphore, #tpu.memory_space<semaphore_mem>>) {add = true}
        %dma_wait3A_98 = arith.constant 0 : i32
        %dma_wait3A_99 = arith.constant 0 : i32
        %dma_wait3A_100 = tpu.memref_slice %arg12[%dma_wait3A_98, %dma_wait3A_99] : memref<10240x128xf32, #tpu.memory_space<vmem_shared>> -> memref<10240x128xf32, #tpu.memory_space<vmem_shared>>
        tpu.wait_indirect_dma semaphore(%run_scoped3A : memref<!tpu.dma_semaphore, #tpu.memory_space<semaphore_mem>>) src(%arg11 : memref<80x128xf32, #tpu.memory_space<vmem>>) dst(%dma_wait3A_100 : memref<10240x128xf32, #tpu.memory_space<vmem_shared>>)
        tpu.yield
      }) : () -> ()
      %add3A_88 = arith.constant 3 : i32
      %add3A_89 = arith.addi %mul3A_55, %add3A_88 : i32
      %lt3A_90 = arith.constant 125 : i32
      %lt3A_91 = arith.cmpi slt, %add3A_89, %lt3A_90 : i32
      %convert_element_type3A_92 = arith.extui %lt3A_91 : i1 to i32
      %cond3A_93 = arith.constant 0 : i32
      %cond3A_94 = arith.cmpi ne, %convert_element_type3A_92, %cond3A_93 : i32
      scf.if %cond3A_94 {
        %add3A_95 = arith.constant 3 : i32
        %add3A_96 = arith.addi %mul3A_55, %add3A_95 : i32
        %dma_start3A_97 = arith.constant 0 : i32
        %dma_start3A_98 = tpu.memref_slice %arg4[%add3A, %add3A_96, %dma_start3A_97] : memref<32x125x80xi32, #tpu.memory_space<hbm>> -> memref<1x1x80xi32, #tpu.memory_space<hbm>>
        %dma_start3A_99 = tpu.memref_squeeze %dma_start3A_98 : memref<1x1x80xi32, #tpu.memory_space<hbm>> -> memref<80xi32, #tpu.memory_space<hbm>>
        %dma_start3A_100 = arith.constant 0 : i32
        %dma_start3A_101 = tpu.memref_slice %arg4[%add3A, %add3A_96, %dma_start3A_100] : memref<32x125x80xi32, #tpu.memory_space<hbm>> -> memref<1x1x80xi32, #tpu.memory_space<hbm>>
        %dma_start3A_102 = tpu.memref_squeeze %dma_start3A_101 : memref<1x1x80xi32, #tpu.memory_space<hbm>> -> memref<80xi32, #tpu.memory_space<hbm>>
        tpu.enqueue_dma source(%dma_start3A_102 : memref<80xi32, #tpu.memory_space<hbm>>) target(%arg9 : memref<80xi32, #tpu.memory_space<vmem>>) target_semaphore(%arg16 : memref<!tpu.dma_semaphore, #tpu.memory_space<semaphore_mem>>)
        %dma_start3A_103 = arith.constant 0 : i32
        %dma_start3A_104 = tpu.memref_slice %arg7[%add3A_96, %dma_start3A_103] : memref<125x80xi32, #tpu.memory_space<vmem>> -> memref<1x80xi32, #tpu.memory_space<vmem>>
        %dma_start3A_105 = tpu.memref_squeeze %dma_start3A_104 : memref<1x80xi32, #tpu.memory_space<vmem>> -> memref<80xi32, #tpu.memory_space<vmem>>
        %dma_start3A_106 = arith.constant 0 : i32
        %dma_start3A_107 = arith.constant 0 : i32
        %dma_start3A_108 = tpu.memref_slice %arg2[%dma_start3A_106, %dma_start3A_107] : memref<10000x128xf32, #tpu.memory_space<hbm>> -> memref<10000x128xf32, #tpu.memory_space<hbm>>
        tpu.enqueue_indirect_dma source(%dma_start3A_108 : memref<10000x128xf32, #tpu.memory_space<hbm>>) target(%arg11 : memref<80x128xf32, #tpu.memory_space<vmem>>) offsets(%dma_start3A_105 : memref<80xi32, #tpu.memory_space<vmem>>) semaphore(%arg14 : memref<!tpu.dma_semaphore, #tpu.memory_space<semaphore_mem>>)
      } else {
      }
    }
    %scan3A_34 = arith.constant 62 : i32
    %dma_wait3A = arith.constant 0 : i32
    %dma_wait3A_35 = arith.constant 0 : i32
    %dma_wait3A_36 = tpu.memref_slice %arg4[%add3A, %dma_wait3A, %dma_wait3A_35] : memref<32x125x80xi32, #tpu.memory_space<hbm>> -> memref<1x1x80xi32, #tpu.memory_space<hbm>>
    %dma_wait3A_37 = tpu.memref_squeeze %dma_wait3A_36 : memref<1x1x80xi32, #tpu.memory_space<hbm>> -> memref<80xi32, #tpu.memory_space<hbm>>
    %dma_wait3A_38 = arith.constant 0 : i32
    %dma_wait3A_39 = tpu.memref_slice %arg4[%add3A, %dma_wait3A, %dma_wait3A_38] : memref<32x125x80xi32, #tpu.memory_space<hbm>> -> memref<1x1x80xi32, #tpu.memory_space<hbm>>
    %dma_wait3A_40 = tpu.memref_squeeze %dma_wait3A_39 : memref<1x1x80xi32, #tpu.memory_space<hbm>> -> memref<80xi32, #tpu.memory_space<hbm>>
    tpu.wait_dma2 semaphore(%arg15 : memref<!tpu.dma_semaphore, #tpu.memory_space<semaphore_mem>>) src(%dma_wait3A_40 : memref<80xi32, #tpu.memory_space<hbm>>) dst(%arg8 : memref<80xi32, #tpu.memory_space<vmem>>)
    %dma_wait3A_41 = arith.constant 0 : i32
    %dma_wait3A_42 = arith.constant 0 : i32
    %dma_wait3A_43 = tpu.memref_slice %arg7[%dma_wait3A_41, %dma_wait3A_42] : memref<125x80xi32, #tpu.memory_space<vmem>> -> memref<1x80xi32, #tpu.memory_space<vmem>>
    %dma_wait3A_44 = tpu.memref_squeeze %dma_wait3A_43 : memref<1x80xi32, #tpu.memory_space<vmem>> -> memref<80xi32, #tpu.memory_space<vmem>>
    %dma_wait3A_45 = arith.constant 0 : i32
    %dma_wait3A_46 = arith.constant 0 : i32
    %dma_wait3A_47 = tpu.memref_slice %arg2[%dma_wait3A_45, %dma_wait3A_46] : memref<10000x128xf32, #tpu.memory_space<hbm>> -> memref<10000x128xf32, #tpu.memory_space<hbm>>
    tpu.wait_indirect_dma semaphore(%arg13 : memref<!tpu.dma_semaphore, #tpu.memory_space<semaphore_mem>>) src(%dma_wait3A_47 : memref<10000x128xf32, #tpu.memory_space<hbm>>) dst(%arg10 : memref<80x128xf32, #tpu.memory_space<vmem>>)
    "tpu.region"() ({
      %run_scoped3A = tpu.sem_alloc : memref<!tpu.dma_semaphore, #tpu.memory_space<semaphore_mem>>
      %dma_start3A_53 = arith.constant 0 : i32
      %dma_start3A_54 = arith.constant 0 : i32
      %dma_start3A_55 = tpu.memref_slice %arg12[%dma_start3A_53, %dma_start3A_54] : memref<10240x128xf32, #tpu.memory_space<vmem_shared>> -> memref<10240x128xf32, #tpu.memory_space<vmem_shared>>
      tpu.enqueue_indirect_dma source(%arg10 : memref<80x128xf32, #tpu.memory_space<vmem>>) target(%dma_start3A_55 : memref<10240x128xf32, #tpu.memory_space<vmem_shared>>) offsets(%arg8 : memref<80xi32, #tpu.memory_space<vmem>>) semaphore(%run_scoped3A : memref<!tpu.dma_semaphore, #tpu.memory_space<semaphore_mem>>) {add = true}
      %dma_wait3A_56 = arith.constant 0 : i32
      %dma_wait3A_57 = arith.constant 0 : i32
      %dma_wait3A_58 = tpu.memref_slice %arg12[%dma_wait3A_56, %dma_wait3A_57] : memref<10240x128xf32, #tpu.memory_space<vmem_shared>> -> memref<10240x128xf32, #tpu.memory_space<vmem_shared>>
      tpu.wait_indirect_dma semaphore(%run_scoped3A : memref<!tpu.dma_semaphore, #tpu.memory_space<semaphore_mem>>) src(%arg10 : memref<80x128xf32, #tpu.memory_space<vmem>>) dst(%dma_wait3A_58 : memref<10240x128xf32, #tpu.memory_space<vmem_shared>>)
      tpu.yield
    }) : () -> ()
    %barrier3A_48 = arith.constant 0 : index
    tpu.barrier barrier_id(%barrier3A_48)
    %mul3A_49 = arith.constant 640 : i32
    %mul3A_50 = arith.muli %arg1, %mul3A_49 : i32
    %mul3A_51 = arith.constant 640 : i32
    %mul3A_52 = arith.muli %arg1, %mul3A_51 : i32
    "tpu.region"() ({
      %run_scoped3A = tpu.sem_alloc : memref<!tpu.dma_semaphore, #tpu.memory_space<semaphore_mem>>
      %dma_start3A_53 = arith.constant 0 : i32
      %dma_start3A_54 = tpu.memref_slice %arg6[%arg0, %mul3A_52, %dma_start3A_53] : memref<2x10240x128xf32, #tpu.memory_space<hbm>> -> memref<1x640x128xf32, #tpu.memory_space<hbm>>
      %dma_start3A_55 = tpu.memref_squeeze %dma_start3A_54 : memref<1x640x128xf32, #tpu.memory_space<hbm>> -> memref<640x128xf32, #tpu.memory_space<hbm>>
      %dma_start3A_56 = arith.constant 0 : i32
      %dma_start3A_57 = tpu.memref_slice %arg12[%mul3A_50, %dma_start3A_56] : memref<10240x128xf32, #tpu.memory_space<vmem_shared>> -> memref<640x128xf32, #tpu.memory_space<vmem_shared>>
      tpu.enqueue_dma source(%dma_start3A_57 : memref<640x128xf32, #tpu.memory_space<vmem_shared>>) target(%dma_start3A_55 : memref<640x128xf32, #tpu.memory_space<hbm>>) target_semaphore(%run_scoped3A : memref<!tpu.dma_semaphore, #tpu.memory_space<semaphore_mem>>)
      %dma_wait3A_58 = arith.constant 0 : i32
      %dma_wait3A_59 = tpu.memref_slice %arg6[%arg0, %mul3A_52, %dma_wait3A_58] : memref<2x10240x128xf32, #tpu.memory_space<hbm>> -> memref<1x640x128xf32, #tpu.memory_space<hbm>>
      %dma_wait3A_60 = tpu.memref_squeeze %dma_wait3A_59 : memref<1x640x128xf32, #tpu.memory_space<hbm>> -> memref<640x128xf32, #tpu.memory_space<hbm>>
      %dma_wait3A_61 = arith.constant 0 : i32
      %dma_wait3A_62 = tpu.memref_slice %arg12[%mul3A_50, %dma_wait3A_61] : memref<10240x128xf32, #tpu.memory_space<vmem_shared>> -> memref<640x128xf32, #tpu.memory_space<vmem_shared>>
      tpu.wait_dma2 semaphore(%run_scoped3A : memref<!tpu.dma_semaphore, #tpu.memory_space<semaphore_mem>>) src(%dma_wait3A_62 : memref<640x128xf32, #tpu.memory_space<vmem_shared>>) dst(%dma_wait3A_60 : memref<640x128xf32, #tpu.memory_space<hbm>>)
      tpu.yield
    }) : () -> ()
    return
  }
}

#map = affine_map<(d0, d1) -> (0, 0, 0)>
#map1 = affine_map<(d0, d1) -> (0, 0)>
module attributes {stable_mosaic.version = 14 : i64} {
  func.func @_deg_body(%arg0: i32, %arg1: i32, %arg2: memref<32x125x80xi32, #tpu.memory_space<hbm>>, %arg3: memref<80x128xf32, #tpu.memory_space<hbm>>, %arg4: memref<640x128xf32, #tpu.memory_space<hbm>>, %arg5: memref<2x10240x128xf32, #tpu.memory_space<hbm>>, %arg6: memref<125x80xi32, #tpu.memory_space<vmem>>, %arg7: memref<80x128xf32, #tpu.memory_space<vmem>>, %arg8: memref<10240x128xf32, #tpu.memory_space<vmem_shared>>, %arg9: memref<!tpu.dma_semaphore, #tpu.memory_space<semaphore_mem>>) attributes {dimension_semantics = [#tpu.dimension_semantics<core_parallel>, #tpu.dimension_semantics<subcore_parallel>], iteration_bounds = array<i64: 2, 16>, scalar_prefetch = 0 : i64, scratch_operands = 4 : i64, tpu.core_type = #tpu.core_type<sc_vector_subcore>, window_params = [{transform_indices = #map}, {transform_indices = #map1}, {transform_indices = #map1}, {transform_indices = #map}]} {
    %mul3A = arith.constant 16 : i32
    %mul3A_0 = arith.muli %arg0, %mul3A : i32
    %add3A = arith.addi %mul3A_0, %arg1 : i32
    "tpu.region"() ({
      %run_scoped3A = tpu.sem_alloc : memref<!tpu.dma_semaphore, #tpu.memory_space<semaphore_mem>>
      %dma_start3A = arith.constant 0 : i32
      %dma_start3A_13 = arith.constant 0 : i32
      %dma_start3A_14 = tpu.memref_slice %arg2[%add3A, %dma_start3A, %dma_start3A_13] : memref<32x125x80xi32, #tpu.memory_space<hbm>> -> memref<1x125x80xi32, #tpu.memory_space<hbm>>
      %dma_start3A_15 = tpu.memref_squeeze %dma_start3A_14 : memref<1x125x80xi32, #tpu.memory_space<hbm>> -> memref<125x80xi32, #tpu.memory_space<hbm>>
      %dma_start3A_16 = arith.constant 0 : i32
      %dma_start3A_17 = arith.constant 0 : i32
      %dma_start3A_18 = tpu.memref_slice %arg2[%add3A, %dma_start3A_16, %dma_start3A_17] : memref<32x125x80xi32, #tpu.memory_space<hbm>> -> memref<1x125x80xi32, #tpu.memory_space<hbm>>
      %dma_start3A_19 = tpu.memref_squeeze %dma_start3A_18 : memref<1x125x80xi32, #tpu.memory_space<hbm>> -> memref<125x80xi32, #tpu.memory_space<hbm>>
      tpu.enqueue_dma source(%dma_start3A_19 : memref<125x80xi32, #tpu.memory_space<hbm>>) target(%arg6 : memref<125x80xi32, #tpu.memory_space<vmem>>) target_semaphore(%run_scoped3A : memref<!tpu.dma_semaphore, #tpu.memory_space<semaphore_mem>>)
      %dma_wait3A = arith.constant 0 : i32
      %dma_wait3A_20 = arith.constant 0 : i32
      %dma_wait3A_21 = tpu.memref_slice %arg2[%add3A, %dma_wait3A, %dma_wait3A_20] : memref<32x125x80xi32, #tpu.memory_space<hbm>> -> memref<1x125x80xi32, #tpu.memory_space<hbm>>
      %dma_wait3A_22 = tpu.memref_squeeze %dma_wait3A_21 : memref<1x125x80xi32, #tpu.memory_space<hbm>> -> memref<125x80xi32, #tpu.memory_space<hbm>>
      %dma_wait3A_23 = arith.constant 0 : i32
      %dma_wait3A_24 = arith.constant 0 : i32
      %dma_wait3A_25 = tpu.memref_slice %arg2[%add3A, %dma_wait3A_23, %dma_wait3A_24] : memref<32x125x80xi32, #tpu.memory_space<hbm>> -> memref<1x125x80xi32, #tpu.memory_space<hbm>>
      %dma_wait3A_26 = tpu.memref_squeeze %dma_wait3A_25 : memref<1x125x80xi32, #tpu.memory_space<hbm>> -> memref<125x80xi32, #tpu.memory_space<hbm>>
      tpu.wait_dma2 semaphore(%run_scoped3A : memref<!tpu.dma_semaphore, #tpu.memory_space<semaphore_mem>>) src(%dma_wait3A_26 : memref<125x80xi32, #tpu.memory_space<hbm>>) dst(%arg6 : memref<125x80xi32, #tpu.memory_space<vmem>>)
      tpu.yield
    }) : () -> ()
    "tpu.region"() ({
      %run_scoped3A = tpu.sem_alloc : memref<!tpu.dma_semaphore, #tpu.memory_space<semaphore_mem>>
      tpu.enqueue_dma source(%arg3 : memref<80x128xf32, #tpu.memory_space<hbm>>) target(%arg7 : memref<80x128xf32, #tpu.memory_space<vmem>>) target_semaphore(%run_scoped3A : memref<!tpu.dma_semaphore, #tpu.memory_space<semaphore_mem>>)
      tpu.wait_dma2 semaphore(%run_scoped3A : memref<!tpu.dma_semaphore, #tpu.memory_space<semaphore_mem>>) src(%arg3 : memref<80x128xf32, #tpu.memory_space<hbm>>) dst(%arg7 : memref<80x128xf32, #tpu.memory_space<vmem>>)
      tpu.yield
    }) : () -> ()
    %mul3A_1 = arith.constant 640 : i32
    %mul3A_2 = arith.muli %arg1, %mul3A_1 : i32
    "tpu.region"() ({
      %run_scoped3A = tpu.sem_alloc : memref<!tpu.dma_semaphore, #tpu.memory_space<semaphore_mem>>
      %dma_start3A = arith.constant 0 : i32
      %dma_start3A_13 = tpu.memref_slice %arg8[%mul3A_2, %dma_start3A] : memref<10240x128xf32, #tpu.memory_space<vmem_shared>> -> memref<640x128xf32, #tpu.memory_space<vmem_shared>>
      tpu.enqueue_dma source(%arg4 : memref<640x128xf32, #tpu.memory_space<hbm>>) target(%dma_start3A_13 : memref<640x128xf32, #tpu.memory_space<vmem_shared>>) target_semaphore(%run_scoped3A : memref<!tpu.dma_semaphore, #tpu.memory_space<semaphore_mem>>)
      %dma_wait3A = arith.constant 0 : i32
      %dma_wait3A_14 = tpu.memref_slice %arg8[%mul3A_2, %dma_wait3A] : memref<10240x128xf32, #tpu.memory_space<vmem_shared>> -> memref<640x128xf32, #tpu.memory_space<vmem_shared>>
      tpu.wait_dma2 semaphore(%run_scoped3A : memref<!tpu.dma_semaphore, #tpu.memory_space<semaphore_mem>>) src(%arg4 : memref<640x128xf32, #tpu.memory_space<hbm>>) dst(%dma_wait3A_14 : memref<640x128xf32, #tpu.memory_space<vmem_shared>>)
      tpu.yield
    }) : () -> ()
    %barrier3A = arith.constant 0 : index
    tpu.barrier barrier_id(%barrier3A)
    %scan3A = arith.constant 0 : i32
    %scan3A_3 = arith.constant 0 : i32
    %scan3A_4 = arith.constant 5 : i32
    %scan3A_5 = arith.addi %scan3A_3, %scan3A_4 : i32
    %scan3A_6 = arith.constant 1 : i32
    scf.for %scan3A_13 = %scan3A_3 to %scan3A_5 step %scan3A_6  : i32 {
      %mul3A_14 = arith.constant 25 : i32
      %mul3A_15 = arith.muli %scan3A_13, %mul3A_14 : i32
      %add3A_16 = arith.constant 0 : i32
      %add3A_17 = arith.addi %mul3A_15, %add3A_16 : i32
      %dma_start3A = arith.constant 0 : i32
      %dma_start3A_18 = tpu.memref_slice %arg6[%add3A_17, %dma_start3A] : memref<125x80xi32, #tpu.memory_space<vmem>> -> memref<1x80xi32, #tpu.memory_space<vmem>>
      %dma_start3A_19 = tpu.memref_squeeze %dma_start3A_18 : memref<1x80xi32, #tpu.memory_space<vmem>> -> memref<80xi32, #tpu.memory_space<vmem>>
      %dma_start3A_20 = arith.constant 0 : i32
      %dma_start3A_21 = arith.constant 0 : i32
      %dma_start3A_22 = tpu.memref_slice %arg8[%dma_start3A_20, %dma_start3A_21] : memref<10240x128xf32, #tpu.memory_space<vmem_shared>> -> memref<10240x128xf32, #tpu.memory_space<vmem_shared>>
      tpu.enqueue_indirect_dma source(%arg7 : memref<80x128xf32, #tpu.memory_space<vmem>>) target(%dma_start3A_22 : memref<10240x128xf32, #tpu.memory_space<vmem_shared>>) offsets(%dma_start3A_19 : memref<80xi32, #tpu.memory_space<vmem>>) semaphore(%arg9 : memref<!tpu.dma_semaphore, #tpu.memory_space<semaphore_mem>>) {add = true}
      %add3A_23 = arith.constant 1 : i32
      %add3A_24 = arith.addi %mul3A_15, %add3A_23 : i32
      %dma_start3A_25 = arith.constant 0 : i32
      %dma_start3A_26 = tpu.memref_slice %arg6[%add3A_24, %dma_start3A_25] : memref<125x80xi32, #tpu.memory_space<vmem>> -> memref<1x80xi32, #tpu.memory_space<vmem>>
      %dma_start3A_27 = tpu.memref_squeeze %dma_start3A_26 : memref<1x80xi32, #tpu.memory_space<vmem>> -> memref<80xi32, #tpu.memory_space<vmem>>
      %dma_start3A_28 = arith.constant 0 : i32
      %dma_start3A_29 = arith.constant 0 : i32
      %dma_start3A_30 = tpu.memref_slice %arg8[%dma_start3A_28, %dma_start3A_29] : memref<10240x128xf32, #tpu.memory_space<vmem_shared>> -> memref<10240x128xf32, #tpu.memory_space<vmem_shared>>
      tpu.enqueue_indirect_dma source(%arg7 : memref<80x128xf32, #tpu.memory_space<vmem>>) target(%dma_start3A_30 : memref<10240x128xf32, #tpu.memory_space<vmem_shared>>) offsets(%dma_start3A_27 : memref<80xi32, #tpu.memory_space<vmem>>) semaphore(%arg9 : memref<!tpu.dma_semaphore, #tpu.memory_space<semaphore_mem>>) {add = true}
      %add3A_31 = arith.constant 2 : i32
      %add3A_32 = arith.addi %mul3A_15, %add3A_31 : i32
      %dma_start3A_33 = arith.constant 0 : i32
      %dma_start3A_34 = tpu.memref_slice %arg6[%add3A_32, %dma_start3A_33] : memref<125x80xi32, #tpu.memory_space<vmem>> -> memref<1x80xi32, #tpu.memory_space<vmem>>
      %dma_start3A_35 = tpu.memref_squeeze %dma_start3A_34 : memref<1x80xi32, #tpu.memory_space<vmem>> -> memref<80xi32, #tpu.memory_space<vmem>>
      %dma_start3A_36 = arith.constant 0 : i32
      %dma_start3A_37 = arith.constant 0 : i32
      %dma_start3A_38 = tpu.memref_slice %arg8[%dma_start3A_36, %dma_start3A_37] : memref<10240x128xf32, #tpu.memory_space<vmem_shared>> -> memref<10240x128xf32, #tpu.memory_space<vmem_shared>>
      tpu.enqueue_indirect_dma source(%arg7 : memref<80x128xf32, #tpu.memory_space<vmem>>) target(%dma_start3A_38 : memref<10240x128xf32, #tpu.memory_space<vmem_shared>>) offsets(%dma_start3A_35 : memref<80xi32, #tpu.memory_space<vmem>>) semaphore(%arg9 : memref<!tpu.dma_semaphore, #tpu.memory_space<semaphore_mem>>) {add = true}
      %add3A_39 = arith.constant 3 : i32
      %add3A_40 = arith.addi %mul3A_15, %add3A_39 : i32
      %dma_start3A_41 = arith.constant 0 : i32
      %dma_start3A_42 = tpu.memref_slice %arg6[%add3A_40, %dma_start3A_41] : memref<125x80xi32, #tpu.memory_space<vmem>> -> memref<1x80xi32, #tpu.memory_space<vmem>>
      %dma_start3A_43 = tpu.memref_squeeze %dma_start3A_42 : memref<1x80xi32, #tpu.memory_space<vmem>> -> memref<80xi32, #tpu.memory_space<vmem>>
      %dma_start3A_44 = arith.constant 0 : i32
      %dma_start3A_45 = arith.constant 0 : i32
      %dma_start3A_46 = tpu.memref_slice %arg8[%dma_start3A_44, %dma_start3A_45] : memref<10240x128xf32, #tpu.memory_space<vmem_shared>> -> memref<10240x128xf32, #tpu.memory_space<vmem_shared>>
      tpu.enqueue_indirect_dma source(%arg7 : memref<80x128xf32, #tpu.memory_space<vmem>>) target(%dma_start3A_46 : memref<10240x128xf32, #tpu.memory_space<vmem_shared>>) offsets(%dma_start3A_43 : memref<80xi32, #tpu.memory_space<vmem>>) semaphore(%arg9 : memref<!tpu.dma_semaphore, #tpu.memory_space<semaphore_mem>>) {add = true}
      %add3A_47 = arith.constant 4 : i32
      %add3A_48 = arith.addi %mul3A_15, %add3A_47 : i32
      %dma_start3A_49 = arith.constant 0 : i32
      %dma_start3A_50 = tpu.memref_slice %arg6[%add3A_48, %dma_start3A_49] : memref<125x80xi32, #tpu.memory_space<vmem>> -> memref<1x80xi32, #tpu.memory_space<vmem>>
      %dma_start3A_51 = tpu.memref_squeeze %dma_start3A_50 : memref<1x80xi32, #tpu.memory_space<vmem>> -> memref<80xi32, #tpu.memory_space<vmem>>
      %dma_start3A_52 = arith.constant 0 : i32
      %dma_start3A_53 = arith.constant 0 : i32
      %dma_start3A_54 = tpu.memref_slice %arg8[%dma_start3A_52, %dma_start3A_53] : memref<10240x128xf32, #tpu.memory_space<vmem_shared>> -> memref<10240x128xf32, #tpu.memory_space<vmem_shared>>
      tpu.enqueue_indirect_dma source(%arg7 : memref<80x128xf32, #tpu.memory_space<vmem>>) target(%dma_start3A_54 : memref<10240x128xf32, #tpu.memory_space<vmem_shared>>) offsets(%dma_start3A_51 : memref<80xi32, #tpu.memory_space<vmem>>) semaphore(%arg9 : memref<!tpu.dma_semaphore, #tpu.memory_space<semaphore_mem>>) {add = true}
      %add3A_55 = arith.constant 5 : i32
      %add3A_56 = arith.addi %mul3A_15, %add3A_55 : i32
      %dma_start3A_57 = arith.constant 0 : i32
      %dma_start3A_58 = tpu.memref_slice %arg6[%add3A_56, %dma_start3A_57] : memref<125x80xi32, #tpu.memory_space<vmem>> -> memref<1x80xi32, #tpu.memory_space<vmem>>
      %dma_start3A_59 = tpu.memref_squeeze %dma_start3A_58 : memref<1x80xi32, #tpu.memory_space<vmem>> -> memref<80xi32, #tpu.memory_space<vmem>>
      %dma_start3A_60 = arith.constant 0 : i32
      %dma_start3A_61 = arith.constant 0 : i32
      %dma_start3A_62 = tpu.memref_slice %arg8[%dma_start3A_60, %dma_start3A_61] : memref<10240x128xf32, #tpu.memory_space<vmem_shared>> -> memref<10240x128xf32, #tpu.memory_space<vmem_shared>>
      tpu.enqueue_indirect_dma source(%arg7 : memref<80x128xf32, #tpu.memory_space<vmem>>) target(%dma_start3A_62 : memref<10240x128xf32, #tpu.memory_space<vmem_shared>>) offsets(%dma_start3A_59 : memref<80xi32, #tpu.memory_space<vmem>>) semaphore(%arg9 : memref<!tpu.dma_semaphore, #tpu.memory_space<semaphore_mem>>) {add = true}
      %add3A_63 = arith.constant 6 : i32
      %add3A_64 = arith.addi %mul3A_15, %add3A_63 : i32
      %dma_start3A_65 = arith.constant 0 : i32
      %dma_start3A_66 = tpu.memref_slice %arg6[%add3A_64, %dma_start3A_65] : memref<125x80xi32, #tpu.memory_space<vmem>> -> memref<1x80xi32, #tpu.memory_space<vmem>>
      %dma_start3A_67 = tpu.memref_squeeze %dma_start3A_66 : memref<1x80xi32, #tpu.memory_space<vmem>> -> memref<80xi32, #tpu.memory_space<vmem>>
      %dma_start3A_68 = arith.constant 0 : i32
      %dma_start3A_69 = arith.constant 0 : i32
      %dma_start3A_70 = tpu.memref_slice %arg8[%dma_start3A_68, %dma_start3A_69] : memref<10240x128xf32, #tpu.memory_space<vmem_shared>> -> memref<10240x128xf32, #tpu.memory_space<vmem_shared>>
      tpu.enqueue_indirect_dma source(%arg7 : memref<80x128xf32, #tpu.memory_space<vmem>>) target(%dma_start3A_70 : memref<10240x128xf32, #tpu.memory_space<vmem_shared>>) offsets(%dma_start3A_67 : memref<80xi32, #tpu.memory_space<vmem>>) semaphore(%arg9 : memref<!tpu.dma_semaphore, #tpu.memory_space<semaphore_mem>>) {add = true}
      %add3A_71 = arith.constant 7 : i32
      %add3A_72 = arith.addi %mul3A_15, %add3A_71 : i32
      %dma_start3A_73 = arith.constant 0 : i32
      %dma_start3A_74 = tpu.memref_slice %arg6[%add3A_72, %dma_start3A_73] : memref<125x80xi32, #tpu.memory_space<vmem>> -> memref<1x80xi32, #tpu.memory_space<vmem>>
      %dma_start3A_75 = tpu.memref_squeeze %dma_start3A_74 : memref<1x80xi32, #tpu.memory_space<vmem>> -> memref<80xi32, #tpu.memory_space<vmem>>
      %dma_start3A_76 = arith.constant 0 : i32
      %dma_start3A_77 = arith.constant 0 : i32
      %dma_start3A_78 = tpu.memref_slice %arg8[%dma_start3A_76, %dma_start3A_77] : memref<10240x128xf32, #tpu.memory_space<vmem_shared>> -> memref<10240x128xf32, #tpu.memory_space<vmem_shared>>
      tpu.enqueue_indirect_dma source(%arg7 : memref<80x128xf32, #tpu.memory_space<vmem>>) target(%dma_start3A_78 : memref<10240x128xf32, #tpu.memory_space<vmem_shared>>) offsets(%dma_start3A_75 : memref<80xi32, #tpu.memory_space<vmem>>) semaphore(%arg9 : memref<!tpu.dma_semaphore, #tpu.memory_space<semaphore_mem>>) {add = true}
      %add3A_79 = arith.constant 8 : i32
      %add3A_80 = arith.addi %mul3A_15, %add3A_79 : i32
      %dma_start3A_81 = arith.constant 0 : i32
      %dma_start3A_82 = tpu.memref_slice %arg6[%add3A_80, %dma_start3A_81] : memref<125x80xi32, #tpu.memory_space<vmem>> -> memref<1x80xi32, #tpu.memory_space<vmem>>
      %dma_start3A_83 = tpu.memref_squeeze %dma_start3A_82 : memref<1x80xi32, #tpu.memory_space<vmem>> -> memref<80xi32, #tpu.memory_space<vmem>>
      %dma_start3A_84 = arith.constant 0 : i32
      %dma_start3A_85 = arith.constant 0 : i32
      %dma_start3A_86 = tpu.memref_slice %arg8[%dma_start3A_84, %dma_start3A_85] : memref<10240x128xf32, #tpu.memory_space<vmem_shared>> -> memref<10240x128xf32, #tpu.memory_space<vmem_shared>>
      tpu.enqueue_indirect_dma source(%arg7 : memref<80x128xf32, #tpu.memory_space<vmem>>) target(%dma_start3A_86 : memref<10240x128xf32, #tpu.memory_space<vmem_shared>>) offsets(%dma_start3A_83 : memref<80xi32, #tpu.memory_space<vmem>>) semaphore(%arg9 : memref<!tpu.dma_semaphore, #tpu.memory_space<semaphore_mem>>) {add = true}
      %add3A_87 = arith.constant 9 : i32
      %add3A_88 = arith.addi %mul3A_15, %add3A_87 : i32
      %dma_start3A_89 = arith.constant 0 : i32
      %dma_start3A_90 = tpu.memref_slice %arg6[%add3A_88, %dma_start3A_89] : memref<125x80xi32, #tpu.memory_space<vmem>> -> memref<1x80xi32, #tpu.memory_space<vmem>>
      %dma_start3A_91 = tpu.memref_squeeze %dma_start3A_90 : memref<1x80xi32, #tpu.memory_space<vmem>> -> memref<80xi32, #tpu.memory_space<vmem>>
      %dma_start3A_92 = arith.constant 0 : i32
      %dma_start3A_93 = arith.constant 0 : i32
      %dma_start3A_94 = tpu.memref_slice %arg8[%dma_start3A_92, %dma_start3A_93] : memref<10240x128xf32, #tpu.memory_space<vmem_shared>> -> memref<10240x128xf32, #tpu.memory_space<vmem_shared>>
      tpu.enqueue_indirect_dma source(%arg7 : memref<80x128xf32, #tpu.memory_space<vmem>>) target(%dma_start3A_94 : memref<10240x128xf32, #tpu.memory_space<vmem_shared>>) offsets(%dma_start3A_91 : memref<80xi32, #tpu.memory_space<vmem>>) semaphore(%arg9 : memref<!tpu.dma_semaphore, #tpu.memory_space<semaphore_mem>>) {add = true}
      %add3A_95 = arith.constant 10 : i32
      %add3A_96 = arith.addi %mul3A_15, %add3A_95 : i32
      %dma_start3A_97 = arith.constant 0 : i32
      %dma_start3A_98 = tpu.memref_slice %arg6[%add3A_96, %dma_start3A_97] : memref<125x80xi32, #tpu.memory_space<vmem>> -> memref<1x80xi32, #tpu.memory_space<vmem>>
      %dma_start3A_99 = tpu.memref_squeeze %dma_start3A_98 : memref<1x80xi32, #tpu.memory_space<vmem>> -> memref<80xi32, #tpu.memory_space<vmem>>
      %dma_start3A_100 = arith.constant 0 : i32
      %dma_start3A_101 = arith.constant 0 : i32
      %dma_start3A_102 = tpu.memref_slice %arg8[%dma_start3A_100, %dma_start3A_101] : memref<10240x128xf32, #tpu.memory_space<vmem_shared>> -> memref<10240x128xf32, #tpu.memory_space<vmem_shared>>
      tpu.enqueue_indirect_dma source(%arg7 : memref<80x128xf32, #tpu.memory_space<vmem>>) target(%dma_start3A_102 : memref<10240x128xf32, #tpu.memory_space<vmem_shared>>) offsets(%dma_start3A_99 : memref<80xi32, #tpu.memory_space<vmem>>) semaphore(%arg9 : memref<!tpu.dma_semaphore, #tpu.memory_space<semaphore_mem>>) {add = true}
      %add3A_103 = arith.constant 11 : i32
      %add3A_104 = arith.addi %mul3A_15, %add3A_103 : i32
      %dma_start3A_105 = arith.constant 0 : i32
      %dma_start3A_106 = tpu.memref_slice %arg6[%add3A_104, %dma_start3A_105] : memref<125x80xi32, #tpu.memory_space<vmem>> -> memref<1x80xi32, #tpu.memory_space<vmem>>
      %dma_start3A_107 = tpu.memref_squeeze %dma_start3A_106 : memref<1x80xi32, #tpu.memory_space<vmem>> -> memref<80xi32, #tpu.memory_space<vmem>>
      %dma_start3A_108 = arith.constant 0 : i32
      %dma_start3A_109 = arith.constant 0 : i32
      %dma_start3A_110 = tpu.memref_slice %arg8[%dma_start3A_108, %dma_start3A_109] : memref<10240x128xf32, #tpu.memory_space<vmem_shared>> -> memref<10240x128xf32, #tpu.memory_space<vmem_shared>>
      tpu.enqueue_indirect_dma source(%arg7 : memref<80x128xf32, #tpu.memory_space<vmem>>) target(%dma_start3A_110 : memref<10240x128xf32, #tpu.memory_space<vmem_shared>>) offsets(%dma_start3A_107 : memref<80xi32, #tpu.memory_space<vmem>>) semaphore(%arg9 : memref<!tpu.dma_semaphore, #tpu.memory_space<semaphore_mem>>) {add = true}
      %add3A_111 = arith.constant 12 : i32
      %add3A_112 = arith.addi %mul3A_15, %add3A_111 : i32
      %dma_start3A_113 = arith.constant 0 : i32
      %dma_start3A_114 = tpu.memref_slice %arg6[%add3A_112, %dma_start3A_113] : memref<125x80xi32, #tpu.memory_space<vmem>> -> memref<1x80xi32, #tpu.memory_space<vmem>>
      %dma_start3A_115 = tpu.memref_squeeze %dma_start3A_114 : memref<1x80xi32, #tpu.memory_space<vmem>> -> memref<80xi32, #tpu.memory_space<vmem>>
      %dma_start3A_116 = arith.constant 0 : i32
      %dma_start3A_117 = arith.constant 0 : i32
      %dma_start3A_118 = tpu.memref_slice %arg8[%dma_start3A_116, %dma_start3A_117] : memref<10240x128xf32, #tpu.memory_space<vmem_shared>> -> memref<10240x128xf32, #tpu.memory_space<vmem_shared>>
      tpu.enqueue_indirect_dma source(%arg7 : memref<80x128xf32, #tpu.memory_space<vmem>>) target(%dma_start3A_118 : memref<10240x128xf32, #tpu.memory_space<vmem_shared>>) offsets(%dma_start3A_115 : memref<80xi32, #tpu.memory_space<vmem>>) semaphore(%arg9 : memref<!tpu.dma_semaphore, #tpu.memory_space<semaphore_mem>>) {add = true}
      %add3A_119 = arith.constant 13 : i32
      %add3A_120 = arith.addi %mul3A_15, %add3A_119 : i32
      %dma_start3A_121 = arith.constant 0 : i32
      %dma_start3A_122 = tpu.memref_slice %arg6[%add3A_120, %dma_start3A_121] : memref<125x80xi32, #tpu.memory_space<vmem>> -> memref<1x80xi32, #tpu.memory_space<vmem>>
      %dma_start3A_123 = tpu.memref_squeeze %dma_start3A_122 : memref<1x80xi32, #tpu.memory_space<vmem>> -> memref<80xi32, #tpu.memory_space<vmem>>
      %dma_start3A_124 = arith.constant 0 : i32
      %dma_start3A_125 = arith.constant 0 : i32
      %dma_start3A_126 = tpu.memref_slice %arg8[%dma_start3A_124, %dma_start3A_125] : memref<10240x128xf32, #tpu.memory_space<vmem_shared>> -> memref<10240x128xf32, #tpu.memory_space<vmem_shared>>
      tpu.enqueue_indirect_dma source(%arg7 : memref<80x128xf32, #tpu.memory_space<vmem>>) target(%dma_start3A_126 : memref<10240x128xf32, #tpu.memory_space<vmem_shared>>) offsets(%dma_start3A_123 : memref<80xi32, #tpu.memory_space<vmem>>) semaphore(%arg9 : memref<!tpu.dma_semaphore, #tpu.memory_space<semaphore_mem>>) {add = true}
      %add3A_127 = arith.constant 14 : i32
      %add3A_128 = arith.addi %mul3A_15, %add3A_127 : i32
      %dma_start3A_129 = arith.constant 0 : i32
      %dma_start3A_130 = tpu.memref_slice %arg6[%add3A_128, %dma_start3A_129] : memref<125x80xi32, #tpu.memory_space<vmem>> -> memref<1x80xi32, #tpu.memory_space<vmem>>
      %dma_start3A_131 = tpu.memref_squeeze %dma_start3A_130 : memref<1x80xi32, #tpu.memory_space<vmem>> -> memref<80xi32, #tpu.memory_space<vmem>>
      %dma_start3A_132 = arith.constant 0 : i32
      %dma_start3A_133 = arith.constant 0 : i32
      %dma_start3A_134 = tpu.memref_slice %arg8[%dma_start3A_132, %dma_start3A_133] : memref<10240x128xf32, #tpu.memory_space<vmem_shared>> -> memref<10240x128xf32, #tpu.memory_space<vmem_shared>>
      tpu.enqueue_indirect_dma source(%arg7 : memref<80x128xf32, #tpu.memory_space<vmem>>) target(%dma_start3A_134 : memref<10240x128xf32, #tpu.memory_space<vmem_shared>>) offsets(%dma_start3A_131 : memref<80xi32, #tpu.memory_space<vmem>>) semaphore(%arg9 : memref<!tpu.dma_semaphore, #tpu.memory_space<semaphore_mem>>) {add = true}
      %add3A_135 = arith.constant 15 : i32
      %add3A_136 = arith.addi %mul3A_15, %add3A_135 : i32
      %dma_start3A_137 = arith.constant 0 : i32
      %dma_start3A_138 = tpu.memref_slice %arg6[%add3A_136, %dma_start3A_137] : memref<125x80xi32, #tpu.memory_space<vmem>> -> memref<1x80xi32, #tpu.memory_space<vmem>>
      %dma_start3A_139 = tpu.memref_squeeze %dma_start3A_138 : memref<1x80xi32, #tpu.memory_space<vmem>> -> memref<80xi32, #tpu.memory_space<vmem>>
      %dma_start3A_140 = arith.constant 0 : i32
      %dma_start3A_141 = arith.constant 0 : i32
      %dma_start3A_142 = tpu.memref_slice %arg8[%dma_start3A_140, %dma_start3A_141] : memref<10240x128xf32, #tpu.memory_space<vmem_shared>> -> memref<10240x128xf32, #tpu.memory_space<vmem_shared>>
      tpu.enqueue_indirect_dma source(%arg7 : memref<80x128xf32, #tpu.memory_space<vmem>>) target(%dma_start3A_142 : memref<10240x128xf32, #tpu.memory_space<vmem_shared>>) offsets(%dma_start3A_139 : memref<80xi32, #tpu.memory_space<vmem>>) semaphore(%arg9 : memref<!tpu.dma_semaphore, #tpu.memory_space<semaphore_mem>>) {add = true}
      %add3A_143 = arith.constant 16 : i32
      %add3A_144 = arith.addi %mul3A_15, %add3A_143 : i32
      %dma_start3A_145 = arith.constant 0 : i32
      %dma_start3A_146 = tpu.memref_slice %arg6[%add3A_144, %dma_start3A_145] : memref<125x80xi32, #tpu.memory_space<vmem>> -> memref<1x80xi32, #tpu.memory_space<vmem>>
      %dma_start3A_147 = tpu.memref_squeeze %dma_start3A_146 : memref<1x80xi32, #tpu.memory_space<vmem>> -> memref<80xi32, #tpu.memory_space<vmem>>
      %dma_start3A_148 = arith.constant 0 : i32
      %dma_start3A_149 = arith.constant 0 : i32
      %dma_start3A_150 = tpu.memref_slice %arg8[%dma_start3A_148, %dma_start3A_149] : memref<10240x128xf32, #tpu.memory_space<vmem_shared>> -> memref<10240x128xf32, #tpu.memory_space<vmem_shared>>
      tpu.enqueue_indirect_dma source(%arg7 : memref<80x128xf32, #tpu.memory_space<vmem>>) target(%dma_start3A_150 : memref<10240x128xf32, #tpu.memory_space<vmem_shared>>) offsets(%dma_start3A_147 : memref<80xi32, #tpu.memory_space<vmem>>) semaphore(%arg9 : memref<!tpu.dma_semaphore, #tpu.memory_space<semaphore_mem>>) {add = true}
      %add3A_151 = arith.constant 17 : i32
      %add3A_152 = arith.addi %mul3A_15, %add3A_151 : i32
      %dma_start3A_153 = arith.constant 0 : i32
      %dma_start3A_154 = tpu.memref_slice %arg6[%add3A_152, %dma_start3A_153] : memref<125x80xi32, #tpu.memory_space<vmem>> -> memref<1x80xi32, #tpu.memory_space<vmem>>
      %dma_start3A_155 = tpu.memref_squeeze %dma_start3A_154 : memref<1x80xi32, #tpu.memory_space<vmem>> -> memref<80xi32, #tpu.memory_space<vmem>>
      %dma_start3A_156 = arith.constant 0 : i32
      %dma_start3A_157 = arith.constant 0 : i32
      %dma_start3A_158 = tpu.memref_slice %arg8[%dma_start3A_156, %dma_start3A_157] : memref<10240x128xf32, #tpu.memory_space<vmem_shared>> -> memref<10240x128xf32, #tpu.memory_space<vmem_shared>>
      tpu.enqueue_indirect_dma source(%arg7 : memref<80x128xf32, #tpu.memory_space<vmem>>) target(%dma_start3A_158 : memref<10240x128xf32, #tpu.memory_space<vmem_shared>>) offsets(%dma_start3A_155 : memref<80xi32, #tpu.memory_space<vmem>>) semaphore(%arg9 : memref<!tpu.dma_semaphore, #tpu.memory_space<semaphore_mem>>) {add = true}
      %add3A_159 = arith.constant 18 : i32
      %add3A_160 = arith.addi %mul3A_15, %add3A_159 : i32
      %dma_start3A_161 = arith.constant 0 : i32
      %dma_start3A_162 = tpu.memref_slice %arg6[%add3A_160, %dma_start3A_161] : memref<125x80xi32, #tpu.memory_space<vmem>> -> memref<1x80xi32, #tpu.memory_space<vmem>>
      %dma_start3A_163 = tpu.memref_squeeze %dma_start3A_162 : memref<1x80xi32, #tpu.memory_space<vmem>> -> memref<80xi32, #tpu.memory_space<vmem>>
      %dma_start3A_164 = arith.constant 0 : i32
      %dma_start3A_165 = arith.constant 0 : i32
      %dma_start3A_166 = tpu.memref_slice %arg8[%dma_start3A_164, %dma_start3A_165] : memref<10240x128xf32, #tpu.memory_space<vmem_shared>> -> memref<10240x128xf32, #tpu.memory_space<vmem_shared>>
      tpu.enqueue_indirect_dma source(%arg7 : memref<80x128xf32, #tpu.memory_space<vmem>>) target(%dma_start3A_166 : memref<10240x128xf32, #tpu.memory_space<vmem_shared>>) offsets(%dma_start3A_163 : memref<80xi32, #tpu.memory_space<vmem>>) semaphore(%arg9 : memref<!tpu.dma_semaphore, #tpu.memory_space<semaphore_mem>>) {add = true}
      %add3A_167 = arith.constant 19 : i32
      %add3A_168 = arith.addi %mul3A_15, %add3A_167 : i32
      %dma_start3A_169 = arith.constant 0 : i32
      %dma_start3A_170 = tpu.memref_slice %arg6[%add3A_168, %dma_start3A_169] : memref<125x80xi32, #tpu.memory_space<vmem>> -> memref<1x80xi32, #tpu.memory_space<vmem>>
      %dma_start3A_171 = tpu.memref_squeeze %dma_start3A_170 : memref<1x80xi32, #tpu.memory_space<vmem>> -> memref<80xi32, #tpu.memory_space<vmem>>
      %dma_start3A_172 = arith.constant 0 : i32
      %dma_start3A_173 = arith.constant 0 : i32
      %dma_start3A_174 = tpu.memref_slice %arg8[%dma_start3A_172, %dma_start3A_173] : memref<10240x128xf32, #tpu.memory_space<vmem_shared>> -> memref<10240x128xf32, #tpu.memory_space<vmem_shared>>
      tpu.enqueue_indirect_dma source(%arg7 : memref<80x128xf32, #tpu.memory_space<vmem>>) target(%dma_start3A_174 : memref<10240x128xf32, #tpu.memory_space<vmem_shared>>) offsets(%dma_start3A_171 : memref<80xi32, #tpu.memory_space<vmem>>) semaphore(%arg9 : memref<!tpu.dma_semaphore, #tpu.memory_space<semaphore_mem>>) {add = true}
      %add3A_175 = arith.constant 20 : i32
      %add3A_176 = arith.addi %mul3A_15, %add3A_175 : i32
      %dma_start3A_177 = arith.constant 0 : i32
      %dma_start3A_178 = tpu.memref_slice %arg6[%add3A_176, %dma_start3A_177] : memref<125x80xi32, #tpu.memory_space<vmem>> -> memref<1x80xi32, #tpu.memory_space<vmem>>
      %dma_start3A_179 = tpu.memref_squeeze %dma_start3A_178 : memref<1x80xi32, #tpu.memory_space<vmem>> -> memref<80xi32, #tpu.memory_space<vmem>>
      %dma_start3A_180 = arith.constant 0 : i32
      %dma_start3A_181 = arith.constant 0 : i32
      %dma_start3A_182 = tpu.memref_slice %arg8[%dma_start3A_180, %dma_start3A_181] : memref<10240x128xf32, #tpu.memory_space<vmem_shared>> -> memref<10240x128xf32, #tpu.memory_space<vmem_shared>>
      tpu.enqueue_indirect_dma source(%arg7 : memref<80x128xf32, #tpu.memory_space<vmem>>) target(%dma_start3A_182 : memref<10240x128xf32, #tpu.memory_space<vmem_shared>>) offsets(%dma_start3A_179 : memref<80xi32, #tpu.memory_space<vmem>>) semaphore(%arg9 : memref<!tpu.dma_semaphore, #tpu.memory_space<semaphore_mem>>) {add = true}
      %add3A_183 = arith.constant 21 : i32
      %add3A_184 = arith.addi %mul3A_15, %add3A_183 : i32
      %dma_start3A_185 = arith.constant 0 : i32
      %dma_start3A_186 = tpu.memref_slice %arg6[%add3A_184, %dma_start3A_185] : memref<125x80xi32, #tpu.memory_space<vmem>> -> memref<1x80xi32, #tpu.memory_space<vmem>>
      %dma_start3A_187 = tpu.memref_squeeze %dma_start3A_186 : memref<1x80xi32, #tpu.memory_space<vmem>> -> memref<80xi32, #tpu.memory_space<vmem>>
      %dma_start3A_188 = arith.constant 0 : i32
      %dma_start3A_189 = arith.constant 0 : i32
      %dma_start3A_190 = tpu.memref_slice %arg8[%dma_start3A_188, %dma_start3A_189] : memref<10240x128xf32, #tpu.memory_space<vmem_shared>> -> memref<10240x128xf32, #tpu.memory_space<vmem_shared>>
      tpu.enqueue_indirect_dma source(%arg7 : memref<80x128xf32, #tpu.memory_space<vmem>>) target(%dma_start3A_190 : memref<10240x128xf32, #tpu.memory_space<vmem_shared>>) offsets(%dma_start3A_187 : memref<80xi32, #tpu.memory_space<vmem>>) semaphore(%arg9 : memref<!tpu.dma_semaphore, #tpu.memory_space<semaphore_mem>>) {add = true}
      %add3A_191 = arith.constant 22 : i32
      %add3A_192 = arith.addi %mul3A_15, %add3A_191 : i32
      %dma_start3A_193 = arith.constant 0 : i32
      %dma_start3A_194 = tpu.memref_slice %arg6[%add3A_192, %dma_start3A_193] : memref<125x80xi32, #tpu.memory_space<vmem>> -> memref<1x80xi32, #tpu.memory_space<vmem>>
      %dma_start3A_195 = tpu.memref_squeeze %dma_start3A_194 : memref<1x80xi32, #tpu.memory_space<vmem>> -> memref<80xi32, #tpu.memory_space<vmem>>
      %dma_start3A_196 = arith.constant 0 : i32
      %dma_start3A_197 = arith.constant 0 : i32
      %dma_start3A_198 = tpu.memref_slice %arg8[%dma_start3A_196, %dma_start3A_197] : memref<10240x128xf32, #tpu.memory_space<vmem_shared>> -> memref<10240x128xf32, #tpu.memory_space<vmem_shared>>
      tpu.enqueue_indirect_dma source(%arg7 : memref<80x128xf32, #tpu.memory_space<vmem>>) target(%dma_start3A_198 : memref<10240x128xf32, #tpu.memory_space<vmem_shared>>) offsets(%dma_start3A_195 : memref<80xi32, #tpu.memory_space<vmem>>) semaphore(%arg9 : memref<!tpu.dma_semaphore, #tpu.memory_space<semaphore_mem>>) {add = true}
      %add3A_199 = arith.constant 23 : i32
      %add3A_200 = arith.addi %mul3A_15, %add3A_199 : i32
      %dma_start3A_201 = arith.constant 0 : i32
      %dma_start3A_202 = tpu.memref_slice %arg6[%add3A_200, %dma_start3A_201] : memref<125x80xi32, #tpu.memory_space<vmem>> -> memref<1x80xi32, #tpu.memory_space<vmem>>
      %dma_start3A_203 = tpu.memref_squeeze %dma_start3A_202 : memref<1x80xi32, #tpu.memory_space<vmem>> -> memref<80xi32, #tpu.memory_space<vmem>>
      %dma_start3A_204 = arith.constant 0 : i32
      %dma_start3A_205 = arith.constant 0 : i32
      %dma_start3A_206 = tpu.memref_slice %arg8[%dma_start3A_204, %dma_start3A_205] : memref<10240x128xf32, #tpu.memory_space<vmem_shared>> -> memref<10240x128xf32, #tpu.memory_space<vmem_shared>>
      tpu.enqueue_indirect_dma source(%arg7 : memref<80x128xf32, #tpu.memory_space<vmem>>) target(%dma_start3A_206 : memref<10240x128xf32, #tpu.memory_space<vmem_shared>>) offsets(%dma_start3A_203 : memref<80xi32, #tpu.memory_space<vmem>>) semaphore(%arg9 : memref<!tpu.dma_semaphore, #tpu.memory_space<semaphore_mem>>) {add = true}
      %add3A_207 = arith.constant 24 : i32
      %add3A_208 = arith.addi %mul3A_15, %add3A_207 : i32
      %dma_start3A_209 = arith.constant 0 : i32
      %dma_start3A_210 = tpu.memref_slice %arg6[%add3A_208, %dma_start3A_209] : memref<125x80xi32, #tpu.memory_space<vmem>> -> memref<1x80xi32, #tpu.memory_space<vmem>>
      %dma_start3A_211 = tpu.memref_squeeze %dma_start3A_210 : memref<1x80xi32, #tpu.memory_space<vmem>> -> memref<80xi32, #tpu.memory_space<vmem>>
      %dma_start3A_212 = arith.constant 0 : i32
      %dma_start3A_213 = arith.constant 0 : i32
      %dma_start3A_214 = tpu.memref_slice %arg8[%dma_start3A_212, %dma_start3A_213] : memref<10240x128xf32, #tpu.memory_space<vmem_shared>> -> memref<10240x128xf32, #tpu.memory_space<vmem_shared>>
      tpu.enqueue_indirect_dma source(%arg7 : memref<80x128xf32, #tpu.memory_space<vmem>>) target(%dma_start3A_214 : memref<10240x128xf32, #tpu.memory_space<vmem_shared>>) offsets(%dma_start3A_211 : memref<80xi32, #tpu.memory_space<vmem>>) semaphore(%arg9 : memref<!tpu.dma_semaphore, #tpu.memory_space<semaphore_mem>>) {add = true}
      %dma_wait3A = arith.constant 0 : i32
      %dma_wait3A_215 = arith.constant 0 : i32
      %dma_wait3A_216 = tpu.memref_slice %arg6[%dma_wait3A, %dma_wait3A_215] : memref<125x80xi32, #tpu.memory_space<vmem>> -> memref<1x80xi32, #tpu.memory_space<vmem>>
      %dma_wait3A_217 = tpu.memref_squeeze %dma_wait3A_216 : memref<1x80xi32, #tpu.memory_space<vmem>> -> memref<80xi32, #tpu.memory_space<vmem>>
      %dma_wait3A_218 = arith.constant 0 : i32
      %dma_wait3A_219 = arith.constant 0 : i32
      %dma_wait3A_220 = tpu.memref_slice %arg8[%dma_wait3A_218, %dma_wait3A_219] : memref<10240x128xf32, #tpu.memory_space<vmem_shared>> -> memref<10240x128xf32, #tpu.memory_space<vmem_shared>>
      tpu.wait_indirect_dma semaphore(%arg9 : memref<!tpu.dma_semaphore, #tpu.memory_space<semaphore_mem>>) src(%arg7 : memref<80x128xf32, #tpu.memory_space<vmem>>) dst(%dma_wait3A_220 : memref<10240x128xf32, #tpu.memory_space<vmem_shared>>)
      %dma_wait3A_221 = arith.constant 0 : i32
      %dma_wait3A_222 = arith.constant 0 : i32
      %dma_wait3A_223 = tpu.memref_slice %arg6[%dma_wait3A_221, %dma_wait3A_222] : memref<125x80xi32, #tpu.memory_space<vmem>> -> memref<1x80xi32, #tpu.memory_space<vmem>>
      %dma_wait3A_224 = tpu.memref_squeeze %dma_wait3A_223 : memref<1x80xi32, #tpu.memory_space<vmem>> -> memref<80xi32, #tpu.memory_space<vmem>>
      %dma_wait3A_225 = arith.constant 0 : i32
      %dma_wait3A_226 = arith.constant 0 : i32
      %dma_wait3A_227 = tpu.memref_slice %arg8[%dma_wait3A_225, %dma_wait3A_226] : memref<10240x128xf32, #tpu.memory_space<vmem_shared>> -> memref<10240x128xf32, #tpu.memory_space<vmem_shared>>
      tpu.wait_indirect_dma semaphore(%arg9 : memref<!tpu.dma_semaphore, #tpu.memory_space<semaphore_mem>>) src(%arg7 : memref<80x128xf32, #tpu.memory_space<vmem>>) dst(%dma_wait3A_227 : memref<10240x128xf32, #tpu.memory_space<vmem_shared>>)
      %dma_wait3A_228 = arith.constant 0 : i32
      %dma_wait3A_229 = arith.constant 0 : i32
      %dma_wait3A_230 = tpu.memref_slice %arg6[%dma_wait3A_228, %dma_wait3A_229] : memref<125x80xi32, #tpu.memory_space<vmem>> -> memref<1x80xi32, #tpu.memory_space<vmem>>
      %dma_wait3A_231 = tpu.memref_squeeze %dma_wait3A_230 : memref<1x80xi32, #tpu.memory_space<vmem>> -> memref<80xi32, #tpu.memory_space<vmem>>
      %dma_wait3A_232 = arith.constant 0 : i32
      %dma_wait3A_233 = arith.constant 0 : i32
      %dma_wait3A_234 = tpu.memref_slice %arg8[%dma_wait3A_232, %dma_wait3A_233] : memref<10240x128xf32, #tpu.memory_space<vmem_shared>> -> memref<10240x128xf32, #tpu.memory_space<vmem_shared>>
      tpu.wait_indirect_dma semaphore(%arg9 : memref<!tpu.dma_semaphore, #tpu.memory_space<semaphore_mem>>) src(%arg7 : memref<80x128xf32, #tpu.memory_space<vmem>>) dst(%dma_wait3A_234 : memref<10240x128xf32, #tpu.memory_space<vmem_shared>>)
      %dma_wait3A_235 = arith.constant 0 : i32
      %dma_wait3A_236 = arith.constant 0 : i32
      %dma_wait3A_237 = tpu.memref_slice %arg6[%dma_wait3A_235, %dma_wait3A_236] : memref<125x80xi32, #tpu.memory_space<vmem>> -> memref<1x80xi32, #tpu.memory_space<vmem>>
      %dma_wait3A_238 = tpu.memref_squeeze %dma_wait3A_237 : memref<1x80xi32, #tpu.memory_space<vmem>> -> memref<80xi32, #tpu.memory_space<vmem>>
      %dma_wait3A_239 = arith.constant 0 : i32
      %dma_wait3A_240 = arith.constant 0 : i32
      %dma_wait3A_241 = tpu.memref_slice %arg8[%dma_wait3A_239, %dma_wait3A_240] : memref<10240x128xf32, #tpu.memory_space<vmem_shared>> -> memref<10240x128xf32, #tpu.memory_space<vmem_shared>>
      tpu.wait_indirect_dma semaphore(%arg9 : memref<!tpu.dma_semaphore, #tpu.memory_space<semaphore_mem>>) src(%arg7 : memref<80x128xf32, #tpu.memory_space<vmem>>) dst(%dma_wait3A_241 : memref<10240x128xf32, #tpu.memory_space<vmem_shared>>)
      %dma_wait3A_242 = arith.constant 0 : i32
      %dma_wait3A_243 = arith.constant 0 : i32
      %dma_wait3A_244 = tpu.memref_slice %arg6[%dma_wait3A_242, %dma_wait3A_243] : memref<125x80xi32, #tpu.memory_space<vmem>> -> memref<1x80xi32, #tpu.memory_space<vmem>>
      %dma_wait3A_245 = tpu.memref_squeeze %dma_wait3A_244 : memref<1x80xi32, #tpu.memory_space<vmem>> -> memref<80xi32, #tpu.memory_space<vmem>>
      %dma_wait3A_246 = arith.constant 0 : i32
      %dma_wait3A_247 = arith.constant 0 : i32
      %dma_wait3A_248 = tpu.memref_slice %arg8[%dma_wait3A_246, %dma_wait3A_247] : memref<10240x128xf32, #tpu.memory_space<vmem_shared>> -> memref<10240x128xf32, #tpu.memory_space<vmem_shared>>
      tpu.wait_indirect_dma semaphore(%arg9 : memref<!tpu.dma_semaphore, #tpu.memory_space<semaphore_mem>>) src(%arg7 : memref<80x128xf32, #tpu.memory_space<vmem>>) dst(%dma_wait3A_248 : memref<10240x128xf32, #tpu.memory_space<vmem_shared>>)
      %dma_wait3A_249 = arith.constant 0 : i32
      %dma_wait3A_250 = arith.constant 0 : i32
      %dma_wait3A_251 = tpu.memref_slice %arg6[%dma_wait3A_249, %dma_wait3A_250] : memref<125x80xi32, #tpu.memory_space<vmem>> -> memref<1x80xi32, #tpu.memory_space<vmem>>
      %dma_wait3A_252 = tpu.memref_squeeze %dma_wait3A_251 : memref<1x80xi32, #tpu.memory_space<vmem>> -> memref<80xi32, #tpu.memory_space<vmem>>
      %dma_wait3A_253 = arith.constant 0 : i32
      %dma_wait3A_254 = arith.constant 0 : i32
      %dma_wait3A_255 = tpu.memref_slice %arg8[%dma_wait3A_253, %dma_wait3A_254] : memref<10240x128xf32, #tpu.memory_space<vmem_shared>> -> memref<10240x128xf32, #tpu.memory_space<vmem_shared>>
      tpu.wait_indirect_dma semaphore(%arg9 : memref<!tpu.dma_semaphore, #tpu.memory_space<semaphore_mem>>) src(%arg7 : memref<80x128xf32, #tpu.memory_space<vmem>>) dst(%dma_wait3A_255 : memref<10240x128xf32, #tpu.memory_space<vmem_shared>>)
      %dma_wait3A_256 = arith.constant 0 : i32
      %dma_wait3A_257 = arith.constant 0 : i32
      %dma_wait3A_258 = tpu.memref_slice %arg6[%dma_wait3A_256, %dma_wait3A_257] : memref<125x80xi32, #tpu.memory_space<vmem>> -> memref<1x80xi32, #tpu.memory_space<vmem>>
      %dma_wait3A_259 = tpu.memref_squeeze %dma_wait3A_258 : memref<1x80xi32, #tpu.memory_space<vmem>> -> memref<80xi32, #tpu.memory_space<vmem>>
      %dma_wait3A_260 = arith.constant 0 : i32
      %dma_wait3A_261 = arith.constant 0 : i32
      %dma_wait3A_262 = tpu.memref_slice %arg8[%dma_wait3A_260, %dma_wait3A_261] : memref<10240x128xf32, #tpu.memory_space<vmem_shared>> -> memref<10240x128xf32, #tpu.memory_space<vmem_shared>>
      tpu.wait_indirect_dma semaphore(%arg9 : memref<!tpu.dma_semaphore, #tpu.memory_space<semaphore_mem>>) src(%arg7 : memref<80x128xf32, #tpu.memory_space<vmem>>) dst(%dma_wait3A_262 : memref<10240x128xf32, #tpu.memory_space<vmem_shared>>)
      %dma_wait3A_263 = arith.constant 0 : i32
      %dma_wait3A_264 = arith.constant 0 : i32
      %dma_wait3A_265 = tpu.memref_slice %arg6[%dma_wait3A_263, %dma_wait3A_264] : memref<125x80xi32, #tpu.memory_space<vmem>> -> memref<1x80xi32, #tpu.memory_space<vmem>>
      %dma_wait3A_266 = tpu.memref_squeeze %dma_wait3A_265 : memref<1x80xi32, #tpu.memory_space<vmem>> -> memref<80xi32, #tpu.memory_space<vmem>>
      %dma_wait3A_267 = arith.constant 0 : i32
      %dma_wait3A_268 = arith.constant 0 : i32
      %dma_wait3A_269 = tpu.memref_slice %arg8[%dma_wait3A_267, %dma_wait3A_268] : memref<10240x128xf32, #tpu.memory_space<vmem_shared>> -> memref<10240x128xf32, #tpu.memory_space<vmem_shared>>
      tpu.wait_indirect_dma semaphore(%arg9 : memref<!tpu.dma_semaphore, #tpu.memory_space<semaphore_mem>>) src(%arg7 : memref<80x128xf32, #tpu.memory_space<vmem>>) dst(%dma_wait3A_269 : memref<10240x128xf32, #tpu.memory_space<vmem_shared>>)
      %dma_wait3A_270 = arith.constant 0 : i32
      %dma_wait3A_271 = arith.constant 0 : i32
      %dma_wait3A_272 = tpu.memref_slice %arg6[%dma_wait3A_270, %dma_wait3A_271] : memref<125x80xi32, #tpu.memory_space<vmem>> -> memref<1x80xi32, #tpu.memory_space<vmem>>
      %dma_wait3A_273 = tpu.memref_squeeze %dma_wait3A_272 : memref<1x80xi32, #tpu.memory_space<vmem>> -> memref<80xi32, #tpu.memory_space<vmem>>
      %dma_wait3A_274 = arith.constant 0 : i32
      %dma_wait3A_275 = arith.constant 0 : i32
      %dma_wait3A_276 = tpu.memref_slice %arg8[%dma_wait3A_274, %dma_wait3A_275] : memref<10240x128xf32, #tpu.memory_space<vmem_shared>> -> memref<10240x128xf32, #tpu.memory_space<vmem_shared>>
      tpu.wait_indirect_dma semaphore(%arg9 : memref<!tpu.dma_semaphore, #tpu.memory_space<semaphore_mem>>) src(%arg7 : memref<80x128xf32, #tpu.memory_space<vmem>>) dst(%dma_wait3A_276 : memref<10240x128xf32, #tpu.memory_space<vmem_shared>>)
      %dma_wait3A_277 = arith.constant 0 : i32
      %dma_wait3A_278 = arith.constant 0 : i32
      %dma_wait3A_279 = tpu.memref_slice %arg6[%dma_wait3A_277, %dma_wait3A_278] : memref<125x80xi32, #tpu.memory_space<vmem>> -> memref<1x80xi32, #tpu.memory_space<vmem>>
      %dma_wait3A_280 = tpu.memref_squeeze %dma_wait3A_279 : memref<1x80xi32, #tpu.memory_space<vmem>> -> memref<80xi32, #tpu.memory_space<vmem>>
      %dma_wait3A_281 = arith.constant 0 : i32
      %dma_wait3A_282 = arith.constant 0 : i32
      %dma_wait3A_283 = tpu.memref_slice %arg8[%dma_wait3A_281, %dma_wait3A_282] : memref<10240x128xf32, #tpu.memory_space<vmem_shared>> -> memref<10240x128xf32, #tpu.memory_space<vmem_shared>>
      tpu.wait_indirect_dma semaphore(%arg9 : memref<!tpu.dma_semaphore, #tpu.memory_space<semaphore_mem>>) src(%arg7 : memref<80x128xf32, #tpu.memory_space<vmem>>) dst(%dma_wait3A_283 : memref<10240x128xf32, #tpu.memory_space<vmem_shared>>)
      %dma_wait3A_284 = arith.constant 0 : i32
      %dma_wait3A_285 = arith.constant 0 : i32
      %dma_wait3A_286 = tpu.memref_slice %arg6[%dma_wait3A_284, %dma_wait3A_285] : memref<125x80xi32, #tpu.memory_space<vmem>> -> memref<1x80xi32, #tpu.memory_space<vmem>>
      %dma_wait3A_287 = tpu.memref_squeeze %dma_wait3A_286 : memref<1x80xi32, #tpu.memory_space<vmem>> -> memref<80xi32, #tpu.memory_space<vmem>>
      %dma_wait3A_288 = arith.constant 0 : i32
      %dma_wait3A_289 = arith.constant 0 : i32
      %dma_wait3A_290 = tpu.memref_slice %arg8[%dma_wait3A_288, %dma_wait3A_289] : memref<10240x128xf32, #tpu.memory_space<vmem_shared>> -> memref<10240x128xf32, #tpu.memory_space<vmem_shared>>
      tpu.wait_indirect_dma semaphore(%arg9 : memref<!tpu.dma_semaphore, #tpu.memory_space<semaphore_mem>>) src(%arg7 : memref<80x128xf32, #tpu.memory_space<vmem>>) dst(%dma_wait3A_290 : memref<10240x128xf32, #tpu.memory_space<vmem_shared>>)
      %dma_wait3A_291 = arith.constant 0 : i32
      %dma_wait3A_292 = arith.constant 0 : i32
      %dma_wait3A_293 = tpu.memref_slice %arg6[%dma_wait3A_291, %dma_wait3A_292] : memref<125x80xi32, #tpu.memory_space<vmem>> -> memref<1x80xi32, #tpu.memory_space<vmem>>
      %dma_wait3A_294 = tpu.memref_squeeze %dma_wait3A_293 : memref<1x80xi32, #tpu.memory_space<vmem>> -> memref<80xi32, #tpu.memory_space<vmem>>
      %dma_wait3A_295 = arith.constant 0 : i32
      %dma_wait3A_296 = arith.constant 0 : i32
      %dma_wait3A_297 = tpu.memref_slice %arg8[%dma_wait3A_295, %dma_wait3A_296] : memref<10240x128xf32, #tpu.memory_space<vmem_shared>> -> memref<10240x128xf32, #tpu.memory_space<vmem_shared>>
      tpu.wait_indirect_dma semaphore(%arg9 : memref<!tpu.dma_semaphore, #tpu.memory_space<semaphore_mem>>) src(%arg7 : memref<80x128xf32, #tpu.memory_space<vmem>>) dst(%dma_wait3A_297 : memref<10240x128xf32, #tpu.memory_space<vmem_shared>>)
      %dma_wait3A_298 = arith.constant 0 : i32
      %dma_wait3A_299 = arith.constant 0 : i32
      %dma_wait3A_300 = tpu.memref_slice %arg6[%dma_wait3A_298, %dma_wait3A_299] : memref<125x80xi32, #tpu.memory_space<vmem>> -> memref<1x80xi32, #tpu.memory_space<vmem>>
      %dma_wait3A_301 = tpu.memref_squeeze %dma_wait3A_300 : memref<1x80xi32, #tpu.memory_space<vmem>> -> memref<80xi32, #tpu.memory_space<vmem>>
      %dma_wait3A_302 = arith.constant 0 : i32
      %dma_wait3A_303 = arith.constant 0 : i32
      %dma_wait3A_304 = tpu.memref_slice %arg8[%dma_wait3A_302, %dma_wait3A_303] : memref<10240x128xf32, #tpu.memory_space<vmem_shared>> -> memref<10240x128xf32, #tpu.memory_space<vmem_shared>>
      tpu.wait_indirect_dma semaphore(%arg9 : memref<!tpu.dma_semaphore, #tpu.memory_space<semaphore_mem>>) src(%arg7 : memref<80x128xf32, #tpu.memory_space<vmem>>) dst(%dma_wait3A_304 : memref<10240x128xf32, #tpu.memory_space<vmem_shared>>)
      %dma_wait3A_305 = arith.constant 0 : i32
      %dma_wait3A_306 = arith.constant 0 : i32
      %dma_wait3A_307 = tpu.memref_slice %arg6[%dma_wait3A_305, %dma_wait3A_306] : memref<125x80xi32, #tpu.memory_space<vmem>> -> memref<1x80xi32, #tpu.memory_space<vmem>>
      %dma_wait3A_308 = tpu.memref_squeeze %dma_wait3A_307 : memref<1x80xi32, #tpu.memory_space<vmem>> -> memref<80xi32, #tpu.memory_space<vmem>>
      %dma_wait3A_309 = arith.constant 0 : i32
      %dma_wait3A_310 = arith.constant 0 : i32
      %dma_wait3A_311 = tpu.memref_slice %arg8[%dma_wait3A_309, %dma_wait3A_310] : memref<10240x128xf32, #tpu.memory_space<vmem_shared>> -> memref<10240x128xf32, #tpu.memory_space<vmem_shared>>
      tpu.wait_indirect_dma semaphore(%arg9 : memref<!tpu.dma_semaphore, #tpu.memory_space<semaphore_mem>>) src(%arg7 : memref<80x128xf32, #tpu.memory_space<vmem>>) dst(%dma_wait3A_311 : memref<10240x128xf32, #tpu.memory_space<vmem_shared>>)
      %dma_wait3A_312 = arith.constant 0 : i32
      %dma_wait3A_313 = arith.constant 0 : i32
      %dma_wait3A_314 = tpu.memref_slice %arg6[%dma_wait3A_312, %dma_wait3A_313] : memref<125x80xi32, #tpu.memory_space<vmem>> -> memref<1x80xi32, #tpu.memory_space<vmem>>
      %dma_wait3A_315 = tpu.memref_squeeze %dma_wait3A_314 : memref<1x80xi32, #tpu.memory_space<vmem>> -> memref<80xi32, #tpu.memory_space<vmem>>
      %dma_wait3A_316 = arith.constant 0 : i32
      %dma_wait3A_317 = arith.constant 0 : i32
      %dma_wait3A_318 = tpu.memref_slice %arg8[%dma_wait3A_316, %dma_wait3A_317] : memref<10240x128xf32, #tpu.memory_space<vmem_shared>> -> memref<10240x128xf32, #tpu.memory_space<vmem_shared>>
      tpu.wait_indirect_dma semaphore(%arg9 : memref<!tpu.dma_semaphore, #tpu.memory_space<semaphore_mem>>) src(%arg7 : memref<80x128xf32, #tpu.memory_space<vmem>>) dst(%dma_wait3A_318 : memref<10240x128xf32, #tpu.memory_space<vmem_shared>>)
      %dma_wait3A_319 = arith.constant 0 : i32
      %dma_wait3A_320 = arith.constant 0 : i32
      %dma_wait3A_321 = tpu.memref_slice %arg6[%dma_wait3A_319, %dma_wait3A_320] : memref<125x80xi32, #tpu.memory_space<vmem>> -> memref<1x80xi32, #tpu.memory_space<vmem>>
      %dma_wait3A_322 = tpu.memref_squeeze %dma_wait3A_321 : memref<1x80xi32, #tpu.memory_space<vmem>> -> memref<80xi32, #tpu.memory_space<vmem>>
      %dma_wait3A_323 = arith.constant 0 : i32
      %dma_wait3A_324 = arith.constant 0 : i32
      %dma_wait3A_325 = tpu.memref_slice %arg8[%dma_wait3A_323, %dma_wait3A_324] : memref<10240x128xf32, #tpu.memory_space<vmem_shared>> -> memref<10240x128xf32, #tpu.memory_space<vmem_shared>>
      tpu.wait_indirect_dma semaphore(%arg9 : memref<!tpu.dma_semaphore, #tpu.memory_space<semaphore_mem>>) src(%arg7 : memref<80x128xf32, #tpu.memory_space<vmem>>) dst(%dma_wait3A_325 : memref<10240x128xf32, #tpu.memory_space<vmem_shared>>)
      %dma_wait3A_326 = arith.constant 0 : i32
      %dma_wait3A_327 = arith.constant 0 : i32
      %dma_wait3A_328 = tpu.memref_slice %arg6[%dma_wait3A_326, %dma_wait3A_327] : memref<125x80xi32, #tpu.memory_space<vmem>> -> memref<1x80xi32, #tpu.memory_space<vmem>>
      %dma_wait3A_329 = tpu.memref_squeeze %dma_wait3A_328 : memref<1x80xi32, #tpu.memory_space<vmem>> -> memref<80xi32, #tpu.memory_space<vmem>>
      %dma_wait3A_330 = arith.constant 0 : i32
      %dma_wait3A_331 = arith.constant 0 : i32
      %dma_wait3A_332 = tpu.memref_slice %arg8[%dma_wait3A_330, %dma_wait3A_331] : memref<10240x128xf32, #tpu.memory_space<vmem_shared>> -> memref<10240x128xf32, #tpu.memory_space<vmem_shared>>
      tpu.wait_indirect_dma semaphore(%arg9 : memref<!tpu.dma_semaphore, #tpu.memory_space<semaphore_mem>>) src(%arg7 : memref<80x128xf32, #tpu.memory_space<vmem>>) dst(%dma_wait3A_332 : memref<10240x128xf32, #tpu.memory_space<vmem_shared>>)
      %dma_wait3A_333 = arith.constant 0 : i32
      %dma_wait3A_334 = arith.constant 0 : i32
      %dma_wait3A_335 = tpu.memref_slice %arg6[%dma_wait3A_333, %dma_wait3A_334] : memref<125x80xi32, #tpu.memory_space<vmem>> -> memref<1x80xi32, #tpu.memory_space<vmem>>
      %dma_wait3A_336 = tpu.memref_squeeze %dma_wait3A_335 : memref<1x80xi32, #tpu.memory_space<vmem>> -> memref<80xi32, #tpu.memory_space<vmem>>
      %dma_wait3A_337 = arith.constant 0 : i32
      %dma_wait3A_338 = arith.constant 0 : i32
      %dma_wait3A_339 = tpu.memref_slice %arg8[%dma_wait3A_337, %dma_wait3A_338] : memref<10240x128xf32, #tpu.memory_space<vmem_shared>> -> memref<10240x128xf32, #tpu.memory_space<vmem_shared>>
      tpu.wait_indirect_dma semaphore(%arg9 : memref<!tpu.dma_semaphore, #tpu.memory_space<semaphore_mem>>) src(%arg7 : memref<80x128xf32, #tpu.memory_space<vmem>>) dst(%dma_wait3A_339 : memref<10240x128xf32, #tpu.memory_space<vmem_shared>>)
      %dma_wait3A_340 = arith.constant 0 : i32
      %dma_wait3A_341 = arith.constant 0 : i32
      %dma_wait3A_342 = tpu.memref_slice %arg6[%dma_wait3A_340, %dma_wait3A_341] : memref<125x80xi32, #tpu.memory_space<vmem>> -> memref<1x80xi32, #tpu.memory_space<vmem>>
      %dma_wait3A_343 = tpu.memref_squeeze %dma_wait3A_342 : memref<1x80xi32, #tpu.memory_space<vmem>> -> memref<80xi32, #tpu.memory_space<vmem>>
      %dma_wait3A_344 = arith.constant 0 : i32
      %dma_wait3A_345 = arith.constant 0 : i32
      %dma_wait3A_346 = tpu.memref_slice %arg8[%dma_wait3A_344, %dma_wait3A_345] : memref<10240x128xf32, #tpu.memory_space<vmem_shared>> -> memref<10240x128xf32, #tpu.memory_space<vmem_shared>>
      tpu.wait_indirect_dma semaphore(%arg9 : memref<!tpu.dma_semaphore, #tpu.memory_space<semaphore_mem>>) src(%arg7 : memref<80x128xf32, #tpu.memory_space<vmem>>) dst(%dma_wait3A_346 : memref<10240x128xf32, #tpu.memory_space<vmem_shared>>)
      %dma_wait3A_347 = arith.constant 0 : i32
      %dma_wait3A_348 = arith.constant 0 : i32
      %dma_wait3A_349 = tpu.memref_slice %arg6[%dma_wait3A_347, %dma_wait3A_348] : memref<125x80xi32, #tpu.memory_space<vmem>> -> memref<1x80xi32, #tpu.memory_space<vmem>>
      %dma_wait3A_350 = tpu.memref_squeeze %dma_wait3A_349 : memref<1x80xi32, #tpu.memory_space<vmem>> -> memref<80xi32, #tpu.memory_space<vmem>>
      %dma_wait3A_351 = arith.constant 0 : i32
      %dma_wait3A_352 = arith.constant 0 : i32
      %dma_wait3A_353 = tpu.memref_slice %arg8[%dma_wait3A_351, %dma_wait3A_352] : memref<10240x128xf32, #tpu.memory_space<vmem_shared>> -> memref<10240x128xf32, #tpu.memory_space<vmem_shared>>
      tpu.wait_indirect_dma semaphore(%arg9 : memref<!tpu.dma_semaphore, #tpu.memory_space<semaphore_mem>>) src(%arg7 : memref<80x128xf32, #tpu.memory_space<vmem>>) dst(%dma_wait3A_353 : memref<10240x128xf32, #tpu.memory_space<vmem_shared>>)
      %dma_wait3A_354 = arith.constant 0 : i32
      %dma_wait3A_355 = arith.constant 0 : i32
      %dma_wait3A_356 = tpu.memref_slice %arg6[%dma_wait3A_354, %dma_wait3A_355] : memref<125x80xi32, #tpu.memory_space<vmem>> -> memref<1x80xi32, #tpu.memory_space<vmem>>
      %dma_wait3A_357 = tpu.memref_squeeze %dma_wait3A_356 : memref<1x80xi32, #tpu.memory_space<vmem>> -> memref<80xi32, #tpu.memory_space<vmem>>
      %dma_wait3A_358 = arith.constant 0 : i32
      %dma_wait3A_359 = arith.constant 0 : i32
      %dma_wait3A_360 = tpu.memref_slice %arg8[%dma_wait3A_358, %dma_wait3A_359] : memref<10240x128xf32, #tpu.memory_space<vmem_shared>> -> memref<10240x128xf32, #tpu.memory_space<vmem_shared>>
      tpu.wait_indirect_dma semaphore(%arg9 : memref<!tpu.dma_semaphore, #tpu.memory_space<semaphore_mem>>) src(%arg7 : memref<80x128xf32, #tpu.memory_space<vmem>>) dst(%dma_wait3A_360 : memref<10240x128xf32, #tpu.memory_space<vmem_shared>>)
      %dma_wait3A_361 = arith.constant 0 : i32
      %dma_wait3A_362 = arith.constant 0 : i32
      %dma_wait3A_363 = tpu.memref_slice %arg6[%dma_wait3A_361, %dma_wait3A_362] : memref<125x80xi32, #tpu.memory_space<vmem>> -> memref<1x80xi32, #tpu.memory_space<vmem>>
      %dma_wait3A_364 = tpu.memref_squeeze %dma_wait3A_363 : memref<1x80xi32, #tpu.memory_space<vmem>> -> memref<80xi32, #tpu.memory_space<vmem>>
      %dma_wait3A_365 = arith.constant 0 : i32
      %dma_wait3A_366 = arith.constant 0 : i32
      %dma_wait3A_367 = tpu.memref_slice %arg8[%dma_wait3A_365, %dma_wait3A_366] : memref<10240x128xf32, #tpu.memory_space<vmem_shared>> -> memref<10240x128xf32, #tpu.memory_space<vmem_shared>>
      tpu.wait_indirect_dma semaphore(%arg9 : memref<!tpu.dma_semaphore, #tpu.memory_space<semaphore_mem>>) src(%arg7 : memref<80x128xf32, #tpu.memory_space<vmem>>) dst(%dma_wait3A_367 : memref<10240x128xf32, #tpu.memory_space<vmem_shared>>)
      %dma_wait3A_368 = arith.constant 0 : i32
      %dma_wait3A_369 = arith.constant 0 : i32
      %dma_wait3A_370 = tpu.memref_slice %arg6[%dma_wait3A_368, %dma_wait3A_369] : memref<125x80xi32, #tpu.memory_space<vmem>> -> memref<1x80xi32, #tpu.memory_space<vmem>>
      %dma_wait3A_371 = tpu.memref_squeeze %dma_wait3A_370 : memref<1x80xi32, #tpu.memory_space<vmem>> -> memref<80xi32, #tpu.memory_space<vmem>>
      %dma_wait3A_372 = arith.constant 0 : i32
      %dma_wait3A_373 = arith.constant 0 : i32
      %dma_wait3A_374 = tpu.memref_slice %arg8[%dma_wait3A_372, %dma_wait3A_373] : memref<10240x128xf32, #tpu.memory_space<vmem_shared>> -> memref<10240x128xf32, #tpu.memory_space<vmem_shared>>
      tpu.wait_indirect_dma semaphore(%arg9 : memref<!tpu.dma_semaphore, #tpu.memory_space<semaphore_mem>>) src(%arg7 : memref<80x128xf32, #tpu.memory_space<vmem>>) dst(%dma_wait3A_374 : memref<10240x128xf32, #tpu.memory_space<vmem_shared>>)
      %dma_wait3A_375 = arith.constant 0 : i32
      %dma_wait3A_376 = arith.constant 0 : i32
      %dma_wait3A_377 = tpu.memref_slice %arg6[%dma_wait3A_375, %dma_wait3A_376] : memref<125x80xi32, #tpu.memory_space<vmem>> -> memref<1x80xi32, #tpu.memory_space<vmem>>
      %dma_wait3A_378 = tpu.memref_squeeze %dma_wait3A_377 : memref<1x80xi32, #tpu.memory_space<vmem>> -> memref<80xi32, #tpu.memory_space<vmem>>
      %dma_wait3A_379 = arith.constant 0 : i32
      %dma_wait3A_380 = arith.constant 0 : i32
      %dma_wait3A_381 = tpu.memref_slice %arg8[%dma_wait3A_379, %dma_wait3A_380] : memref<10240x128xf32, #tpu.memory_space<vmem_shared>> -> memref<10240x128xf32, #tpu.memory_space<vmem_shared>>
      tpu.wait_indirect_dma semaphore(%arg9 : memref<!tpu.dma_semaphore, #tpu.memory_space<semaphore_mem>>) src(%arg7 : memref<80x128xf32, #tpu.memory_space<vmem>>) dst(%dma_wait3A_381 : memref<10240x128xf32, #tpu.memory_space<vmem_shared>>)
      %dma_wait3A_382 = arith.constant 0 : i32
      %dma_wait3A_383 = arith.constant 0 : i32
      %dma_wait3A_384 = tpu.memref_slice %arg6[%dma_wait3A_382, %dma_wait3A_383] : memref<125x80xi32, #tpu.memory_space<vmem>> -> memref<1x80xi32, #tpu.memory_space<vmem>>
      %dma_wait3A_385 = tpu.memref_squeeze %dma_wait3A_384 : memref<1x80xi32, #tpu.memory_space<vmem>> -> memref<80xi32, #tpu.memory_space<vmem>>
      %dma_wait3A_386 = arith.constant 0 : i32
      %dma_wait3A_387 = arith.constant 0 : i32
      %dma_wait3A_388 = tpu.memref_slice %arg8[%dma_wait3A_386, %dma_wait3A_387] : memref<10240x128xf32, #tpu.memory_space<vmem_shared>> -> memref<10240x128xf32, #tpu.memory_space<vmem_shared>>
      tpu.wait_indirect_dma semaphore(%arg9 : memref<!tpu.dma_semaphore, #tpu.memory_space<semaphore_mem>>) src(%arg7 : memref<80x128xf32, #tpu.memory_space<vmem>>) dst(%dma_wait3A_388 : memref<10240x128xf32, #tpu.memory_space<vmem_shared>>)
    }
    %scan3A_7 = arith.constant 5 : i32
    %barrier3A_8 = arith.constant 0 : index
    tpu.barrier barrier_id(%barrier3A_8)
    %mul3A_9 = arith.constant 640 : i32
    %mul3A_10 = arith.muli %arg1, %mul3A_9 : i32
    %mul3A_11 = arith.constant 640 : i32
    %mul3A_12 = arith.muli %arg1, %mul3A_11 : i32
    "tpu.region"() ({
      %run_scoped3A = tpu.sem_alloc : memref<!tpu.dma_semaphore, #tpu.memory_space<semaphore_mem>>
      %dma_start3A = arith.constant 0 : i32
      %dma_start3A_13 = tpu.memref_slice %arg5[%arg0, %mul3A_12, %dma_start3A] : memref<2x10240x128xf32, #tpu.memory_space<hbm>> -> memref<1x640x128xf32, #tpu.memory_space<hbm>>
      %dma_start3A_14 = tpu.memref_squeeze %dma_start3A_13 : memref<1x640x128xf32, #tpu.memory_space<hbm>> -> memref<640x128xf32, #tpu.memory_space<hbm>>
      %dma_start3A_15 = arith.constant 0 : i32
      %dma_start3A_16 = tpu.memref_slice %arg8[%mul3A_10, %dma_start3A_15] : memref<10240x128xf32, #tpu.memory_space<vmem_shared>> -> memref<640x128xf32, #tpu.memory_space<vmem_shared>>
      tpu.enqueue_dma source(%dma_start3A_16 : memref<640x128xf32, #tpu.memory_space<vmem_shared>>) target(%dma_start3A_14 : memref<640x128xf32, #tpu.memory_space<hbm>>) target_semaphore(%run_scoped3A : memref<!tpu.dma_semaphore, #tpu.memory_space<semaphore_mem>>)
      %dma_wait3A = arith.constant 0 : i32
      %dma_wait3A_17 = tpu.memref_slice %arg5[%arg0, %mul3A_12, %dma_wait3A] : memref<2x10240x128xf32, #tpu.memory_space<hbm>> -> memref<1x640x128xf32, #tpu.memory_space<hbm>>
      %dma_wait3A_18 = tpu.memref_squeeze %dma_wait3A_17 : memref<1x640x128xf32, #tpu.memory_space<hbm>> -> memref<640x128xf32, #tpu.memory_space<hbm>>
      %dma_wait3A_19 = arith.constant 0 : i32
      %dma_wait3A_20 = tpu.memref_slice %arg8[%mul3A_10, %dma_wait3A_19] : memref<10240x128xf32, #tpu.memory_space<vmem_shared>> -> memref<640x128xf32, #tpu.memory_space<vmem_shared>>
      tpu.wait_dma2 semaphore(%run_scoped3A : memref<!tpu.dma_semaphore, #tpu.memory_space<semaphore_mem>>) src(%dma_wait3A_20 : memref<640x128xf32, #tpu.memory_space<vmem_shared>>) dst(%dma_wait3A_18 : memref<640x128xf32, #tpu.memory_space<hbm>>)
      tpu.yield
    }) : () -> ()
    return
  }
}

#map = affine_map<(d0, d1) -> (0, 0)>
#map1 = affine_map<(d0, d1) -> (0, 0, 0)>
module attributes {stable_mosaic.version = 14 : i64} {
  func.func @_prop_body(%arg0: i32, %arg1: i32, %arg2: memref<10000x128xf32, #tpu.memory_space<hbm>>, %arg3: memref<32x125x80xi32, #tpu.memory_space<hbm>>, %arg4: memref<32x125x80xi32, #tpu.memory_space<hbm>>, %arg5: memref<640x128xf32, #tpu.memory_space<hbm>>, %arg6: memref<2x10240x128xf32, #tpu.memory_space<hbm>>, %arg7: memref<125x80xi32, #tpu.memory_space<vmem>>, %arg8: memref<80xi32, #tpu.memory_space<vmem>>, %arg9: memref<80xi32, #tpu.memory_space<vmem>>, %arg10: memref<80x128xf32, #tpu.memory_space<vmem>>, %arg11: memref<80x128xf32, #tpu.memory_space<vmem>>, %arg12: memref<10240x128xf32, #tpu.memory_space<vmem_shared>>, %arg13: memref<!tpu.dma_semaphore, #tpu.memory_space<semaphore_mem>>, %arg14: memref<!tpu.dma_semaphore, #tpu.memory_space<semaphore_mem>>, %arg15: memref<!tpu.dma_semaphore, #tpu.memory_space<semaphore_mem>>, %arg16: memref<!tpu.dma_semaphore, #tpu.memory_space<semaphore_mem>>) attributes {dimension_semantics = [#tpu.dimension_semantics<core_parallel>, #tpu.dimension_semantics<subcore_parallel>], iteration_bounds = array<i64: 2, 16>, scalar_prefetch = 0 : i64, scratch_operands = 10 : i64, tpu.core_type = #tpu.core_type<sc_vector_subcore>, window_params = [{transform_indices = #map}, {transform_indices = #map1}, {transform_indices = #map1}, {transform_indices = #map}, {transform_indices = #map1}]} {
    %mul3A = arith.constant 16 : i32
    %mul3A_0 = arith.muli %arg0, %mul3A : i32
    %add3A = arith.addi %mul3A_0, %arg1 : i32
    "tpu.region"() ({
      %run_scoped3A = tpu.sem_alloc : memref<!tpu.dma_semaphore, #tpu.memory_space<semaphore_mem>>
      %dma_start3A_53 = arith.constant 0 : i32
      %dma_start3A_54 = arith.constant 0 : i32
      %dma_start3A_55 = tpu.memref_slice %arg3[%add3A, %dma_start3A_53, %dma_start3A_54] : memref<32x125x80xi32, #tpu.memory_space<hbm>> -> memref<1x125x80xi32, #tpu.memory_space<hbm>>
      %dma_start3A_56 = tpu.memref_squeeze %dma_start3A_55 : memref<1x125x80xi32, #tpu.memory_space<hbm>> -> memref<125x80xi32, #tpu.memory_space<hbm>>
      %dma_start3A_57 = arith.constant 0 : i32
      %dma_start3A_58 = arith.constant 0 : i32
      %dma_start3A_59 = tpu.memref_slice %arg3[%add3A, %dma_start3A_57, %dma_start3A_58] : memref<32x125x80xi32, #tpu.memory_space<hbm>> -> memref<1x125x80xi32, #tpu.memory_space<hbm>>
      %dma_start3A_60 = tpu.memref_squeeze %dma_start3A_59 : memref<1x125x80xi32, #tpu.memory_space<hbm>> -> memref<125x80xi32, #tpu.memory_space<hbm>>
      tpu.enqueue_dma source(%dma_start3A_60 : memref<125x80xi32, #tpu.memory_space<hbm>>) target(%arg7 : memref<125x80xi32, #tpu.memory_space<vmem>>) target_semaphore(%run_scoped3A : memref<!tpu.dma_semaphore, #tpu.memory_space<semaphore_mem>>)
      %dma_wait3A_61 = arith.constant 0 : i32
      %dma_wait3A_62 = arith.constant 0 : i32
      %dma_wait3A_63 = tpu.memref_slice %arg3[%add3A, %dma_wait3A_61, %dma_wait3A_62] : memref<32x125x80xi32, #tpu.memory_space<hbm>> -> memref<1x125x80xi32, #tpu.memory_space<hbm>>
      %dma_wait3A_64 = tpu.memref_squeeze %dma_wait3A_63 : memref<1x125x80xi32, #tpu.memory_space<hbm>> -> memref<125x80xi32, #tpu.memory_space<hbm>>
      %dma_wait3A_65 = arith.constant 0 : i32
      %dma_wait3A_66 = arith.constant 0 : i32
      %dma_wait3A_67 = tpu.memref_slice %arg3[%add3A, %dma_wait3A_65, %dma_wait3A_66] : memref<32x125x80xi32, #tpu.memory_space<hbm>> -> memref<1x125x80xi32, #tpu.memory_space<hbm>>
      %dma_wait3A_68 = tpu.memref_squeeze %dma_wait3A_67 : memref<1x125x80xi32, #tpu.memory_space<hbm>> -> memref<125x80xi32, #tpu.memory_space<hbm>>
      tpu.wait_dma2 semaphore(%run_scoped3A : memref<!tpu.dma_semaphore, #tpu.memory_space<semaphore_mem>>) src(%dma_wait3A_68 : memref<125x80xi32, #tpu.memory_space<hbm>>) dst(%arg7 : memref<125x80xi32, #tpu.memory_space<vmem>>)
      tpu.yield
    }) : () -> ()
    %mul3A_1 = arith.constant 640 : i32
    %mul3A_2 = arith.muli %arg1, %mul3A_1 : i32
    "tpu.region"() ({
      %run_scoped3A = tpu.sem_alloc : memref<!tpu.dma_semaphore, #tpu.memory_space<semaphore_mem>>
      %dma_start3A_53 = arith.constant 0 : i32
      %dma_start3A_54 = tpu.memref_slice %arg12[%mul3A_2, %dma_start3A_53] : memref<10240x128xf32, #tpu.memory_space<vmem_shared>> -> memref<640x128xf32, #tpu.memory_space<vmem_shared>>
      tpu.enqueue_dma source(%arg5 : memref<640x128xf32, #tpu.memory_space<hbm>>) target(%dma_start3A_54 : memref<640x128xf32, #tpu.memory_space<vmem_shared>>) target_semaphore(%run_scoped3A : memref<!tpu.dma_semaphore, #tpu.memory_space<semaphore_mem>>)
      %dma_wait3A_55 = arith.constant 0 : i32
      %dma_wait3A_56 = tpu.memref_slice %arg12[%mul3A_2, %dma_wait3A_55] : memref<10240x128xf32, #tpu.memory_space<vmem_shared>> -> memref<640x128xf32, #tpu.memory_space<vmem_shared>>
      tpu.wait_dma2 semaphore(%run_scoped3A : memref<!tpu.dma_semaphore, #tpu.memory_space<semaphore_mem>>) src(%arg5 : memref<640x128xf32, #tpu.memory_space<hbm>>) dst(%dma_wait3A_56 : memref<640x128xf32, #tpu.memory_space<vmem_shared>>)
      tpu.yield
    }) : () -> ()
    %barrier3A = arith.constant 0 : index
    tpu.barrier barrier_id(%barrier3A)
    %dma_start3A = arith.constant 0 : i32
    %dma_start3A_3 = arith.constant 0 : i32
    %dma_start3A_4 = tpu.memref_slice %arg4[%add3A, %dma_start3A, %dma_start3A_3] : memref<32x125x80xi32, #tpu.memory_space<hbm>> -> memref<1x1x80xi32, #tpu.memory_space<hbm>>
    %dma_start3A_5 = tpu.memref_squeeze %dma_start3A_4 : memref<1x1x80xi32, #tpu.memory_space<hbm>> -> memref<80xi32, #tpu.memory_space<hbm>>
    %dma_start3A_6 = arith.constant 0 : i32
    %dma_start3A_7 = tpu.memref_slice %arg4[%add3A, %dma_start3A, %dma_start3A_6] : memref<32x125x80xi32, #tpu.memory_space<hbm>> -> memref<1x1x80xi32, #tpu.memory_space<hbm>>
    %dma_start3A_8 = tpu.memref_squeeze %dma_start3A_7 : memref<1x1x80xi32, #tpu.memory_space<hbm>> -> memref<80xi32, #tpu.memory_space<hbm>>
    tpu.enqueue_dma source(%dma_start3A_8 : memref<80xi32, #tpu.memory_space<hbm>>) target(%arg8 : memref<80xi32, #tpu.memory_space<vmem>>) target_semaphore(%arg15 : memref<!tpu.dma_semaphore, #tpu.memory_space<semaphore_mem>>)
    %dma_start3A_9 = arith.constant 0 : i32
    %dma_start3A_10 = arith.constant 0 : i32
    %dma_start3A_11 = tpu.memref_slice %arg7[%dma_start3A_9, %dma_start3A_10] : memref<125x80xi32, #tpu.memory_space<vmem>> -> memref<1x80xi32, #tpu.memory_space<vmem>>
    %dma_start3A_12 = tpu.memref_squeeze %dma_start3A_11 : memref<1x80xi32, #tpu.memory_space<vmem>> -> memref<80xi32, #tpu.memory_space<vmem>>
    %dma_start3A_13 = arith.constant 0 : i32
    %dma_start3A_14 = arith.constant 0 : i32
    %dma_start3A_15 = tpu.memref_slice %arg2[%dma_start3A_13, %dma_start3A_14] : memref<10000x128xf32, #tpu.memory_space<hbm>> -> memref<10000x128xf32, #tpu.memory_space<hbm>>
    tpu.enqueue_indirect_dma source(%dma_start3A_15 : memref<10000x128xf32, #tpu.memory_space<hbm>>) target(%arg10 : memref<80x128xf32, #tpu.memory_space<vmem>>) offsets(%dma_start3A_12 : memref<80xi32, #tpu.memory_space<vmem>>) semaphore(%arg13 : memref<!tpu.dma_semaphore, #tpu.memory_space<semaphore_mem>>)
    %dma_start3A_16 = arith.constant 1 : i32
    %dma_start3A_17 = arith.constant 0 : i32
    %dma_start3A_18 = tpu.memref_slice %arg4[%add3A, %dma_start3A_16, %dma_start3A_17] : memref<32x125x80xi32, #tpu.memory_space<hbm>> -> memref<1x1x80xi32, #tpu.memory_space<hbm>>
    %dma_start3A_19 = tpu.memref_squeeze %dma_start3A_18 : memref<1x1x80xi32, #tpu.memory_space<hbm>> -> memref<80xi32, #tpu.memory_space<hbm>>
    %dma_start3A_20 = arith.constant 0 : i32
    %dma_start3A_21 = tpu.memref_slice %arg4[%add3A, %dma_start3A_16, %dma_start3A_20] : memref<32x125x80xi32, #tpu.memory_space<hbm>> -> memref<1x1x80xi32, #tpu.memory_space<hbm>>
    %dma_start3A_22 = tpu.memref_squeeze %dma_start3A_21 : memref<1x1x80xi32, #tpu.memory_space<hbm>> -> memref<80xi32, #tpu.memory_space<hbm>>
    tpu.enqueue_dma source(%dma_start3A_22 : memref<80xi32, #tpu.memory_space<hbm>>) target(%arg9 : memref<80xi32, #tpu.memory_space<vmem>>) target_semaphore(%arg16 : memref<!tpu.dma_semaphore, #tpu.memory_space<semaphore_mem>>)
    %dma_start3A_23 = arith.constant 1 : i32
    %dma_start3A_24 = arith.constant 0 : i32
    %dma_start3A_25 = tpu.memref_slice %arg7[%dma_start3A_23, %dma_start3A_24] : memref<125x80xi32, #tpu.memory_space<vmem>> -> memref<1x80xi32, #tpu.memory_space<vmem>>
    %dma_start3A_26 = tpu.memref_squeeze %dma_start3A_25 : memref<1x80xi32, #tpu.memory_space<vmem>> -> memref<80xi32, #tpu.memory_space<vmem>>
    %dma_start3A_27 = arith.constant 0 : i32
    %dma_start3A_28 = arith.constant 0 : i32
    %dma_start3A_29 = tpu.memref_slice %arg2[%dma_start3A_27, %dma_start3A_28] : memref<10000x128xf32, #tpu.memory_space<hbm>> -> memref<10000x128xf32, #tpu.memory_space<hbm>>
    tpu.enqueue_indirect_dma source(%dma_start3A_29 : memref<10000x128xf32, #tpu.memory_space<hbm>>) target(%arg11 : memref<80x128xf32, #tpu.memory_space<vmem>>) offsets(%dma_start3A_26 : memref<80xi32, #tpu.memory_space<vmem>>) semaphore(%arg14 : memref<!tpu.dma_semaphore, #tpu.memory_space<semaphore_mem>>)
    %scan3A = arith.constant 0 : i32
    %scan3A_30 = arith.constant 0 : i32
    %scan3A_31 = arith.constant 62 : i32
    %scan3A_32 = arith.addi %scan3A_30, %scan3A_31 : i32
    %scan3A_33 = arith.constant 1 : i32
    scf.for %scan3A_53 = %scan3A_30 to %scan3A_32 step %scan3A_33  : i32 {
      %mul3A_54 = arith.constant 2 : i32
      %mul3A_55 = arith.muli %mul3A_54, %scan3A_53 : i32
      %dma_wait3A_56 = arith.constant 0 : i32
      %dma_wait3A_57 = arith.constant 0 : i32
      %dma_wait3A_58 = tpu.memref_slice %arg4[%add3A, %dma_wait3A_56, %dma_wait3A_57] : memref<32x125x80xi32, #tpu.memory_space<hbm>> -> memref<1x1x80xi32, #tpu.memory_space<hbm>>
      %dma_wait3A_59 = tpu.memref_squeeze %dma_wait3A_58 : memref<1x1x80xi32, #tpu.memory_space<hbm>> -> memref<80xi32, #tpu.memory_space<hbm>>
      %dma_wait3A_60 = arith.constant 0 : i32
      %dma_wait3A_61 = tpu.memref_slice %arg4[%add3A, %dma_wait3A_56, %dma_wait3A_60] : memref<32x125x80xi32, #tpu.memory_space<hbm>> -> memref<1x1x80xi32, #tpu.memory_space<hbm>>
      %dma_wait3A_62 = tpu.memref_squeeze %dma_wait3A_61 : memref<1x1x80xi32, #tpu.memory_space<hbm>> -> memref<80xi32, #tpu.memory_space<hbm>>
      tpu.wait_dma2 semaphore(%arg15 : memref<!tpu.dma_semaphore, #tpu.memory_space<semaphore_mem>>) src(%dma_wait3A_62 : memref<80xi32, #tpu.memory_space<hbm>>) dst(%arg8 : memref<80xi32, #tpu.memory_space<vmem>>)
      %dma_wait3A_63 = arith.constant 0 : i32
      %dma_wait3A_64 = arith.constant 0 : i32
      %dma_wait3A_65 = tpu.memref_slice %arg7[%dma_wait3A_63, %dma_wait3A_64] : memref<125x80xi32, #tpu.memory_space<vmem>> -> memref<1x80xi32, #tpu.memory_space<vmem>>
      %dma_wait3A_66 = tpu.memref_squeeze %dma_wait3A_65 : memref<1x80xi32, #tpu.memory_space<vmem>> -> memref<80xi32, #tpu.memory_space<vmem>>
      %dma_wait3A_67 = arith.constant 0 : i32
      %dma_wait3A_68 = arith.constant 0 : i32
      %dma_wait3A_69 = tpu.memref_slice %arg2[%dma_wait3A_67, %dma_wait3A_68] : memref<10000x128xf32, #tpu.memory_space<hbm>> -> memref<10000x128xf32, #tpu.memory_space<hbm>>
      tpu.wait_indirect_dma semaphore(%arg13 : memref<!tpu.dma_semaphore, #tpu.memory_space<semaphore_mem>>) src(%dma_wait3A_69 : memref<10000x128xf32, #tpu.memory_space<hbm>>) dst(%arg10 : memref<80x128xf32, #tpu.memory_space<vmem>>)
      "tpu.region"() ({
        %run_scoped3A = tpu.sem_alloc : memref<!tpu.dma_semaphore, #tpu.memory_space<semaphore_mem>>
        %dma_start3A_95 = arith.constant 0 : i32
        %dma_start3A_96 = arith.constant 0 : i32
        %dma_start3A_97 = tpu.memref_slice %arg12[%dma_start3A_95, %dma_start3A_96] : memref<10240x128xf32, #tpu.memory_space<vmem_shared>> -> memref<10240x128xf32, #tpu.memory_space<vmem_shared>>
        tpu.enqueue_indirect_dma source(%arg10 : memref<80x128xf32, #tpu.memory_space<vmem>>) target(%dma_start3A_97 : memref<10240x128xf32, #tpu.memory_space<vmem_shared>>) offsets(%arg8 : memref<80xi32, #tpu.memory_space<vmem>>) semaphore(%run_scoped3A : memref<!tpu.dma_semaphore, #tpu.memory_space<semaphore_mem>>) {add = true}
        %dma_wait3A_98 = arith.constant 0 : i32
        %dma_wait3A_99 = arith.constant 0 : i32
        %dma_wait3A_100 = tpu.memref_slice %arg12[%dma_wait3A_98, %dma_wait3A_99] : memref<10240x128xf32, #tpu.memory_space<vmem_shared>> -> memref<10240x128xf32, #tpu.memory_space<vmem_shared>>
        tpu.wait_indirect_dma semaphore(%run_scoped3A : memref<!tpu.dma_semaphore, #tpu.memory_space<semaphore_mem>>) src(%arg10 : memref<80x128xf32, #tpu.memory_space<vmem>>) dst(%dma_wait3A_100 : memref<10240x128xf32, #tpu.memory_space<vmem_shared>>)
        tpu.yield
      }) : () -> ()
      %add3A_70 = arith.constant 2 : i32
      %add3A_71 = arith.addi %mul3A_55, %add3A_70 : i32
      %lt3A = arith.constant 125 : i32
      %lt3A_72 = arith.cmpi slt, %add3A_71, %lt3A : i32
      %convert_element_type3A = arith.extui %lt3A_72 : i1 to i32
      %cond3A = arith.constant 0 : i32
      %cond3A_73 = arith.cmpi ne, %convert_element_type3A, %cond3A : i32
      scf.if %cond3A_73 {
        %add3A_95 = arith.constant 2 : i32
        %add3A_96 = arith.addi %mul3A_55, %add3A_95 : i32
        %dma_start3A_97 = arith.constant 0 : i32
        %dma_start3A_98 = tpu.memref_slice %arg4[%add3A, %add3A_96, %dma_start3A_97] : memref<32x125x80xi32, #tpu.memory_space<hbm>> -> memref<1x1x80xi32, #tpu.memory_space<hbm>>
        %dma_start3A_99 = tpu.memref_squeeze %dma_start3A_98 : memref<1x1x80xi32, #tpu.memory_space<hbm>> -> memref<80xi32, #tpu.memory_space<hbm>>
        %dma_start3A_100 = arith.constant 0 : i32
        %dma_start3A_101 = tpu.memref_slice %arg4[%add3A, %add3A_96, %dma_start3A_100] : memref<32x125x80xi32, #tpu.memory_space<hbm>> -> memref<1x1x80xi32, #tpu.memory_space<hbm>>
        %dma_start3A_102 = tpu.memref_squeeze %dma_start3A_101 : memref<1x1x80xi32, #tpu.memory_space<hbm>> -> memref<80xi32, #tpu.memory_space<hbm>>
        tpu.enqueue_dma source(%dma_start3A_102 : memref<80xi32, #tpu.memory_space<hbm>>) target(%arg8 : memref<80xi32, #tpu.memory_space<vmem>>) target_semaphore(%arg15 : memref<!tpu.dma_semaphore, #tpu.memory_space<semaphore_mem>>)
        %dma_start3A_103 = arith.constant 0 : i32
        %dma_start3A_104 = tpu.memref_slice %arg7[%add3A_96, %dma_start3A_103] : memref<125x80xi32, #tpu.memory_space<vmem>> -> memref<1x80xi32, #tpu.memory_space<vmem>>
        %dma_start3A_105 = tpu.memref_squeeze %dma_start3A_104 : memref<1x80xi32, #tpu.memory_space<vmem>> -> memref<80xi32, #tpu.memory_space<vmem>>
        %dma_start3A_106 = arith.constant 0 : i32
        %dma_start3A_107 = arith.constant 0 : i32
        %dma_start3A_108 = tpu.memref_slice %arg2[%dma_start3A_106, %dma_start3A_107] : memref<10000x128xf32, #tpu.memory_space<hbm>> -> memref<10000x128xf32, #tpu.memory_space<hbm>>
        tpu.enqueue_indirect_dma source(%dma_start3A_108 : memref<10000x128xf32, #tpu.memory_space<hbm>>) target(%arg10 : memref<80x128xf32, #tpu.memory_space<vmem>>) offsets(%dma_start3A_105 : memref<80xi32, #tpu.memory_space<vmem>>) semaphore(%arg13 : memref<!tpu.dma_semaphore, #tpu.memory_space<semaphore_mem>>)
      } else {
      }
      %dma_wait3A_74 = arith.constant 0 : i32
      %dma_wait3A_75 = arith.constant 0 : i32
      %dma_wait3A_76 = tpu.memref_slice %arg4[%add3A, %dma_wait3A_74, %dma_wait3A_75] : memref<32x125x80xi32, #tpu.memory_space<hbm>> -> memref<1x1x80xi32, #tpu.memory_space<hbm>>
      %dma_wait3A_77 = tpu.memref_squeeze %dma_wait3A_76 : memref<1x1x80xi32, #tpu.memory_space<hbm>> -> memref<80xi32, #tpu.memory_space<hbm>>
      %dma_wait3A_78 = arith.constant 0 : i32
      %dma_wait3A_79 = tpu.memref_slice %arg4[%add3A, %dma_wait3A_74, %dma_wait3A_78] : memref<32x125x80xi32, #tpu.memory_space<hbm>> -> memref<1x1x80xi32, #tpu.memory_space<hbm>>
      %dma_wait3A_80 = tpu.memref_squeeze %dma_wait3A_79 : memref<1x1x80xi32, #tpu.memory_space<hbm>> -> memref<80xi32, #tpu.memory_space<hbm>>
      tpu.wait_dma2 semaphore(%arg16 : memref<!tpu.dma_semaphore, #tpu.memory_space<semaphore_mem>>) src(%dma_wait3A_80 : memref<80xi32, #tpu.memory_space<hbm>>) dst(%arg9 : memref<80xi32, #tpu.memory_space<vmem>>)
      %dma_wait3A_81 = arith.constant 0 : i32
      %dma_wait3A_82 = arith.constant 0 : i32
      %dma_wait3A_83 = tpu.memref_slice %arg7[%dma_wait3A_81, %dma_wait3A_82] : memref<125x80xi32, #tpu.memory_space<vmem>> -> memref<1x80xi32, #tpu.memory_space<vmem>>
      %dma_wait3A_84 = tpu.memref_squeeze %dma_wait3A_83 : memref<1x80xi32, #tpu.memory_space<vmem>> -> memref<80xi32, #tpu.memory_space<vmem>>
      %dma_wait3A_85 = arith.constant 0 : i32
      %dma_wait3A_86 = arith.constant 0 : i32
      %dma_wait3A_87 = tpu.memref_slice %arg2[%dma_wait3A_85, %dma_wait3A_86] : memref<10000x128xf32, #tpu.memory_space<hbm>> -> memref<10000x128xf32, #tpu.memory_space<hbm>>
      tpu.wait_indirect_dma semaphore(%arg14 : memref<!tpu.dma_semaphore, #tpu.memory_space<semaphore_mem>>) src(%dma_wait3A_87 : memref<10000x128xf32, #tpu.memory_space<hbm>>) dst(%arg11 : memref<80x128xf32, #tpu.memory_space<vmem>>)
      "tpu.region"() ({
        %run_scoped3A = tpu.sem_alloc : memref<!tpu.dma_semaphore, #tpu.memory_space<semaphore_mem>>
        %dma_start3A_95 = arith.constant 0 : i32
        %dma_start3A_96 = arith.constant 0 : i32
        %dma_start3A_97 = tpu.memref_slice %arg12[%dma_start3A_95, %dma_start3A_96] : memref<10240x128xf32, #tpu.memory_space<vmem_shared>> -> memref<10240x128xf32, #tpu.memory_space<vmem_shared>>
        tpu.enqueue_indirect_dma source(%arg11 : memref<80x128xf32, #tpu.memory_space<vmem>>) target(%dma_start3A_97 : memref<10240x128xf32, #tpu.memory_space<vmem_shared>>) offsets(%arg9 : memref<80xi32, #tpu.memory_space<vmem>>) semaphore(%run_scoped3A : memref<!tpu.dma_semaphore, #tpu.memory_space<semaphore_mem>>) {add = true}
        %dma_wait3A_98 = arith.constant 0 : i32
        %dma_wait3A_99 = arith.constant 0 : i32
        %dma_wait3A_100 = tpu.memref_slice %arg12[%dma_wait3A_98, %dma_wait3A_99] : memref<10240x128xf32, #tpu.memory_space<vmem_shared>> -> memref<10240x128xf32, #tpu.memory_space<vmem_shared>>
        tpu.wait_indirect_dma semaphore(%run_scoped3A : memref<!tpu.dma_semaphore, #tpu.memory_space<semaphore_mem>>) src(%arg11 : memref<80x128xf32, #tpu.memory_space<vmem>>) dst(%dma_wait3A_100 : memref<10240x128xf32, #tpu.memory_space<vmem_shared>>)
        tpu.yield
      }) : () -> ()
      %add3A_88 = arith.constant 3 : i32
      %add3A_89 = arith.addi %mul3A_55, %add3A_88 : i32
      %lt3A_90 = arith.constant 125 : i32
      %lt3A_91 = arith.cmpi slt, %add3A_89, %lt3A_90 : i32
      %convert_element_type3A_92 = arith.extui %lt3A_91 : i1 to i32
      %cond3A_93 = arith.constant 0 : i32
      %cond3A_94 = arith.cmpi ne, %convert_element_type3A_92, %cond3A_93 : i32
      scf.if %cond3A_94 {
        %add3A_95 = arith.constant 3 : i32
        %add3A_96 = arith.addi %mul3A_55, %add3A_95 : i32
        %dma_start3A_97 = arith.constant 0 : i32
        %dma_start3A_98 = tpu.memref_slice %arg4[%add3A, %add3A_96, %dma_start3A_97] : memref<32x125x80xi32, #tpu.memory_space<hbm>> -> memref<1x1x80xi32, #tpu.memory_space<hbm>>
        %dma_start3A_99 = tpu.memref_squeeze %dma_start3A_98 : memref<1x1x80xi32, #tpu.memory_space<hbm>> -> memref<80xi32, #tpu.memory_space<hbm>>
        %dma_start3A_100 = arith.constant 0 : i32
        %dma_start3A_101 = tpu.memref_slice %arg4[%add3A, %add3A_96, %dma_start3A_100] : memref<32x125x80xi32, #tpu.memory_space<hbm>> -> memref<1x1x80xi32, #tpu.memory_space<hbm>>
        %dma_start3A_102 = tpu.memref_squeeze %dma_start3A_101 : memref<1x1x80xi32, #tpu.memory_space<hbm>> -> memref<80xi32, #tpu.memory_space<hbm>>
        tpu.enqueue_dma source(%dma_start3A_102 : memref<80xi32, #tpu.memory_space<hbm>>) target(%arg9 : memref<80xi32, #tpu.memory_space<vmem>>) target_semaphore(%arg16 : memref<!tpu.dma_semaphore, #tpu.memory_space<semaphore_mem>>)
        %dma_start3A_103 = arith.constant 0 : i32
        %dma_start3A_104 = tpu.memref_slice %arg7[%add3A_96, %dma_start3A_103] : memref<125x80xi32, #tpu.memory_space<vmem>> -> memref<1x80xi32, #tpu.memory_space<vmem>>
        %dma_start3A_105 = tpu.memref_squeeze %dma_start3A_104 : memref<1x80xi32, #tpu.memory_space<vmem>> -> memref<80xi32, #tpu.memory_space<vmem>>
        %dma_start3A_106 = arith.constant 0 : i32
        %dma_start3A_107 = arith.constant 0 : i32
        %dma_start3A_108 = tpu.memref_slice %arg2[%dma_start3A_106, %dma_start3A_107] : memref<10000x128xf32, #tpu.memory_space<hbm>> -> memref<10000x128xf32, #tpu.memory_space<hbm>>
        tpu.enqueue_indirect_dma source(%dma_start3A_108 : memref<10000x128xf32, #tpu.memory_space<hbm>>) target(%arg11 : memref<80x128xf32, #tpu.memory_space<vmem>>) offsets(%dma_start3A_105 : memref<80xi32, #tpu.memory_space<vmem>>) semaphore(%arg14 : memref<!tpu.dma_semaphore, #tpu.memory_space<semaphore_mem>>)
      } else {
      }
    }
    %scan3A_34 = arith.constant 62 : i32
    %dma_wait3A = arith.constant 0 : i32
    %dma_wait3A_35 = arith.constant 0 : i32
    %dma_wait3A_36 = tpu.memref_slice %arg4[%add3A, %dma_wait3A, %dma_wait3A_35] : memref<32x125x80xi32, #tpu.memory_space<hbm>> -> memref<1x1x80xi32, #tpu.memory_space<hbm>>
    %dma_wait3A_37 = tpu.memref_squeeze %dma_wait3A_36 : memref<1x1x80xi32, #tpu.memory_space<hbm>> -> memref<80xi32, #tpu.memory_space<hbm>>
    %dma_wait3A_38 = arith.constant 0 : i32
    %dma_wait3A_39 = tpu.memref_slice %arg4[%add3A, %dma_wait3A, %dma_wait3A_38] : memref<32x125x80xi32, #tpu.memory_space<hbm>> -> memref<1x1x80xi32, #tpu.memory_space<hbm>>
    %dma_wait3A_40 = tpu.memref_squeeze %dma_wait3A_39 : memref<1x1x80xi32, #tpu.memory_space<hbm>> -> memref<80xi32, #tpu.memory_space<hbm>>
    tpu.wait_dma2 semaphore(%arg15 : memref<!tpu.dma_semaphore, #tpu.memory_space<semaphore_mem>>) src(%dma_wait3A_40 : memref<80xi32, #tpu.memory_space<hbm>>) dst(%arg8 : memref<80xi32, #tpu.memory_space<vmem>>)
    %dma_wait3A_41 = arith.constant 0 : i32
    %dma_wait3A_42 = arith.constant 0 : i32
    %dma_wait3A_43 = tpu.memref_slice %arg7[%dma_wait3A_41, %dma_wait3A_42] : memref<125x80xi32, #tpu.memory_space<vmem>> -> memref<1x80xi32, #tpu.memory_space<vmem>>
    %dma_wait3A_44 = tpu.memref_squeeze %dma_wait3A_43 : memref<1x80xi32, #tpu.memory_space<vmem>> -> memref<80xi32, #tpu.memory_space<vmem>>
    %dma_wait3A_45 = arith.constant 0 : i32
    %dma_wait3A_46 = arith.constant 0 : i32
    %dma_wait3A_47 = tpu.memref_slice %arg2[%dma_wait3A_45, %dma_wait3A_46] : memref<10000x128xf32, #tpu.memory_space<hbm>> -> memref<10000x128xf32, #tpu.memory_space<hbm>>
    tpu.wait_indirect_dma semaphore(%arg13 : memref<!tpu.dma_semaphore, #tpu.memory_space<semaphore_mem>>) src(%dma_wait3A_47 : memref<10000x128xf32, #tpu.memory_space<hbm>>) dst(%arg10 : memref<80x128xf32, #tpu.memory_space<vmem>>)
    "tpu.region"() ({
      %run_scoped3A = tpu.sem_alloc : memref<!tpu.dma_semaphore, #tpu.memory_space<semaphore_mem>>
      %dma_start3A_53 = arith.constant 0 : i32
      %dma_start3A_54 = arith.constant 0 : i32
      %dma_start3A_55 = tpu.memref_slice %arg12[%dma_start3A_53, %dma_start3A_54] : memref<10240x128xf32, #tpu.memory_space<vmem_shared>> -> memref<10240x128xf32, #tpu.memory_space<vmem_shared>>
      tpu.enqueue_indirect_dma source(%arg10 : memref<80x128xf32, #tpu.memory_space<vmem>>) target(%dma_start3A_55 : memref<10240x128xf32, #tpu.memory_space<vmem_shared>>) offsets(%arg8 : memref<80xi32, #tpu.memory_space<vmem>>) semaphore(%run_scoped3A : memref<!tpu.dma_semaphore, #tpu.memory_space<semaphore_mem>>) {add = true}
      %dma_wait3A_56 = arith.constant 0 : i32
      %dma_wait3A_57 = arith.constant 0 : i32
      %dma_wait3A_58 = tpu.memref_slice %arg12[%dma_wait3A_56, %dma_wait3A_57] : memref<10240x128xf32, #tpu.memory_space<vmem_shared>> -> memref<10240x128xf32, #tpu.memory_space<vmem_shared>>
      tpu.wait_indirect_dma semaphore(%run_scoped3A : memref<!tpu.dma_semaphore, #tpu.memory_space<semaphore_mem>>) src(%arg10 : memref<80x128xf32, #tpu.memory_space<vmem>>) dst(%dma_wait3A_58 : memref<10240x128xf32, #tpu.memory_space<vmem_shared>>)
      tpu.yield
    }) : () -> ()
    %barrier3A_48 = arith.constant 0 : index
    tpu.barrier barrier_id(%barrier3A_48)
    %mul3A_49 = arith.constant 640 : i32
    %mul3A_50 = arith.muli %arg1, %mul3A_49 : i32
    %mul3A_51 = arith.constant 640 : i32
    %mul3A_52 = arith.muli %arg1, %mul3A_51 : i32
    "tpu.region"() ({
      %run_scoped3A = tpu.sem_alloc : memref<!tpu.dma_semaphore, #tpu.memory_space<semaphore_mem>>
      %dma_start3A_53 = arith.constant 0 : i32
      %dma_start3A_54 = tpu.memref_slice %arg6[%arg0, %mul3A_52, %dma_start3A_53] : memref<2x10240x128xf32, #tpu.memory_space<hbm>> -> memref<1x640x128xf32, #tpu.memory_space<hbm>>
      %dma_start3A_55 = tpu.memref_squeeze %dma_start3A_54 : memref<1x640x128xf32, #tpu.memory_space<hbm>> -> memref<640x128xf32, #tpu.memory_space<hbm>>
      %dma_start3A_56 = arith.constant 0 : i32
      %dma_start3A_57 = tpu.memref_slice %arg12[%mul3A_50, %dma_start3A_56] : memref<10240x128xf32, #tpu.memory_space<vmem_shared>> -> memref<640x128xf32, #tpu.memory_space<vmem_shared>>
      tpu.enqueue_dma source(%dma_start3A_57 : memref<640x128xf32, #tpu.memory_space<vmem_shared>>) target(%dma_start3A_55 : memref<640x128xf32, #tpu.memory_space<hbm>>) target_semaphore(%run_scoped3A : memref<!tpu.dma_semaphore, #tpu.memory_space<semaphore_mem>>)
      %dma_wait3A_58 = arith.constant 0 : i32
      %dma_wait3A_59 = tpu.memref_slice %arg6[%arg0, %mul3A_52, %dma_wait3A_58] : memref<2x10240x128xf32, #tpu.memory_space<hbm>> -> memref<1x640x128xf32, #tpu.memory_space<hbm>>
      %dma_wait3A_60 = tpu.memref_squeeze %dma_wait3A_59 : memref<1x640x128xf32, #tpu.memory_space<hbm>> -> memref<640x128xf32, #tpu.memory_space<hbm>>
      %dma_wait3A_61 = arith.constant 0 : i32
      %dma_wait3A_62 = tpu.memref_slice %arg12[%mul3A_50, %dma_wait3A_61] : memref<10240x128xf32, #tpu.memory_space<vmem_shared>> -> memref<640x128xf32, #tpu.memory_space<vmem_shared>>
      tpu.wait_dma2 semaphore(%run_scoped3A : memref<!tpu.dma_semaphore, #tpu.memory_space<semaphore_mem>>) src(%dma_wait3A_62 : memref<640x128xf32, #tpu.memory_space<vmem_shared>>) dst(%dma_wait3A_60 : memref<640x128xf32, #tpu.memory_space<hbm>>)
      tpu.yield
    }) : () -> ()
    return
  }
}

module attributes {stable_mosaic.version = 14 : i64} {
  func.func @_mm1_body(%arg0: i32, %arg1: memref<10000x128xf32, #tpu.memory_space<vmem>>, %arg2: memref<128x128xf32, #tpu.memory_space<vmem>>, %arg3: memref<2x10000x128xf32, #tpu.memory_space<vmem>>, %arg4: memref<10000x128xf32, #tpu.memory_space<vmem>>, %arg5: memref<10000x8xf32, #tpu.memory_space<vmem>>) attributes {dimension_semantics = [#tpu.dimension_semantics<arbitrary>], iteration_bounds = array<i64: 1>, scalar_prefetch = 0 : i64, scratch_operands = 0 : i64, tpu.core_type = #tpu.core_type<tc>, window_params = [{transform_indices = @transform_0, window_bounds = array<i64: 10000, 128>}, {pipeline_mode = #tpu.pipeline_mode<synchronous>, transform_indices = @transform_1, window_bounds = array<i64: 128, 128>}, {transform_indices = @transform_2, window_bounds = array<i64: 2, 10000, 128>}, {transform_indices = @transform_3, window_bounds = array<i64: 10000, 128>}, {transform_indices = @transform_4, window_bounds = array<i64: 10000, 8>}]} {
    %get3A = arith.constant 0 : index
    %get3A_0 = arith.constant 0 : index
    %get3A_1 = vector.load %arg1[%get3A, %get3A_0] : memref<10000x128xf32, #tpu.memory_space<vmem>>, vector<10000x128xf32>
    %get3A_2 = arith.constant 0 : index
    %get3A_3 = arith.constant 0 : index
    %get3A_4 = vector.load %arg2[%get3A_2, %get3A_3] : memref<128x128xf32, #tpu.memory_space<vmem>>, vector<128x128xf32>
    %dot_general3A = arith.constant dense<0.000000e+00> : vector<10000x128xf32>
    %dot_general3A_5 = tpu.matmul %get3A_1, %get3A_4, %dot_general3A {dimension_numbers = #tpu.dot_dimension_numbers<[1], [0], [0], [1], [0, 0, 1, 1], [], []>, transpose_lhs_hint = false} : vector<10000x128xf32>, vector<128x128xf32>, vector<10000x128xf32> -> vector<10000x128xf32>
    %get3A_6 = arith.constant 0 : index
    %get3A_7 = arith.constant 0 : index
    %get3A_8 = arith.constant 0 : index
    %get3A_9 = vector.load %arg3[%get3A_6, %get3A_7, %get3A_8] : memref<2x10000x128xf32, #tpu.memory_space<vmem>>, vector<1x10000x1xf32>
    %get3A_10 = vector.shape_cast %get3A_9 : vector<1x10000x1xf32> to vector<10000x1xf32>
    %get3A_11 = arith.constant 1 : index
    %get3A_12 = arith.constant 0 : index
    %get3A_13 = arith.constant 0 : index
    %get3A_14 = vector.load %arg3[%get3A_11, %get3A_12, %get3A_13] : memref<2x10000x128xf32, #tpu.memory_space<vmem>>, vector<1x10000x1xf32>
    %get3A_15 = vector.shape_cast %get3A_14 : vector<1x10000x1xf32> to vector<10000x1xf32>
    %add3A = arith.addf %get3A_10, %get3A_15 : vector<10000x1xf32>
    %add3A_16 = arith.constant 1.000000e+00 : f32
    %add3A_17 = vector.broadcast %add3A_16 : f32 to vector<10000x1xf32>
    %add3A_18 = arith.addf %add3A, %add3A_17 : vector<10000x1xf32>
    %rsqrt3A = math.rsqrt %add3A_18 : vector<10000x1xf32>
    %broadcast_in_dim3A = vector.shape_cast %rsqrt3A : vector<10000x1xf32> to vector<10000x1xf32>
    %broadcast_in_dim3A_19 = vector.broadcast %broadcast_in_dim3A : vector<10000x1xf32> to vector<10000x8xf32>
    %swap3A = arith.constant 0 : index
    %swap3A_20 = arith.constant 0 : index
    %swap3A_21 = vector.load %arg5[%swap3A, %swap3A_20] : memref<10000x8xf32, #tpu.memory_space<vmem>>, vector<10000x8xf32>
    tpu.vector_store %arg5[%swap3A, %swap3A_20], %broadcast_in_dim3A_19 {strides = array<i32>} : memref<10000x8xf32, #tpu.memory_space<vmem>>, vector<10000x8xf32>,
    %mul3A = vector.broadcast %rsqrt3A : vector<10000x1xf32> to vector<10000x128xf32>
    %mul3A_22 = arith.mulf %dot_general3A_5, %mul3A : vector<10000x128xf32>
    %swap3A_23 = arith.constant 0 : index
    %swap3A_24 = arith.constant 0 : index
    %swap3A_25 = vector.load %arg4[%swap3A_23, %swap3A_24] : memref<10000x128xf32, #tpu.memory_space<vmem>>, vector<10000x128xf32>
    tpu.vector_store %arg4[%swap3A_23, %swap3A_24], %mul3A_22 {strides = array<i32>} : memref<10000x128xf32, #tpu.memory_space<vmem>>, vector<10000x128xf32>,
    return
  }
  func.func @transform_0(%arg0: i32) -> (i32, i32) {
    %c0_i32 = arith.constant 0 : i32
    %c0_i32_0 = arith.constant 0 : i32
    return %arg0, %c0_i32 : i32, i32
  }
  func.func @transform_1(%arg0: i32) -> (i32, i32) {
    %c0_i32 = arith.constant 0 : i32
    %c0_i32_0 = arith.constant 0 : i32
    %c0_i32_1 = arith.constant 0 : i32
    return %c0_i32, %c0_i32_0 : i32, i32
  }
  func.func @transform_2(%arg0: i32) -> (i32, i32, i32) {
    %c0_i32 = arith.constant 0 : i32
    %c0_i32_0 = arith.constant 0 : i32
    %c0_i32_1 = arith.constant 0 : i32
    return %c0_i32, %arg0, %c0_i32_0 : i32, i32, i32
  }
  func.func @transform_3(%arg0: i32) -> (i32, i32) {
    %c0_i32 = arith.constant 0 : i32
    %c0_i32_0 = arith.constant 0 : i32
    return %arg0, %c0_i32 : i32, i32
  }
  func.func @transform_4(%arg0: i32) -> (i32, i32) {
    %c0_i32 = arith.constant 0 : i32
    %c0_i32_0 = arith.constant 0 : i32
    return %arg0, %c0_i32 : i32, i32
  }
}

module attributes {stable_mosaic.version = 14 : i64} {
  func.func @_mid_body(%arg0: i32, %arg1: memref<2x10000x128xf32, #tpu.memory_space<vmem>>, %arg2: memref<10000x128xf32, #tpu.memory_space<vmem>>, %arg3: memref<10000x8xf32, #tpu.memory_space<vmem>>, %arg4: memref<1x128xf32, #tpu.memory_space<vmem>>, %arg5: memref<128x128xf32, #tpu.memory_space<vmem>>, %arg6: memref<10000x128xf32, #tpu.memory_space<vmem>>) attributes {dimension_semantics = [#tpu.dimension_semantics<arbitrary>], iteration_bounds = array<i64: 1>, scalar_prefetch = 0 : i64, scratch_operands = 0 : i64, tpu.core_type = #tpu.core_type<tc>, window_params = [{transform_indices = @transform_0, window_bounds = array<i64: 2, 10000, 128>}, {transform_indices = @transform_1, window_bounds = array<i64: 10000, 128>}, {transform_indices = @transform_2, window_bounds = array<i64: 10000, 8>}, {pipeline_mode = #tpu.pipeline_mode<synchronous>, transform_indices = @transform_3, window_bounds = array<i64: 1, 128>}, {pipeline_mode = #tpu.pipeline_mode<synchronous>, transform_indices = @transform_4, window_bounds = array<i64: 128, 128>}, {transform_indices = @transform_5, window_bounds = array<i64: 10000, 128>}]} {
    %get3A = arith.constant 0 : index
    %get3A_0 = arith.constant 0 : index
    %get3A_1 = vector.load %arg3[%get3A, %get3A_0] : memref<10000x8xf32, #tpu.memory_space<vmem>>, vector<10000x1xf32>
    %get3A_2 = arith.constant 0 : index
    %get3A_3 = arith.constant 0 : index
    %get3A_4 = arith.constant 0 : index
    %get3A_5 = vector.load %arg1[%get3A_2, %get3A_3, %get3A_4] : memref<2x10000x128xf32, #tpu.memory_space<vmem>>, vector<1x10000x128xf32>
    %get3A_6 = vector.shape_cast %get3A_5 : vector<1x10000x128xf32> to vector<10000x128xf32>
    %get3A_7 = arith.constant 1 : index
    %get3A_8 = arith.constant 0 : index
    %get3A_9 = arith.constant 0 : index
    %get3A_10 = vector.load %arg1[%get3A_7, %get3A_8, %get3A_9] : memref<2x10000x128xf32, #tpu.memory_space<vmem>>, vector<1x10000x128xf32>
    %get3A_11 = vector.shape_cast %get3A_10 : vector<1x10000x128xf32> to vector<10000x128xf32>
    %add3A = arith.addf %get3A_6, %get3A_11 : vector<10000x128xf32>
    %get3A_12 = arith.constant 0 : index
    %get3A_13 = arith.constant 0 : index
    %get3A_14 = vector.load %arg2[%get3A_12, %get3A_13] : memref<10000x128xf32, #tpu.memory_space<vmem>>, vector<10000x128xf32>
    %add3A_15 = arith.addf %add3A, %get3A_14 : vector<10000x128xf32>
    %mul3A = vector.broadcast %get3A_1 : vector<10000x1xf32> to vector<10000x128xf32>
    %mul3A_16 = arith.mulf %add3A_15, %mul3A : vector<10000x128xf32>
    %get3A_17 = arith.constant 0 : index
    %get3A_18 = arith.constant 0 : index
    %get3A_19 = vector.load %arg4[%get3A_17, %get3A_18] : memref<1x128xf32, #tpu.memory_space<vmem>>, vector<1x128xf32>
    %add3A_20 = vector.broadcast %get3A_19 : vector<1x128xf32> to vector<10000x128xf32>
    %add3A_21 = arith.addf %mul3A_16, %add3A_20 : vector<10000x128xf32>
    %max3A = arith.constant 0.000000e+00 : f32
    %max3A_22 = vector.broadcast %max3A : f32 to vector<10000x128xf32>
    %max3A_23 = arith.maximumf %add3A_21, %max3A_22 : vector<10000x128xf32>
    %get3A_24 = arith.constant 0 : index
    %get3A_25 = arith.constant 0 : index
    %get3A_26 = vector.load %arg5[%get3A_24, %get3A_25] : memref<128x128xf32, #tpu.memory_space<vmem>>, vector<128x128xf32>
    %dot_general3A = arith.constant dense<0.000000e+00> : vector<10000x128xf32>
    %dot_general3A_27 = tpu.matmul %max3A_23, %get3A_26, %dot_general3A {dimension_numbers = #tpu.dot_dimension_numbers<[1], [0], [0], [1], [0, 0, 1, 1], [], []>, transpose_lhs_hint = false} : vector<10000x128xf32>, vector<128x128xf32>, vector<10000x128xf32> -> vector<10000x128xf32>
    %mul3A_28 = vector.broadcast %get3A_1 : vector<10000x1xf32> to vector<10000x128xf32>
    %mul3A_29 = arith.mulf %dot_general3A_27, %mul3A_28 : vector<10000x128xf32>
    %swap3A = arith.constant 0 : index
    %swap3A_30 = arith.constant 0 : index
    %swap3A_31 = vector.load %arg6[%swap3A, %swap3A_30] : memref<10000x128xf32, #tpu.memory_space<vmem>>, vector<10000x128xf32>
    tpu.vector_store %arg6[%swap3A, %swap3A_30], %mul3A_29 {strides = array<i32>} : memref<10000x128xf32, #tpu.memory_space<vmem>>, vector<10000x128xf32>,
    return
  }
  func.func @transform_0(%arg0: i32) -> (i32, i32, i32) {
    %c0_i32 = arith.constant 0 : i32
    %c0_i32_0 = arith.constant 0 : i32
    %c0_i32_1 = arith.constant 0 : i32
    return %c0_i32, %arg0, %c0_i32_0 : i32, i32, i32
  }
  func.func @transform_1(%arg0: i32) -> (i32, i32) {
    %c0_i32 = arith.constant 0 : i32
    %c0_i32_0 = arith.constant 0 : i32
    return %arg0, %c0_i32 : i32, i32
  }
  func.func @transform_2(%arg0: i32) -> (i32, i32) {
    %c0_i32 = arith.constant 0 : i32
    %c0_i32_0 = arith.constant 0 : i32
    return %arg0, %c0_i32 : i32, i32
  }
  func.func @transform_3(%arg0: i32) -> (i32, i32) {
    %c0_i32 = arith.constant 0 : i32
    %c0_i32_0 = arith.constant 0 : i32
    %c0_i32_1 = arith.constant 0 : i32
    return %c0_i32, %c0_i32_0 : i32, i32
  }
  func.func @transform_4(%arg0: i32) -> (i32, i32) {
    %c0_i32 = arith.constant 0 : i32
    %c0_i32_0 = arith.constant 0 : i32
    %c0_i32_1 = arith.constant 0 : i32
    return %c0_i32, %c0_i32_0 : i32, i32
  }
  func.func @transform_5(%arg0: i32) -> (i32, i32) {
    %c0_i32 = arith.constant 0 : i32
    %c0_i32_0 = arith.constant 0 : i32
    return %arg0, %c0_i32 : i32, i32
  }
}

module attributes {stable_mosaic.version = 14 : i64} {
  func.func @_head_body(%arg0: i32, %arg1: memref<2x10000x128xf32, #tpu.memory_space<vmem>>, %arg2: memref<10000x128xf32, #tpu.memory_space<vmem>>, %arg3: memref<10000x8xf32, #tpu.memory_space<vmem>>, %arg4: memref<1x128xf32, #tpu.memory_space<vmem>>, %arg5: memref<1x1x10000xi32, #tpu.memory_space<vmem>>, %arg6: memref<16x64xf32, #tpu.memory_space<vmem>>, %arg7: memref<192x256xf32, #tpu.memory_space<vmem>>, %arg8: memref<1x256xf32, #tpu.memory_space<vmem>>, %arg9: memref<256x32xf32, #tpu.memory_space<vmem>>, %arg10: memref<1x32xf32, #tpu.memory_space<vmem>>, %arg11: memref<16x32xf32, #tpu.memory_space<vmem>>, %arg12: memref<16x128xf32, #tpu.memory_space<vmem>>, %arg13: memref<16x128xf32, #tpu.memory_space<vmem>>) attributes {dimension_semantics = [#tpu.dimension_semantics<arbitrary>], iteration_bounds = array<i64: 1>, scalar_prefetch = 0 : i64, scratch_operands = 2 : i64, tpu.core_type = #tpu.core_type<tc>, window_params = [{transform_indices = @transform_0, window_bounds = array<i64: 2, 10000, 128>}, {transform_indices = @transform_1, window_bounds = array<i64: 10000, 128>}, {transform_indices = @transform_2, window_bounds = array<i64: 10000, 8>}, {pipeline_mode = #tpu.pipeline_mode<synchronous>, transform_indices = @transform_3, window_bounds = array<i64: 1, 128>}, {transform_indices = @transform_4, window_bounds = array<i64: 1, 1, 10000>}, {pipeline_mode = #tpu.pipeline_mode<synchronous>, transform_indices = @transform_5, window_bounds = array<i64: 16, 64>}, {pipeline_mode = #tpu.pipeline_mode<synchronous>, transform_indices = @transform_6, window_bounds = array<i64: 192, 256>}, {pipeline_mode = #tpu.pipeline_mode<synchronous>, transform_indices = @transform_7, window_bounds = array<i64: 1, 256>}, {pipeline_mode = #tpu.pipeline_mode<synchronous>, transform_indices = @transform_8, window_bounds = array<i64: 256, 32>}, {pipeline_mode = #tpu.pipeline_mode<synchronous>, transform_indices = @transform_9, window_bounds = array<i64: 1, 32>}, {pipeline_mode = #tpu.pipeline_mode<synchronous>, transform_indices = @transform_10, window_bounds = array<i64: 16, 32>}]} {
    %eq3A = arith.constant 0 : i32
    %eq3A_0 = arith.cmpi eq, %arg0, %eq3A : i32
    %convert_element_type3A = arith.extui %eq3A_0 : i1 to i32
    %cond3A = arith.constant 0 : i32
    %cond3A_1 = arith.cmpi ne, %convert_element_type3A, %cond3A : i32
    scf.if %cond3A_1 {
      %broadcast_in_dim3A_56 = arith.constant 0.000000e+00 : f32
      %broadcast_in_dim3A_57 = vector.broadcast %broadcast_in_dim3A_56 : f32 to vector<16x128xf32>
      %swap3A_58 = arith.constant 0 : index
      %swap3A_59 = arith.constant 0 : index
      %swap3A_60 = vector.load %arg12[%swap3A_58, %swap3A_59] : memref<16x128xf32, #tpu.memory_space<vmem>>, vector<16x128xf32>
      tpu.vector_store %arg12[%swap3A_58, %swap3A_59], %broadcast_in_dim3A_57 {strides = array<i32>} : memref<16x128xf32, #tpu.memory_space<vmem>>, vector<16x128xf32>,
      %broadcast_in_dim3A_61 = arith.constant 0.000000e+00 : f32
      %broadcast_in_dim3A_62 = vector.broadcast %broadcast_in_dim3A_61 : f32 to vector<16x128xf32>
      %swap3A_63 = arith.constant 0 : index
      %swap3A_64 = arith.constant 0 : index
      %swap3A_65 = vector.load %arg13[%swap3A_63, %swap3A_64] : memref<16x128xf32, #tpu.memory_space<vmem>>, vector<16x128xf32>
      tpu.vector_store %arg13[%swap3A_63, %swap3A_64], %broadcast_in_dim3A_62 {strides = array<i32>} : memref<16x128xf32, #tpu.memory_space<vmem>>, vector<16x128xf32>,
    } else {
    }
    %get3A = arith.constant 0 : index
    %get3A_2 = arith.constant 0 : index
    %get3A_3 = vector.load %arg3[%get3A, %get3A_2] : memref<10000x8xf32, #tpu.memory_space<vmem>>, vector<10000x1xf32>
    %get3A_4 = arith.constant 0 : index
    %get3A_5 = arith.constant 0 : index
    %get3A_6 = arith.constant 0 : index
    %get3A_7 = vector.load %arg1[%get3A_4, %get3A_5, %get3A_6] : memref<2x10000x128xf32, #tpu.memory_space<vmem>>, vector<1x10000x128xf32>
    %get3A_8 = vector.shape_cast %get3A_7 : vector<1x10000x128xf32> to vector<10000x128xf32>
    %get3A_9 = arith.constant 1 : index
    %get3A_10 = arith.constant 0 : index
    %get3A_11 = arith.constant 0 : index
    %get3A_12 = vector.load %arg1[%get3A_9, %get3A_10, %get3A_11] : memref<2x10000x128xf32, #tpu.memory_space<vmem>>, vector<1x10000x128xf32>
    %get3A_13 = vector.shape_cast %get3A_12 : vector<1x10000x128xf32> to vector<10000x128xf32>
    %add3A = arith.addf %get3A_8, %get3A_13 : vector<10000x128xf32>
    %get3A_14 = arith.constant 0 : index
    %get3A_15 = arith.constant 0 : index
    %get3A_16 = vector.load %arg2[%get3A_14, %get3A_15] : memref<10000x128xf32, #tpu.memory_space<vmem>>, vector<10000x128xf32>
    %add3A_17 = arith.addf %add3A, %get3A_16 : vector<10000x128xf32>
    %mul3A = vector.broadcast %get3A_3 : vector<10000x1xf32> to vector<10000x128xf32>
    %mul3A_18 = arith.mulf %add3A_17, %mul3A : vector<10000x128xf32>
    %get3A_19 = arith.constant 0 : index
    %get3A_20 = arith.constant 0 : index
    %get3A_21 = vector.load %arg4[%get3A_19, %get3A_20] : memref<1x128xf32, #tpu.memory_space<vmem>>, vector<1x128xf32>
    %add3A_22 = vector.broadcast %get3A_21 : vector<1x128xf32> to vector<10000x128xf32>
    %add3A_23 = arith.addf %mul3A_18, %add3A_22 : vector<10000x128xf32>
    %max3A = arith.constant 0.000000e+00 : f32
    %max3A_24 = vector.broadcast %max3A : f32 to vector<10000x128xf32>
    %max3A_25 = arith.maximumf %add3A_23, %max3A_24 : vector<10000x128xf32>
    %iota3A = tpu.iota {dimensions = array<i32: 0>} : vector<16x10000xi32>
    %get3A_26 = arith.constant 0 : index
    %get3A_27 = arith.constant 0 : index
    %get3A_28 = arith.constant 0 : index
    %get3A_29 = vector.load %arg5[%get3A_26, %get3A_27, %get3A_28] : memref<1x1x10000xi32, #tpu.memory_space<vmem>>, vector<1x1x10000xi32>
    %get3A_30 = vector.shape_cast %get3A_29 : vector<1x1x10000xi32> to vector<1x10000xi32>
    %eq3A_31 = vector.broadcast %get3A_30 : vector<1x10000xi32> to vector<16x10000xi32>
    %eq3A_32 = arith.cmpi eq, %eq3A_31, %iota3A : vector<16x10000xi32>
    %convert_element_type3A_33 = arith.extui %eq3A_32 : vector<16x10000xi1> to vector<16x10000xi32>
    %convert_element_type3A_34 = arith.sitofp %convert_element_type3A_33 : vector<16x10000xi32> to vector<16x10000xf32>
    %get3A_35 = arith.constant 0 : index
    %get3A_36 = arith.constant 0 : index
    %get3A_37 = vector.load %arg12[%get3A_35, %get3A_36] : memref<16x128xf32, #tpu.memory_space<vmem>>, vector<16x128xf32>
    %dot_general3A = arith.constant dense<0.000000e+00> : vector<16x128xf32>
    %dot_general3A_38 = tpu.matmul %convert_element_type3A_34, %max3A_25, %dot_general3A {dimension_numbers = #tpu.dot_dimension_numbers<[1], [0], [0], [1], [0, 0, 1, 1], [], []>, transpose_lhs_hint = false} : vector<16x10000xf32>, vector<10000x128xf32>, vector<16x128xf32> -> vector<16x128xf32>
    %add3A_39 = arith.addf %get3A_37, %dot_general3A_38 : vector<16x128xf32>
    %swap3A = arith.constant 0 : index
    %swap3A_40 = arith.constant 0 : index
    %swap3A_41 = vector.load %arg12[%swap3A, %swap3A_40] : memref<16x128xf32, #tpu.memory_space<vmem>>, vector<16x128xf32>
    tpu.vector_store %arg12[%swap3A, %swap3A_40], %add3A_39 {strides = array<i32>} : memref<16x128xf32, #tpu.memory_space<vmem>>, vector<16x128xf32>,
    %get3A_42 = arith.constant 0 : index
    %get3A_43 = arith.constant 0 : index
    %get3A_44 = vector.load %arg13[%get3A_42, %get3A_43] : memref<16x128xf32, #tpu.memory_space<vmem>>, vector<16x128xf32>
    %reduce_sum3A = arith.constant dense<0.000000e+00> : vector<16xf32>
    %reduce_sum3A_45 = vector.multi_reduction <add>, %convert_element_type3A_34, %reduce_sum3A [1] : vector<16x10000xf32> to vector<16xf32>
    %broadcast_in_dim3A = vector.shape_cast %reduce_sum3A_45 : vector<16xf32> to vector<16x1xf32>
    %add3A_46 = vector.broadcast %broadcast_in_dim3A : vector<16x1xf32> to vector<16x128xf32>
    %add3A_47 = arith.addf %get3A_44, %add3A_46 : vector<16x128xf32>
    %swap3A_48 = arith.constant 0 : index
    %swap3A_49 = arith.constant 0 : index
    %swap3A_50 = vector.load %arg13[%swap3A_48, %swap3A_49] : memref<16x128xf32, #tpu.memory_space<vmem>>, vector<16x128xf32>
    tpu.vector_store %arg13[%swap3A_48, %swap3A_49], %add3A_47 {strides = array<i32>} : memref<16x128xf32, #tpu.memory_space<vmem>>, vector<16x128xf32>,
    %eq3A_51 = arith.constant 0 : i32
    %eq3A_52 = arith.cmpi eq, %arg0, %eq3A_51 : i32
    %convert_element_type3A_53 = arith.extui %eq3A_52 : i1 to i32
    %cond3A_54 = arith.constant 0 : i32
    %cond3A_55 = arith.cmpi ne, %convert_element_type3A_53, %cond3A_54 : i32
    scf.if %cond3A_55 {
      %get3A_56 = arith.constant 0 : index
      %get3A_57 = arith.constant 0 : index
      %get3A_58 = vector.load %arg12[%get3A_56, %get3A_57] : memref<16x128xf32, #tpu.memory_space<vmem>>, vector<16x128xf32>
      %get3A_59 = arith.constant 0 : index
      %get3A_60 = arith.constant 0 : index
      %get3A_61 = vector.load %arg13[%get3A_59, %get3A_60] : memref<16x128xf32, #tpu.memory_space<vmem>>, vector<16x128xf32>
      %max3A_62 = arith.constant 1.000000e+00 : f32
      %max3A_63 = vector.broadcast %max3A_62 : f32 to vector<16x128xf32>
      %max3A_64 = arith.maximumf %get3A_61, %max3A_63 : vector<16x128xf32>
      %div3A = arith.divf %get3A_58, %max3A_64 : vector<16x128xf32>
      %get3A_65 = arith.constant 0 : index
      %get3A_66 = arith.constant 0 : index
      %get3A_67 = vector.load %arg7[%get3A_65, %get3A_66] : memref<192x256xf32, #tpu.memory_space<vmem>>, vector<128x256xf32>
      %dot_general3A_68 = arith.constant dense<0.000000e+00> : vector<16x256xf32>
      %dot_general3A_69 = tpu.matmul %div3A, %get3A_67, %dot_general3A_68 {dimension_numbers = #tpu.dot_dimension_numbers<[1], [0], [0], [1], [0, 0, 1, 1], [], []>, transpose_lhs_hint = false} : vector<16x128xf32>, vector<128x256xf32>, vector<16x256xf32> -> vector<16x256xf32>
      %get3A_70 = arith.constant 0 : index
      %get3A_71 = arith.constant 0 : index
      %get3A_72 = vector.load %arg6[%get3A_70, %get3A_71] : memref<16x64xf32, #tpu.memory_space<vmem>>, vector<16x64xf32>
      %get3A_73 = arith.constant 128 : index
      %get3A_74 = arith.constant 0 : index
      %get3A_75 = vector.load %arg7[%get3A_73, %get3A_74] : memref<192x256xf32, #tpu.memory_space<vmem>>, vector<64x256xf32>
      %dot_general3A_76 = arith.constant dense<0.000000e+00> : vector<16x256xf32>
      %dot_general3A_77 = tpu.matmul %get3A_72, %get3A_75, %dot_general3A_76 {dimension_numbers = #tpu.dot_dimension_numbers<[1], [0], [0], [1], [0, 0, 1, 1], [], []>, transpose_lhs_hint = false} : vector<16x64xf32>, vector<64x256xf32>, vector<16x256xf32> -> vector<16x256xf32>
      %add3A_78 = arith.addf %dot_general3A_69, %dot_general3A_77 : vector<16x256xf32>
      %get3A_79 = arith.constant 0 : index
      %get3A_80 = arith.constant 0 : index
      %get3A_81 = vector.load %arg8[%get3A_79, %get3A_80] : memref<1x256xf32, #tpu.memory_space<vmem>>, vector<1x256xf32>
      %add3A_82 = vector.broadcast %get3A_81 : vector<1x256xf32> to vector<16x256xf32>
      %add3A_83 = arith.addf %add3A_78, %add3A_82 : vector<16x256xf32>
      %max3A_84 = arith.constant 0.000000e+00 : f32
      %max3A_85 = vector.broadcast %max3A_84 : f32 to vector<16x256xf32>
      %max3A_86 = arith.maximumf %add3A_83, %max3A_85 : vector<16x256xf32>
      %get3A_87 = arith.constant 0 : index
      %get3A_88 = arith.constant 0 : index
      %get3A_89 = vector.load %arg9[%get3A_87, %get3A_88] : memref<256x32xf32, #tpu.memory_space<vmem>>, vector<256x32xf32>
      %dot_general3A_90 = arith.constant dense<0.000000e+00> : vector<16x32xf32>
      %dot_general3A_91 = tpu.matmul %max3A_86, %get3A_89, %dot_general3A_90 {dimension_numbers = #tpu.dot_dimension_numbers<[1], [0], [0], [1], [0, 0, 1, 1], [], []>, transpose_lhs_hint = false} : vector<16x256xf32>, vector<256x32xf32>, vector<16x32xf32> -> vector<16x32xf32>
      %get3A_92 = arith.constant 0 : index
      %get3A_93 = arith.constant 0 : index
      %get3A_94 = vector.load %arg10[%get3A_92, %get3A_93] : memref<1x32xf32, #tpu.memory_space<vmem>>, vector<1x32xf32>
      %add3A_95 = vector.broadcast %get3A_94 : vector<1x32xf32> to vector<16x32xf32>
      %add3A_96 = arith.addf %dot_general3A_91, %add3A_95 : vector<16x32xf32>
      %tanh3A = math.tanh %add3A_96 : vector<16x32xf32>
      %swap3A_97 = arith.constant 0 : index
      %swap3A_98 = arith.constant 0 : index
      %swap3A_99 = vector.load %arg11[%swap3A_97, %swap3A_98] : memref<16x32xf32, #tpu.memory_space<vmem>>, vector<16x32xf32>
      tpu.vector_store %arg11[%swap3A_97, %swap3A_98], %tanh3A {strides = array<i32>} : memref<16x32xf32, #tpu.memory_space<vmem>>, vector<16x32xf32>,
    } else {
    }
    return
  }
  func.func @transform_0(%arg0: i32) -> (i32, i32, i32) {
    %c0_i32 = arith.constant 0 : i32
    %c0_i32_0 = arith.constant 0 : i32
    %c0_i32_1 = arith.constant 0 : i32
    return %c0_i32, %arg0, %c0_i32_0 : i32, i32, i32
  }
  func.func @transform_1(%arg0: i32) -> (i32, i32) {
    %c0_i32 = arith.constant 0 : i32
    %c0_i32_0 = arith.constant 0 : i32
    return %arg0, %c0_i32 : i32, i32
  }
  func.func @transform_2(%arg0: i32) -> (i32, i32) {
    %c0_i32 = arith.constant 0 : i32
    %c0_i32_0 = arith.constant 0 : i32
    return %arg0, %c0_i32 : i32, i32
  }
  func.func @transform_3(%arg0: i32) -> (i32, i32) {
    %c0_i32 = arith.constant 0 : i32
    %c0_i32_0 = arith.constant 0 : i32
    %c0_i32_1 = arith.constant 0 : i32
    return %c0_i32, %c0_i32_0 : i32, i32
  }
  func.func @transform_4(%arg0: i32) -> (i32, i32, i32) {
    %c0_i32 = arith.constant 0 : i32
    %c0_i32_0 = arith.constant 0 : i32
    %c0_i32_1 = arith.constant 0 : i32
    return %arg0, %c0_i32, %c0_i32_0 : i32, i32, i32
  }
  func.func @transform_5(%arg0: i32) -> (i32, i32) {
    %c0_i32 = arith.constant 0 : i32
    %c0_i32_0 = arith.constant 0 : i32
    %c0_i32_1 = arith.constant 0 : i32
    return %c0_i32, %c0_i32_0 : i32, i32
  }
  func.func @transform_6(%arg0: i32) -> (i32, i32) {
    %c0_i32 = arith.constant 0 : i32
    %c0_i32_0 = arith.constant 0 : i32
    %c0_i32_1 = arith.constant 0 : i32
    return %c0_i32, %c0_i32_0 : i32, i32
  }
  func.func @transform_7(%arg0: i32) -> (i32, i32) {
    %c0_i32 = arith.constant 0 : i32
    %c0_i32_0 = arith.constant 0 : i32
    %c0_i32_1 = arith.constant 0 : i32
    return %c0_i32, %c0_i32_0 : i32, i32
  }
  func.func @transform_8(%arg0: i32) -> (i32, i32) {
    %c0_i32 = arith.constant 0 : i32
    %c0_i32_0 = arith.constant 0 : i32
    %c0_i32_1 = arith.constant 0 : i32
    return %c0_i32, %c0_i32_0 : i32, i32
  }
  func.func @transform_9(%arg0: i32) -> (i32, i32) {
    %c0_i32 = arith.constant 0 : i32
    %c0_i32_0 = arith.constant 0 : i32
    %c0_i32_1 = arith.constant 0 : i32
    return %c0_i32, %c0_i32_0 : i32, i32
  }
  func.func @transform_10(%arg0: i32) -> (i32, i32) {
    %c0_i32 = arith.constant 0 : i32
    %c0_i32_0 = arith.constant 0 : i32
    %c0_i32_1 = arith.constant 0 : i32
    return %c0_i32, %c0_i32_0 : i32, i32
  }
}

</mosaic_0001>

<sc_bundles>
// kernel: kernel.11.cloned.1.call-start
scs
__scs_entry_jumppad:
0x0: {  	(pc) =	sbr.rel $0x88, $3  }
0x1: {  	(tag) =	ssettag $0x0;
	lr =	simm.s32 $0x1  }
0x2: {  	[smem:$0x3F95] =	sst lr;
	_ =	strace $0xD0000000  }
0x3: {  	_ = 	snop  }
0x4: {  	_ = 	snop  }
0x5: {  	_ = 	snop  }
0x6: {  	_ = 	snop  }
0x7: {  	_ = 	snop  }
__scs_overlays_trampoline_lowered:
0x8: {  	[smem:$0x3FA4] =	sst s0  }
0x9: {  	[smem:$0x3FA5] =	sst s1  }
0xa: {  	[smem:$0x3FA6] =	sst s2  }
0xb: {  	[smem:$0x3FA7] =	sst s3  }
0xc: {  	[smem:$0x3FA8] =	sst s4  }
0xd: {  	[smem:$0x3FA9] =	sst s5  }
0xe: {  	[smem:$0x3FAA] =	sst s6  }
0xf: {  	[smem:$0x3FAB] =	sst s7  }
0x10: {  	[smem:$0x3FAC] =	sst s8  }
0x11: {  	[smem:$0x3FAD] =	sst s9;
	s0 =	simm.s32 @!p0 $0x0  }
0x12: {  	s1 =	sld [smem:$0x3F93];
	s0 =	simm.s32 @p0 $0x1  }
0x13: {  	[smem:$0x3FAE] =	sst s0;
	s0 =	simm.s32 @!p1 $0x0  }
0x14: {  	s2 =	sld [smem:$0x3F92];
	s0 =	simm.s32 @p1 $0x1  }
0x15: {  	[smem:$0x3FAF] =	sst s0;
	s0 =	simm.s32 @!p2 $0x0  }
0x16: {  	s3 =	sld [smem:$0x3FDB];
	s0 =	simm.s32 @p2 $0x1  }
0x17: {  	s4 =	simm.s32 $0x1BF5;
	[smem:$0x3FB1] =	sst s0  }
0x18: {  	s0 =	sld [smem:$0x3F94];
	_ =	swait.ge [sflag:s4], $0x0  }
0x19: {  	s7 =	sld [smem:$0x3F95]  }
0x1a: {  	s8 =	sadd.s32 $0xFFFFE003, lr  }
0x1b: {  	s9 =	sadd.s32 $0xFFFFFEF7, lr;
	s5 =	simm.s32 $0xFFFFFFFF;
	p2 =	slt.u32 s8, $0xFFFFF086  }
0x1c: {  	p1 =	slt.u32 s9, $0xF7A;
	s5 =	simm.s32 @!p2 $0x0  }
0x1d: {  	s5 =	simm.s32 @p1 $0x1;
	p0 =	seq.s32 s7, s2  }
0x1e: {  	s7 =	smul.u32 @!p0 $0xF7A, s2;
	p2 =	seq.s32 @!p0 s5, $0x0  }
0x1f: {  	s9 =	smul.u32 $0xF7A, s1;
	s8 =	simm.s32 @!p0 $0x1BF5;
	p2 =	por !p2, p0  }
0x20: {  	[sflag:s8] =	ssyncset.s32 @!p0 $0xFFFFF086;
	s6 =	sadd.s32 @!p0 s3, s7;
	s7 =	simm.s32 @!p0 $0x108  }
0x21: {  	s3 =	sadd.s32 s3, s9;
	s6 =	sadd.s32 @!p0 $0x88, s6;
	s7 =	simm.s32 @p2 $0x1082  }
0x22: {  	[simem:s7], [sflag:s8] =	dma.local @!p0 [hbm:s6], $0xF7A  }
0x23: {  	s9 =	sor.u32 $0xD0000000, s2;
	s6 =	simm.s32 $0x108;
	_ =	swait.ge @!p0 [sflag:s8], $0x0  }
0x24: {  	s3 =	sadd.s32 $0x88, s3;
	s6 =	simm.s32 @!p1 $0x1082;
	[sflag:s4] =	ssyncset.s32 $0xFFFFF086  }
0x25: {  	[simem:s6], [sflag:s4] =	dma.local [hbm:s3], $0xF7A  }
0x26: {  	[smem:$0x3F95] =	sst s1;
	(tag) =	ssettag s2;
	_ =	strace s9  }
0x27: {  	s1 =	sld [smem:$0x3FA5]  }
0x28: {  	s2 =	sld [smem:$0x3FA6]  }
0x29: {  	s4 =	sld [smem:$0x3FA8]  }
0x2a: {  	p0 =	seq.s32 s5, $0x0;
	s5 =	sld [smem:$0x3FA9]  }
0x2b: {  	s6 =	sld [smem:$0x3FAA]  }
0x2c: {  	s7 =	sld [smem:$0x3FAB]  }
0x2d: {  	s3 =	simm.s32 $0x108;
	s8 =	sld [smem:$0x3FAC]  }
0x2e: {  	s3 =	simm.s32 @!p0 $0x1082;
	s9 =	sld [smem:$0x3FAD]  }
0x2f: {  	lr =	sadd.s32 s0, s3;
	s0 =	sld [smem:$0x3FA4]  }
0x30: {  	s3 =	sld [smem:$0x3FA7]  }
0x31: {  	[smem:$0x3FB0] =	sst s10  }
0x32: {  	s10 =	sld [smem:$0x3FAE];
	_ =	sdelay $0x3  }
0x33: {  	p0 =	seq.s32 s10, $0x1;
	s10 =	sld [smem:$0x3FB0];
	_ =	sdelay $0x3  }
0x34: {  	[smem:$0x3FB0] =	sst s10  }
0x35: {  	s10 =	sld [smem:$0x3FAF];
	_ =	sdelay $0x3  }
0x36: {  	p1 =	seq.s32 s10, $0x1;
	s10 =	sld [smem:$0x3FB0];
	_ =	sdelay $0x3  }
0x37: {  	[smem:$0x3FB0] =	sst s10  }
0x38: {  	s10 =	sld [smem:$0x3FB1]  }
0x39: {  	_ = 	snop;
	(pc) =	sbr.ind lr, $3  }
0x3a: {  	_ = 	snop  }
0x3b: {  	_ = 	snop  }
0x3c: {  	p2 =	seq.s32 s10, $0x1;
	s10 =	sld [smem:$0x3FB0]  }
0x3d: {  	_ =	shalt  }
0x3e: {  	_ =	shalt  }
0x3f: {  	_ =	shalt  }
0x40: {  	_ =	shalt  }
0x41: {  	_ =	shalt  }
0x42: {  	_ =	shalt  }
0x43: {  	_ =	shalt  }
0x44: {  	_ =	shalt  }
0x45: {  	_ =	shalt  }
0x46: {  	_ =	shalt  }
0x47: {  	_ =	shalt  }
0x48: {  	_ =	shalt  }
0x49: {  	_ =	shalt  }
0x4a: {  	_ =	shalt  }
0x4b: {  	_ =	shalt  }
0x4c: {  	_ =	shalt  }
0x4d: {  	_ =	shalt  }
0x4e: {  	_ =	shalt  }
0x4f: {  	_ =	shalt  }
0x50: {  	_ =	shalt  }
0x51: {  	_ =	shalt  }
0x52: {  	_ =	shalt  }
0x53: {  	_ =	shalt  }
0x54: {  	_ =	shalt  }
0x55: {  	_ =	shalt  }
0x56: {  	_ =	shalt  }
0x57: {  	_ =	shalt  }
0x58: {  	_ =	shalt  }
0x59: {  	_ =	shalt  }
0x5a: {  	_ =	shalt  }
0x5b: {  	_ =	shalt  }
0x5c: {  	_ =	shalt  }
0x5d: {  	_ =	shalt  }
0x5e: {  	_ =	shalt  }
0x5f: {  	_ =	shalt  }
0x60: {  	_ =	shalt  }
0x61: {  	_ =	shalt  }
0x62: {  	_ =	shalt  }
0x63: {  	_ =	shalt  }
0x64: {  	_ =	shalt  }
0x65: {  	_ =	shalt  }
0x66: {  	_ =	shalt  }
0x67: {  	_ =	shalt  }
0x68: {  	_ =	shalt  }
0x69: {  	_ =	shalt  }
0x6a: {  	_ =	shalt  }
0x6b: {  	_ =	shalt  }
0x6c: {  	_ =	shalt  }
0x6d: {  	_ =	shalt  }
0x6e: {  	_ =	shalt  }
0x6f: {  	_ =	shalt  }
0x70: {  	_ =	shalt  }
0x71: {  	_ =	shalt  }
0x72: {  	_ =	shalt  }
0x73: {  	_ =	shalt  }
0x74: {  	_ =	shalt  }
0x75: {  	_ =	shalt  }
0x76: {  	_ =	shalt  }
0x77: {  	_ =	shalt  }
0x78: {  	_ =	shalt  }
0x79: {  	_ =	shalt  }
0x7a: {  	_ =	shalt  }
0x7b: {  	_ =	shalt  }
0x7c: {  	_ =	shalt  }
0x7d: {  	_ =	shalt  }
0x7e: {  	_ =	shalt  }
0x7f: {  	_ =	shalt  }
0x80: {  	_ =	shalt  }
0x81: {  	_ =	shalt  }
0x82: {  	_ =	shalt  }
0x83: {  	_ =	shalt  }
0x84: {  	_ =	shalt  }
0x85: {  	_ =	shalt  }
0x86: {  	_ =	shalt  }
0x87: {  	_ =	shalt  }
.Lfunc_end0:
.L_simem_size_0:
called_computation.1_lowered:
.L_overlay_start_0:
0x88: {  	s2 =	sld [smem:$0x3FD9]  }
0x89: {  	s3 =	sld [smem:$0x3FFE];
	_ =	sdelay $0x1  }
0x8a: {  	s1 =	srdreg.scid  }
0x8b: {  	s0 =	sand.u32 $0x1, s1  }
0x8c: {  	s16 =	sshll.u32 s0, $0xA;
	s2 =	sadd.s32 s3, s2  }
0x8d: {  	s2 =	sadd.s32 s2, s16  }
0x8e: {  	[smem:$0x3FBC] =	sst s2  }
0x8f: {  	_ = 	snop  }
0x90: {  	(tm) =	ssettm $0x1  }
0x91: {  	s17 =	sld [smem:$0x3FFB];
	_ =	sdelay $0x3  }
0x92: {  	_ =	strace s17  }
0x93: {  	s2 =	sld [smem:$0x3FFC];
	_ =	sdelay $0x3  }
0x94: {  	_ =	strace s2  }
0x95: {  	s2 =	sld [smem:$0x3FFD];
	_ =	sdelay $0x3  }
0x96: {  	_ =	strace s2  }
0x97: {  	_ =	strace $0x8FFFFFFF  }
0x98: {  	s18 =	sld [smem:$0x3FDB];
	_ =	sdelay $0x1  }
0x99: {  	s19 =	simm.s32 $_scs_section_size  }
0x9a: {  	s4 =	simm.s32 $_size__tile_overlayer_lowered;
	s5 =	simm.s32 $_tile_overlayer_lowered  }
0x9b: {  	s22 =	simm.s32 $0x1BFF;
	s21 =	sshll.u32 s5, $0x1;
	s2 =	sadd.s32 s19, s18  }
0x9c: {  	s6 =	simm.s32 $0x0;
	s20 =	sshll.u32 s4, $0x1;
	s4 =	sadd.s32 s21, s2  }
0x9d: {  	[timem:s6], [sflag:s22] =	dma.local [hbm:s4], s20  }
0x9e: {  	_ =	swait.ge [sflag:s22], s20  }
0x9f: {  	s3 =	ssub.s32 $0x0, s20;
	[sflag:s22] =	ssyncset.done $0x0  }
0xa0: {  	[sflag:s22] =	ssyncadd.s32 s3;
	_ =	sdelay $0x1  }
0xa1: {  	s23 =	simm.s32 $0x1B8B  }
0xa2: {  	_ =	swait.ge [sflag:s23], $0x1  }
0xa3: {  	[sflag:s23] =	ssyncset.done $0x0  }
0xa4: {  	s25 =	simm.s32 $0x1B8E;
	s24 =	sld [smem:$0x3FFE];
	[sflag:s23] =	ssyncadd.s32 $0xFFFFFFFF  }
0xa5: {  	s26 =	simm.s32 $execute0_lowered;
	[smem:$0x3FD2] =	sst s25  }
0xa6: {  	s4 =	sshll.u32 s26, $0x1;
	_ =	strace $0x80000049;
	[dreg:$0x1] =	wrdreg $0xFFFFFFFF  }
0xa7: {  	s28 =	simm.s32 $_size_execute0_lowered;
	s2 =	sadd.s32 s2, s4;
	[dreg:$0x0] =	wrdreg $0x0  }
0xa8: {  	s4 =	sshll.u32 s28, $0x1;
	[dreg:$0x2] =	wrdreg s2  }
0xa9: {  	[dreg:$0x3] =	wrdreg s4  }
0xaa: {  	[dreg:$0x4] =	wrdreg $0xC0  }
0xab: {  	_ =	task [dreg:s6], $0x5FFFF  }
0xac: {  	[dreg:$0x1] =	wrdreg $0xFFFFFFFF  }
0xad: {  	[dreg:$0x0] =	wrdreg $0x60  }
0xae: {  	[dreg:$0x2] =	wrdreg s24  }
0xaf: {  	[dreg:$0x3] =	wrdreg $0x91000  }
0xb0: {  	[dreg:$0x4] =	wrdreg $0x9  }
0xb1: {  	_ =	task.clear_ibuf [dreg:s6], $0x5FFFF;
	_ =	strace $0x90000049  }
0xb2: {  	s29 =	simm.s32 $0x9;
	_ =	strace $0x8000004B  }
0xb3: {  	_ =	swait.ge [sflag:s29], $0x1  }
0xb4: {  	[sflag:s29] =	ssyncadd.s32 $0xFFFFFFFF  }
0xb5: {  	_ =	strace $0x9000004B  }
0xb6: {  	_ =	sfence  }
0xb7: {  	s30 =	sld [smem:$0x0];
	_ =	sdelay $0x2  }
0xb8: {  	s31 =	sshll.u32 s1, $0xD;
	s1 =	sshrl.u32 s1, $0x2  }
0xb9: {  	s3 =	sand.u32 $0x4000, s31;
	s1 =	sadd.s32 s1, s30  }
0xba: {  	s0 =	sor.u32 s3, s0;
	s1 =	sshll.u32 s1, $0x11  }
0xbb: {  	s0 =	sor.u32 s1, s0  }
0xbc: {  	s0 =	sadd.s32 $0x8F2B, s0  }
0xbd: {  	[sflag:s0] =	ssyncadd.remote.s32 $0x1  }
0xbe: {  	_ =	sfence.sel $0xFFFF  }
0xbf: {  	[dreg:$0x0] =	wrdreg $0xFFFFFFFF;
	(pc) =	sbr.abs _section_cstart, $3  }
0xc0: {  	[dreg:$0x1] =	wrdreg $0xFFFFFFFF  }
0xc1: {  	_ =	task.clear_ibuf [dreg:s6], $0x2FFFF;
	_ =	strace $0x9FFFFFFF  }
0xc2: {  	(tm) =	ssettm $0x7FFFFFFF  }
0xc3: {  	_ =	shalt  }
tec
execute0_lowered:
.L_overlay_start_1:
0x0: {  	(tag) =	ssettag $0x1  }
0x1: {  	s0 =	rddreg [dreg:$0x0];
	s3 =	srdreg.scid  }
0x2: {  	s2 =	rddreg [dreg:$0x1];
	s1 =	stileid.u32;
	s14 =	simm.s32 $0x5  }
0x3: {  	s17 =	simm.s32 $0x4000;
	s18 =	simm.s32 $0x50;
	s19 =	simm.s32 $0x4100  }
0x4: {  	s20 =	simm.s32 $0x4080;
	s22 =	simm.s32 $0x6900;
	s23 =	simm.s32 $0x3  }
0x5: {  	s24 =	simm.s32 $0x1;
	s25 =	simm.s32 $0x4;
	s26 =	simm.s32 $0x2  }
0x6: {  	s29 =	simm.s32 $0x0;
	s7 =	sand.u32 $0x1, s3;
	s5 =	sshll.u32 s1, $0xE  }
0x7: {  	s3 =	simm.s32 $0x0;
	s10 =	smul.u32 $0x14000, s1;
	s6 =	sadd.s32 $0x3200, s0  }
0x8: {  	s13 =	smul.u32 $0x50000, s1;
	s31 =	sshll.u32 s1, $0x6;
	s4 =	sshll.u32 s7, $0x12  }
0x9: {  	s8 =	smul.u32 $0x140000, s7;
	[smem:$0x7FF] =	sst s3;
	s28 =	ssub.s32 $0x2, s7  }
0xa: {  	s7 =	sadd.s32 $0x13200, s0;
	s15 =	sor.u32 $0x1C05, s31;
	s4 =	sor.u32 s5, s4  }
0xb: {  	_ =	strace $0x8000004A;
	s5 =	sadd.s32 $0x15A00, s0;
	s12 =	sshrl.u32 s28, $0x1  }
0xc: {  	s30 =	sshrl.u32 s13, $0x2;
	s9 =	sshrl.u32 s4, $0x3;
	s8 =	sadd.s32 s10, s8  }
0xd: {  	s12 =	ssub.s32 s28, s12;
	s16 =	sadd.s32 s30, s2;
	s11 =	sadd.s32 s9, s0  }
0xe: {  	s8 =	sshrl.u32 s8, $0x3;
	s9 =	sadd.s32 s6, s9;
	s12 =	smax.u32 s12, $0x1  }
0xf: {  	s16 =	sshrl.u32 s16, $0x3;
	s0 =	sadd.s32 s8, s0;
	s8 =	sadd.s32 $0x66000, s11  }
0x10: {  	s10 =	sadd.s32 $0x10, s9;
	s13 =	sadd.s32 $0x7C0, s9;
	s11 =	sadd.s32 $0x76000, s0  }
.LBB2_1:
0x11: {  	[tilespmem:s3], [sflag:$0x5] =	stream.linear.gather [hbm4b:s8+s3], $0x3E80, $0x38;
	[tilespmem:$0x1D100] =	vst v63  }
0x12: {  	_ =	swait.ge [sflag:s14], $0x3E80  }
0x13: {  	[sflag:s14] =	ssyncset.done $0x0  }
0x14: {  	[sflag:s14] =	ssyncadd.s32 $0xFFFFC180  }
0x15: {  	[spmem:s16], [sflag:s15] =	dma.local [hbm:s7], $0x2800  }
0x16: {  	_ =	swait.ge [sflag:s14], $0x2800  }
0x17: {  	[sflag:s14] =	ssyncset.done $0x0  }
0x18: {  	[sflag:s14] =	ssyncadd.s32 $0xFFFFD800  }
0x19: {  	[bflag:$0x0] =	sbarrier.arrive $0xFFFF  }
0x1a: {  	[tilespmem:s17], [sflag:$0x3] =	stream.linear.gather [hbm4b:s9+s3], $0x80, $0x38;
	[tilespmem:$0x1D100] =	vst v63  }
0x1b: {  	_ = 	snop  }
0x1c: {  	[tilespmem:s19], [sflag:$0x1] =	stream.indirect.gather [hbm4b:s5+s18], $0x80, s3, s18, $0xb8;
	[tilespmem:$0x1D100] =	vst v63  }
0x1d: {  	_ = 	snop  }
0x1e: {  	[tilespmem:s20], [sflag:$0x4] =	stream.linear.gather [hbm4b:s10+s3], $0x80, $0x38;
	[tilespmem:$0x1D100] =	vst v63  }
0x1f: {  	s0 =	simm.s32 $0x80  }
0x20: {  	[tilespmem:s22], [sflag:$0x2] =	stream.indirect.gather [hbm4b:s5+s18], $0x80, s0, s18, $0xb8;
	[tilespmem:$0x1D100] =	vst v63  }
0x21: {  	_ =	swait.ge [sflag:s23], $0x80  }
0x22: {  	[sflag:s23] =	ssyncset.done $0x0  }
0x23: {  	[sflag:s23] =	ssyncadd.s32 $0xFFFFFF80  }
0x24: {  	s1 =	simm.s32 $0x100;
	_ =	swait.ge [sflag:s24], $0x2800  }
0x25: {  	s30 =	sand.u32 $0x7C00, s1;
	[sflag:s24] =	ssyncset.done $0x0  }
0x26: {  	s30 =	sadd.s32 s4, s30;
	s0 =	sand.u32 $0x300, s1;
	[sflag:s24] =	ssyncadd.s32 $0xFFFFD800  }
0x27: {  	[spmem:s2] =	stream.indirect.scatter.add.f32 [tilespmem:s19], [sflag:$0x5], $0x80, s17, s18, $0xb8;
	[tilespmem:$0x1D100] =	vst v63  }
0x28: {  	s0 =	sor.u32 s0, s30;
	_ =	swait.ge [sflag:s14], $0x2800  }
0x29: {  	s0 =	sshrl.u32 s0, $0x3;
	[sflag:s14] =	ssyncset.done $0x0  }
0x2a: {  	s0 =	sadd.s32 s6, s0;
	[sflag:s14] =	ssyncadd.s32 $0xFFFFD800  }
0x2b: {  	[tilespmem:s17], [sflag:$0x3] =	stream.linear.gather [hbm4b:s0+s3], $0x80, $0x38;
	[tilespmem:$0x1D100] =	vst v63  }
0x2c: {  	s21 =	simm.s32 $0x100  }
0x2d: {  	[tilespmem:s19], [sflag:$0x1] =	stream.indirect.gather [hbm4b:s5+s18], $0x80, s21, s18, $0xb8;
	[tilespmem:$0x1D100] =	vst v63  }
0x2e: {  	_ =	swait.ge [sflag:s25], $0x80  }
0x2f: {  	[sflag:s25] =	ssyncset.done $0x0  }
0x30: {  	[sflag:s25] =	ssyncadd.s32 $0xFFFFFF80  }
0x31: {  	s28 =	simm.s32 $0x180;
	_ =	swait.ge [sflag:s26], $0x2800  }
0x32: {  	s30 =	sand.u32 $0x7C00, s28;
	[sflag:s26] =	ssyncset.done $0x0  }
0x33: {  	s30 =	sadd.s32 s4, s30;
	s0 =	sand.u32 $0x380, s28;
	[sflag:s26] =	ssyncadd.s32 $0xFFFFD800  }
0x34: {  	[spmem:s2] =	stream.indirect.scatter.add.f32 [tilespmem:s22], [sflag:$0x5], $0x80, s20, s18, $0xb8;
	[tilespmem:$0x1D100] =	vst v63  }
0x35: {  	s0 =	sor.u32 s0, s30;
	_ =	swait.ge [sflag:s14], $0x2800  }
0x36: {  	s0 =	sshrl.u32 s0, $0x3;
	[sflag:s14] =	ssyncset.done $0x0  }
0x37: {  	s0 =	sadd.s32 s6, s0;
	[sflag:s14] =	ssyncadd.s32 $0xFFFFD800  }
0x38: {  	[tilespmem:s20], [sflag:$0x4] =	stream.linear.gather [hbm4b:s0+s3], $0x80, $0x38;
	[tilespmem:$0x1D100] =	vst v63  }
0x39: {  	s31 =	simm.s32 $0x180;
	s30 =	simm.s32 $0x280;
	s0 =	simm.s32 $0x200  }
.LBB2_2:
0x3a: {  	s1 =	sadd.s32 $0x80, s0  }
0x3b: {  	p0 =	sne.s32 s30, $0x3D80;
	s21 =	smov.u32 s30;
	s30 =	sadd.s32 $0x100, s30  }
0x3c: {  	[tilespmem:s22], [sflag:$0x2] =	stream.indirect.gather [hbm4b:s5+s18], $0x80, s31, s18, $0xb8;
	[tilespmem:$0x1D100] =	vst v63  }
0x3d: {  	s31 =	smov.u32 s1;
	_ =	swait.ge [sflag:s23], $0x80  }
0x3e: {  	[sflag:s23] =	ssyncset.done $0x0  }
0x3f: {  	[sflag:s23] =	ssyncadd.s32 $0xFFFFFF80  }
0x40: {  	_ =	swait.ge [sflag:s24], $0x2800  }
0x41: {  	s1 =	sadd.s32 $0xFFFFFF80, s21;
	[sflag:s24] =	ssyncset.done $0x0  }
0x42: {  	s28 =	sand.u32 $0x7C00, s1;
	s1 =	sand.u32 $0x300, s1;
	[sflag:s24] =	ssyncadd.s32 $0xFFFFD800  }
0x43: {  	[spmem:s2] =	stream.indirect.scatter.add.f32 [tilespmem:s19], [sflag:$0x5], $0x80, s17, s18, $0xb8;
	[tilespmem:$0x1D100] =	vst v63  }
0x44: {  	s28 =	sadd.s32 s4, s28;
	_ =	swait.ge [sflag:s14], $0x2800  }
0x45: {  	s1 =	sor.u32 s1, s28;
	[sflag:s14] =	ssyncset.done $0x0  }
0x46: {  	s1 =	sshrl.u32 s1, $0x3;
	[sflag:s14] =	ssyncadd.s32 $0xFFFFD800  }
0x47: {  	s1 =	sadd.s32 s6, s1  }
0x48: {  	[tilespmem:s17], [sflag:$0x3] =	stream.linear.gather [hbm4b:s1+s3], $0x80, $0x38;
	[tilespmem:$0x1D100] =	vst v63  }
0x49: {  	_ = 	snop  }
0x4a: {  	[tilespmem:s19], [sflag:$0x1] =	stream.indirect.gather [hbm4b:s5+s18], $0x80, s0, s18, $0xb8;
	[tilespmem:$0x1D100] =	vst v63  }
0x4b: {  	_ =	swait.ge [sflag:s25], $0x80  }
0x4c: {  	[sflag:s25] =	ssyncset.done $0x0  }
0x4d: {  	[sflag:s25] =	ssyncadd.s32 $0xFFFFFF80  }
0x4e: {  	_ =	swait.ge [sflag:s26], $0x2800  }
0x4f: {  	s1 =	sand.u32 $0x7C00, s21;
	[sflag:s26] =	ssyncset.done $0x0  }
0x50: {  	s21 =	sand.u32 $0x380, s21;
	s1 =	sadd.s32 s4, s1;
	[sflag:s26] =	ssyncadd.s32 $0xFFFFD800  }
0x51: {  	[spmem:s2] =	stream.indirect.scatter.add.f32 [tilespmem:s22], [sflag:$0x5], $0x80, s20, s18, $0xb8;
	[tilespmem:$0x1D100] =	vst v63  }
.Ltmp0:
0x52: {  	_ = 	snop;
	(pc) =	sbr.rel @p0 .LBB2_2-.Ltmp0, $4  }
0x53: {  	s1 =	sor.u32 s21, s1;
	_ =	swait.ge [sflag:s14], $0x2800  }
0x54: {  	s1 =	sshrl.u32 s1, $0x3;
	[sflag:s14] =	ssyncset.done $0x0  }
0x55: {  	s0 =	sadd.s32 $0x100, s0;
	s1 =	sadd.s32 s6, s1;
	[sflag:s14] =	ssyncadd.s32 $0xFFFFD800  }
0x56: {  	[tilespmem:s20], [sflag:$0x4] =	stream.linear.gather [hbm4b:s1+s3], $0x80, $0x38;
	[tilespmem:$0x1D100] =	vst v63  }
0x57: {  	[tilespmem:s22], [sflag:$0x2] =	stream.indirect.gather [hbm4b:s5+s18], $0x80, s31, s18, $0xb8;
	[tilespmem:$0x1D100] =	vst v63  }
0x58: {  	_ =	swait.ge [sflag:s23], $0x80  }
0x59: {  	[sflag:s23] =	ssyncset.done $0x0  }
0x5a: {  	[sflag:s23] =	ssyncadd.s32 $0xFFFFFF80  }
0x5b: {  	_ =	swait.ge [sflag:s24], $0x2800  }
0x5c: {  	[sflag:s24] =	ssyncset.done $0x0  }
0x5d: {  	[sflag:s24] =	ssyncadd.s32 $0xFFFFD800  }
0x5e: {  	[spmem:s2] =	stream.indirect.scatter.add.f32 [tilespmem:s19], [sflag:$0x5], $0x80, s17, s18, $0xb8;
	[tilespmem:$0x1D100] =	vst v63  }
0x5f: {  	_ =	swait.ge [sflag:s14], $0x2800  }
0x60: {  	[sflag:s14] =	ssyncset.done $0x0  }
0x61: {  	[sflag:s14] =	ssyncadd.s32 $0xFFFFD800  }
0x62: {  	[tilespmem:s17], [sflag:$0x3] =	stream.linear.gather [hbm4b:s13+s3], $0x80, $0x38;
	[tilespmem:$0x1D100] =	vst v63  }
0x63: {  	s0 =	simm.s32 $0x3E00  }
0x64: {  	[tilespmem:s19], [sflag:$0x1] =	stream.indirect.gather [hbm4b:s5+s18], $0x80, s0, s18, $0xb8;
	[tilespmem:$0x1D100] =	vst v63  }
0x65: {  	_ =	swait.ge [sflag:s25], $0x80  }
0x66: {  	[sflag:s25] =	ssyncset.done $0x0  }
0x67: {  	[sflag:s25] =	ssyncadd.s32 $0xFFFFFF80  }
0x68: {  	_ =	swait.ge [sflag:s26], $0x2800  }
0x69: {  	[sflag:s26] =	ssyncset.done $0x0  }
0x6a: {  	[sflag:s26] =	ssyncadd.s32 $0xFFFFD800  }
0x6b: {  	[spmem:s2] =	stream.indirect.scatter.add.f32 [tilespmem:s22], [sflag:$0x5], $0x80, s20, s18, $0xb8;
	[tilespmem:$0x1D100] =	vst v63  }
0x6c: {  	_ =	swait.ge [sflag:s14], $0x2800  }
0x6d: {  	[sflag:s14] =	ssyncset.done $0x0  }
0x6e: {  	[sflag:s14] =	ssyncadd.s32 $0xFFFFD800  }
0x6f: {  	_ =	swait.ge [sflag:s23], $0x80  }
0x70: {  	[sflag:s23] =	ssyncset.done $0x0  }
0x71: {  	[sflag:s23] =	ssyncadd.s32 $0xFFFFFF80  }
0x72: {  	_ =	swait.ge [sflag:s24], $0x2800  }
0x73: {  	[sflag:s24] =	ssyncset.done $0x0  }
0x74: {  	[sflag:s24] =	ssyncadd.s32 $0xFFFFD800  }
0x75: {  	[spmem:s2] =	stream.indirect.scatter.add.f32 [tilespmem:s19], [sflag:$0x5], $0x80, s17, s18, $0xb8;
	[tilespmem:$0x1D100] =	vst v63  }
0x76: {  	_ =	swait.ge [sflag:s14], $0x2800  }
0x77: {  	s29 =	sadd.s32 $0x1, s29;
	[sflag:s14] =	ssyncset.done $0x0  }
0x78: {  	p0 =	sne.s32 s29, s12;
	[sflag:s14] =	ssyncadd.s32 $0xFFFFD800  }
.Ltmp1:
0x79: {  	[bflag:$0x0] =	sbarrier.arrive $0xFFFF;
	(pc) =	sbr.rel @p0 .LBB2_1-.Ltmp1, $4  }
0x7a: {  	[hbm:s11], [sflag:s15] =	dma.local [spmem:s16], $0x2800  }
0x7b: {  	_ =	swait.ge [sflag:s14], $0x2800  }
0x7c: {  	[sflag:s14] =	ssyncset.done $0x0  }
0x7d: {  	[sflag:s14] =	ssyncadd.s32 $0xFFFFD800  }
0x7e: {  	_ =	sfence.sel $0x180000  }
0x7f: {  	[bflag:$0x0] =	sbarrier.arrive $0xFFFF  }
0x80: {  	_ =	strace $0x9000004A  }
0x81: {  	s0 =	stileid.u32;
	[bflag:$0x2] =	sbarrier.arrive $0xFFFF  }
0x82: {  	p0 =	sne.s32 s0, $0x0;
	s0 =	rddreg [dreg:$0x2]  }
0x83: {  	s0 =	sadd.s32 @!p0 $0x100000, s0  }
0x84: {  	[sflag:s0] =	ssyncadd.tile.s32 @!p0 $0x1;
	_ =	shalt  }
.Lfunc_end2:
_tile_overlayer_lowered:
.L_overlay_start_2:
0x85: {  	(tag) =	ssettag $0x2  }
0x86: {  	s0 =	rddreg [dreg:$0x0];
	s2 =	stileid.u32  }
0x87: {  	s1 =	rddreg [dreg:$0x1];
	p0 =	sne.s32 s2, $0x0  }
0x88: {  	s3 =	rddreg [dreg:$0x2];
	[bflag:$0x3] =	sbarrier.arrive $0xFFFF;
	s2 =	simm.s32 @!p0 $0x1C05  }
0x89: {  	[timem:s3], [sflag:s2] =	dma.local @!p0 [hbm:s0], s1  }
0x8a: {  	s0 =	simm.s32 @!p0 $0x5  }
0x8b: {  	_ =	swait.ge @!p0 [sflag:s0], s1  }
0x8c: {  	s1 =	ssub.s32 @!p0 $0x0, s1;
	[sflag:s0] =	ssyncset.done @!p0 $0x0  }
0x8d: {  	[sflag:s0] =	ssyncadd.s32 @!p0 s1  }
0x8e: {  	[bflag:$0x3] =	sbarrier.arrive $0xFFFF  }
0x8f: {  	_ =	shalt  }

// kernel: kernel.14.cloned.1.call-start
scs
__scs_entry_jumppad:
0x0: {  	(pc) =	sbr.rel $0x88, $3  }
0x1: {  	(tag) =	ssettag $0x0;
	lr =	simm.s32 $0x1  }
0x2: {  	[smem:$0x3F95] =	sst lr;
	_ =	strace $0xD0000000  }
0x3: {  	_ = 	snop  }
0x4: {  	_ = 	snop  }
0x5: {  	_ = 	snop  }
0x6: {  	_ = 	snop  }
0x7: {  	_ = 	snop  }
__scs_overlays_trampoline_lowered:
0x8: {  	[smem:$0x3FA4] =	sst s0  }
0x9: {  	[smem:$0x3FA5] =	sst s1  }
0xa: {  	[smem:$0x3FA6] =	sst s2  }
0xb: {  	[smem:$0x3FA7] =	sst s3  }
0xc: {  	[smem:$0x3FA8] =	sst s4  }
0xd: {  	[smem:$0x3FA9] =	sst s5  }
0xe: {  	[smem:$0x3FAA] =	sst s6  }
0xf: {  	[smem:$0x3FAB] =	sst s7  }
0x10: {  	[smem:$0x3FAC] =	sst s8  }
0x11: {  	[smem:$0x3FAD] =	sst s9;
	s0 =	simm.s32 @!p0 $0x0  }
0x12: {  	s1 =	sld [smem:$0x3F93];
	s0 =	simm.s32 @p0 $0x1  }
0x13: {  	[smem:$0x3FAE] =	sst s0;
	s0 =	simm.s32 @!p1 $0x0  }
0x14: {  	s2 =	sld [smem:$0x3F92];
	s0 =	simm.s32 @p1 $0x1  }
0x15: {  	[smem:$0x3FAF] =	sst s0;
	s0 =	simm.s32 @!p2 $0x0  }
0x16: {  	s3 =	sld [smem:$0x3FDB];
	s0 =	simm.s32 @p2 $0x1  }
0x17: {  	s4 =	simm.s32 $0x1BF5;
	[smem:$0x3FB1] =	sst s0  }
0x18: {  	s0 =	sld [smem:$0x3F94];
	_ =	swait.ge [sflag:s4], $0x0  }
0x19: {  	s7 =	sld [smem:$0x3F95]  }
0x1a: {  	s8 =	sadd.s32 $0xFFFFE003, lr  }
0x1b: {  	s9 =	sadd.s32 $0xFFFFFEF7, lr;
	s5 =	simm.s32 $0xFFFFFFFF;
	p2 =	slt.u32 s8, $0xFFFFF086  }
0x1c: {  	p1 =	slt.u32 s9, $0xF7A;
	s5 =	simm.s32 @!p2 $0x0  }
0x1d: {  	s5 =	simm.s32 @p1 $0x1;
	p0 =	seq.s32 s7, s2  }
0x1e: {  	s7 =	smul.u32 @!p0 $0xF7A, s2;
	p2 =	seq.s32 @!p0 s5, $0x0  }
0x1f: {  	s9 =	smul.u32 $0xF7A, s1;
	s8 =	simm.s32 @!p0 $0x1BF5;
	p2 =	por !p2, p0  }
0x20: {  	[sflag:s8] =	ssyncset.s32 @!p0 $0xFFFFF086;
	s6 =	sadd.s32 @!p0 s3, s7;
	s7 =	simm.s32 @!p0 $0x108  }
0x21: {  	s3 =	sadd.s32 s3, s9;
	s6 =	sadd.s32 @!p0 $0x88, s6;
	s7 =	simm.s32 @p2 $0x1082  }
0x22: {  	[simem:s7], [sflag:s8] =	dma.local @!p0 [hbm:s6], $0xF7A  }
0x23: {  	s9 =	sor.u32 $0xD0000000, s2;
	s6 =	simm.s32 $0x108;
	_ =	swait.ge @!p0 [sflag:s8], $0x0  }
0x24: {  	s3 =	sadd.s32 $0x88, s3;
	s6 =	simm.s32 @!p1 $0x1082;
	[sflag:s4] =	ssyncset.s32 $0xFFFFF086  }
0x25: {  	[simem:s6], [sflag:s4] =	dma.local [hbm:s3], $0xF7A  }
0x26: {  	[smem:$0x3F95] =	sst s1;
	(tag) =	ssettag s2;
	_ =	strace s9  }
0x27: {  	s1 =	sld [smem:$0x3FA5]  }
0x28: {  	s2 =	sld [smem:$0x3FA6]  }
0x29: {  	s4 =	sld [smem:$0x3FA8]  }
0x2a: {  	p0 =	seq.s32 s5, $0x0;
	s5 =	sld [smem:$0x3FA9]  }
0x2b: {  	s6 =	sld [smem:$0x3FAA]  }
0x2c: {  	s7 =	sld [smem:$0x3FAB]  }
0x2d: {  	s3 =	simm.s32 $0x108;
	s8 =	sld [smem:$0x3FAC]  }
0x2e: {  	s3 =	simm.s32 @!p0 $0x1082;
	s9 =	sld [smem:$0x3FAD]  }
0x2f: {  	lr =	sadd.s32 s0, s3;
	s0 =	sld [smem:$0x3FA4]  }
0x30: {  	s3 =	sld [smem:$0x3FA7]  }
0x31: {  	[smem:$0x3FB0] =	sst s10  }
0x32: {  	s10 =	sld [smem:$0x3FAE];
	_ =	sdelay $0x3  }
0x33: {  	p0 =	seq.s32 s10, $0x1;
	s10 =	sld [smem:$0x3FB0];
	_ =	sdelay $0x3  }
0x34: {  	[smem:$0x3FB0] =	sst s10  }
0x35: {  	s10 =	sld [smem:$0x3FAF];
	_ =	sdelay $0x3  }
0x36: {  	p1 =	seq.s32 s10, $0x1;
	s10 =	sld [smem:$0x3FB0];
	_ =	sdelay $0x3  }
0x37: {  	[smem:$0x3FB0] =	sst s10  }
0x38: {  	s10 =	sld [smem:$0x3FB1]  }
0x39: {  	_ = 	snop;
	(pc) =	sbr.ind lr, $3  }
0x3a: {  	_ = 	snop  }
0x3b: {  	_ = 	snop  }
0x3c: {  	p2 =	seq.s32 s10, $0x1;
	s10 =	sld [smem:$0x3FB0]  }
0x3d: {  	_ =	shalt  }
0x3e: {  	_ =	shalt  }
0x3f: {  	_ =	shalt  }
0x40: {  	_ =	shalt  }
0x41: {  	_ =	shalt  }
0x42: {  	_ =	shalt  }
0x43: {  	_ =	shalt  }
0x44: {  	_ =	shalt  }
0x45: {  	_ =	shalt  }
0x46: {  	_ =	shalt  }
0x47: {  	_ =	shalt  }
0x48: {  	_ =	shalt  }
0x49: {  	_ =	shalt  }
0x4a: {  	_ =	shalt  }
0x4b: {  	_ =	shalt  }
0x4c: {  	_ =	shalt  }
0x4d: {  	_ =	shalt  }
0x4e: {  	_ =	shalt  }
0x4f: {  	_ =	shalt  }
0x50: {  	_ =	shalt  }
0x51: {  	_ =	shalt  }
0x52: {  	_ =	shalt  }
0x53: {  	_ =	shalt  }
0x54: {  	_ =	shalt  }
0x55: {  	_ =	shalt  }
0x56: {  	_ =	shalt  }
0x57: {  	_ =	shalt  }
0x58: {  	_ =	shalt  }
0x59: {  	_ =	shalt  }
0x5a: {  	_ =	shalt  }
0x5b: {  	_ =	shalt  }
0x5c: {  	_ =	shalt  }
0x5d: {  	_ =	shalt  }
0x5e: {  	_ =	shalt  }
0x5f: {  	_ =	shalt  }
0x60: {  	_ =	shalt  }
0x61: {  	_ =	shalt  }
0x62: {  	_ =	shalt  }
0x63: {  	_ =	shalt  }
0x64: {  	_ =	shalt  }
0x65: {  	_ =	shalt  }
0x66: {  	_ =	shalt  }
0x67: {  	_ =	shalt  }
0x68: {  	_ =	shalt  }
0x69: {  	_ =	shalt  }
0x6a: {  	_ =	shalt  }
0x6b: {  	_ =	shalt  }
0x6c: {  	_ =	shalt  }
0x6d: {  	_ =	shalt  }
0x6e: {  	_ =	shalt  }
0x6f: {  	_ =	shalt  }
0x70: {  	_ =	shalt  }
0x71: {  	_ =	shalt  }
0x72: {  	_ =	shalt  }
0x73: {  	_ =	shalt  }
0x74: {  	_ =	shalt  }
0x75: {  	_ =	shalt  }
0x76: {  	_ =	shalt  }
0x77: {  	_ =	shalt  }
0x78: {  	_ =	shalt  }
0x79: {  	_ =	shalt  }
0x7a: {  	_ =	shalt  }
0x7b: {  	_ =	shalt  }
0x7c: {  	_ =	shalt  }
0x7d: {  	_ =	shalt  }
0x7e: {  	_ =	shalt  }
0x7f: {  	_ =	shalt  }
0x80: {  	_ =	shalt  }
0x81: {  	_ =	shalt  }
0x82: {  	_ =	shalt  }
0x83: {  	_ =	shalt  }
0x84: {  	_ =	shalt  }
0x85: {  	_ =	shalt  }
0x86: {  	_ =	shalt  }
0x87: {  	_ =	shalt  }
.Lfunc_end0:
.L_simem_size_0:
called_computation.2_lowered:
.L_overlay_start_0:
0x88: {  	s2 =	sld [smem:$0x3FD9]  }
0x89: {  	s3 =	sld [smem:$0x3FFE];
	_ =	sdelay $0x1  }
0x8a: {  	s1 =	srdreg.scid  }
0x8b: {  	s0 =	sand.u32 $0x1, s1  }
0x8c: {  	s16 =	sshll.u32 s0, $0xA;
	s2 =	sadd.s32 s3, s2  }
0x8d: {  	s2 =	sadd.s32 s2, s16  }
0x8e: {  	[smem:$0x3FBC] =	sst s2  }
0x8f: {  	_ = 	snop  }
0x90: {  	(tm) =	ssettm $0x1  }
0x91: {  	s17 =	sld [smem:$0x3FFB];
	_ =	sdelay $0x3  }
0x92: {  	_ =	strace s17  }
0x93: {  	s2 =	sld [smem:$0x3FFC];
	_ =	sdelay $0x3  }
0x94: {  	_ =	strace s2  }
0x95: {  	s2 =	sld [smem:$0x3FFD];
	_ =	sdelay $0x3  }
0x96: {  	_ =	strace s2  }
0x97: {  	_ =	strace $0x8FFFFFFF  }
0x98: {  	s18 =	sld [smem:$0x3FDB];
	_ =	sdelay $0x1  }
0x99: {  	s19 =	simm.s32 $_scs_section_size  }
0x9a: {  	s4 =	simm.s32 $_size__tile_overlayer_lowered;
	s5 =	simm.s32 $_tile_overlayer_lowered  }
0x9b: {  	s22 =	simm.s32 $0x1BFF;
	s21 =	sshll.u32 s5, $0x1;
	s2 =	sadd.s32 s19, s18  }
0x9c: {  	s6 =	simm.s32 $0x0;
	s20 =	sshll.u32 s4, $0x1;
	s4 =	sadd.s32 s21, s2  }
0x9d: {  	[timem:s6], [sflag:s22] =	dma.local [hbm:s4], s20  }
0x9e: {  	_ =	swait.ge [sflag:s22], s20  }
0x9f: {  	s3 =	ssub.s32 $0x0, s20;
	[sflag:s22] =	ssyncset.done $0x0  }
0xa0: {  	[sflag:s22] =	ssyncadd.s32 s3;
	_ =	sdelay $0x1  }
0xa1: {  	s23 =	simm.s32 $0x1B8B  }
0xa2: {  	_ =	swait.ge [sflag:s23], $0x1  }
0xa3: {  	[sflag:s23] =	ssyncset.done $0x0  }
0xa4: {  	s25 =	simm.s32 $0x1B8E;
	s24 =	sld [smem:$0x3FFE];
	[sflag:s23] =	ssyncadd.s32 $0xFFFFFFFF  }
0xa5: {  	s26 =	simm.s32 $execute0_lowered;
	[smem:$0x3FD2] =	sst s25  }
0xa6: {  	s4 =	sshll.u32 s26, $0x1;
	_ =	strace $0x8000004C;
	[dreg:$0x1] =	wrdreg $0xFFFFFFFF  }
0xa7: {  	s28 =	simm.s32 $_size_execute0_lowered;
	s2 =	sadd.s32 s2, s4;
	[dreg:$0x0] =	wrdreg $0x0  }
0xa8: {  	s4 =	sshll.u32 s28, $0x1;
	[dreg:$0x2] =	wrdreg s2  }
0xa9: {  	[dreg:$0x3] =	wrdreg s4  }
0xaa: {  	[dreg:$0x4] =	wrdreg $0xC0  }
0xab: {  	_ =	task [dreg:s6], $0x5FFFF  }
0xac: {  	[dreg:$0x1] =	wrdreg $0xFFFFFFFF  }
0xad: {  	[dreg:$0x0] =	wrdreg $0x60  }
0xae: {  	[dreg:$0x2] =	wrdreg s24  }
0xaf: {  	[dreg:$0x3] =	wrdreg $0x91000  }
0xb0: {  	[dreg:$0x4] =	wrdreg $0x9  }
0xb1: {  	_ =	task.clear_ibuf [dreg:s6], $0x5FFFF;
	_ =	strace $0x9000004C  }
0xb2: {  	s29 =	simm.s32 $0x9;
	_ =	strace $0x8000004E  }
0xb3: {  	_ =	swait.ge [sflag:s29], $0x1  }
0xb4: {  	[sflag:s29] =	ssyncadd.s32 $0xFFFFFFFF  }
0xb5: {  	_ =	strace $0x9000004E  }
0xb6: {  	_ =	sfence  }
0xb7: {  	s30 =	sld [smem:$0x0];
	_ =	sdelay $0x2  }
0xb8: {  	s31 =	sshll.u32 s1, $0xD;
	s1 =	sshrl.u32 s1, $0x2  }
0xb9: {  	s3 =	sand.u32 $0x4000, s31;
	s1 =	sadd.s32 s1, s30  }
0xba: {  	s0 =	sor.u32 s3, s0;
	s1 =	sshll.u32 s1, $0x11  }
0xbb: {  	s0 =	sor.u32 s1, s0  }
0xbc: {  	s0 =	sadd.s32 $0x8F2B, s0  }
0xbd: {  	[sflag:s0] =	ssyncadd.remote.s32 $0x1  }
0xbe: {  	_ =	sfence.sel $0xFFFF  }
0xbf: {  	[dreg:$0x0] =	wrdreg $0xFFFFFFFF;
	(pc) =	sbr.abs _section_cstart, $3  }
0xc0: {  	[dreg:$0x1] =	wrdreg $0xFFFFFFFF  }
0xc1: {  	_ =	task.clear_ibuf [dreg:s6], $0x2FFFF;
	_ =	strace $0x9FFFFFFF  }
0xc2: {  	(tm) =	ssettm $0x7FFFFFFF  }
0xc3: {  	_ =	shalt  }
tec
execute0_lowered:
.L_overlay_start_1:
0x0: {  	(tag) =	ssettag $0x1  }
0x1: {  	s0 =	rddreg [dreg:$0x0];
	s3 =	srdreg.scid  }
0x2: {  	s2 =	rddreg [dreg:$0x1];
	s1 =	stileid.u32;
	s14 =	simm.s32 $0x5  }
0x3: {  	s17 =	simm.s32 $0x4000;
	s18 =	simm.s32 $0x50;
	s19 =	simm.s32 $0x4100  }
0x4: {  	s20 =	simm.s32 $0x4080;
	s22 =	simm.s32 $0x6900;
	s23 =	simm.s32 $0x3  }
0x5: {  	s24 =	simm.s32 $0x1;
	s25 =	simm.s32 $0x4;
	s26 =	simm.s32 $0x2  }
0x6: {  	s29 =	simm.s32 $0x0;
	s7 =	sand.u32 $0x1, s3;
	s5 =	sshll.u32 s1, $0xE  }
0x7: {  	s3 =	simm.s32 $0x0;
	s10 =	smul.u32 $0x14000, s1;
	s6 =	sadd.s32 $0x3200, s0  }
0x8: {  	s13 =	smul.u32 $0x50000, s1;
	s31 =	sshll.u32 s1, $0x6;
	s4 =	sshll.u32 s7, $0x12  }
0x9: {  	s8 =	smul.u32 $0x140000, s7;
	[smem:$0x7FF] =	sst s3;
	s28 =	ssub.s32 $0x2, s7  }
0xa: {  	s7 =	sadd.s32 $0x13200, s0;
	s15 =	sor.u32 $0x1C05, s31;
	s4 =	sor.u32 s5, s4  }
0xb: {  	_ =	strace $0x8000004D;
	s5 =	sadd.s32 $0x15A00, s0;
	s12 =	sshrl.u32 s28, $0x1  }
0xc: {  	s30 =	sshrl.u32 s13, $0x2;
	s9 =	sshrl.u32 s4, $0x3;
	s8 =	sadd.s32 s10, s8  }
0xd: {  	s12 =	ssub.s32 s28, s12;
	s16 =	sadd.s32 s30, s2;
	s11 =	sadd.s32 s9, s0  }
0xe: {  	s8 =	sshrl.u32 s8, $0x3;
	s9 =	sadd.s32 s6, s9;
	s12 =	smax.u32 s12, $0x1  }
0xf: {  	s16 =	sshrl.u32 s16, $0x3;
	s0 =	sadd.s32 s8, s0;
	s8 =	sadd.s32 $0x66000, s11  }
0x10: {  	s10 =	sadd.s32 $0x10, s9;
	s13 =	sadd.s32 $0x7C0, s9;
	s11 =	sadd.s32 $0x76000, s0  }
.LBB2_1:
0x11: {  	[tilespmem:s3], [sflag:$0x5] =	stream.linear.gather [hbm4b:s8+s3], $0x3E80, $0x38;
	[tilespmem:$0x1D100] =	vst v63  }
0x12: {  	_ =	swait.ge [sflag:s14], $0x3E80  }
0x13: {  	[sflag:s14] =	ssyncset.done $0x0  }
0x14: {  	[sflag:s14] =	ssyncadd.s32 $0xFFFFC180  }
0x15: {  	[spmem:s16], [sflag:s15] =	dma.local [hbm:s7], $0x2800  }
0x16: {  	_ =	swait.ge [sflag:s14], $0x2800  }
0x17: {  	[sflag:s14] =	ssyncset.done $0x0  }
0x18: {  	[sflag:s14] =	ssyncadd.s32 $0xFFFFD800  }
0x19: {  	[bflag:$0x0] =	sbarrier.arrive $0xFFFF  }
0x1a: {  	[tilespmem:s17], [sflag:$0x3] =	stream.linear.gather [hbm4b:s9+s3], $0x80, $0x38;
	[tilespmem:$0x1D100] =	vst v63  }
0x1b: {  	_ = 	snop  }
0x1c: {  	[tilespmem:s19], [sflag:$0x1] =	stream.indirect.gather [hbm4b:s5+s18], $0x80, s3, s18, $0xb8;
	[tilespmem:$0x1D100] =	vst v63  }
0x1d: {  	_ = 	snop  }
0x1e: {  	[tilespmem:s20], [sflag:$0x4] =	stream.linear.gather [hbm4b:s10+s3], $0x80, $0x38;
	[tilespmem:$0x1D100] =	vst v63  }
0x1f: {  	s0 =	simm.s32 $0x80  }
0x20: {  	[tilespmem:s22], [sflag:$0x2] =	stream.indirect.gather [hbm4b:s5+s18], $0x80, s0, s18, $0xb8;
	[tilespmem:$0x1D100] =	vst v63  }
0x21: {  	_ =	swait.ge [sflag:s23], $0x80  }
0x22: {  	[sflag:s23] =	ssyncset.done $0x0  }
0x23: {  	[sflag:s23] =	ssyncadd.s32 $0xFFFFFF80  }
0x24: {  	s1 =	simm.s32 $0x100;
	_ =	swait.ge [sflag:s24], $0x2800  }
0x25: {  	s30 =	sand.u32 $0x7C00, s1;
	[sflag:s24] =	ssyncset.done $0x0  }
0x26: {  	s30 =	sadd.s32 s4, s30;
	s0 =	sand.u32 $0x300, s1;
	[sflag:s24] =	ssyncadd.s32 $0xFFFFD800  }
0x27: {  	[spmem:s2] =	stream.indirect.scatter.add.f32 [tilespmem:s19], [sflag:$0x5], $0x80, s17, s18, $0xb8;
	[tilespmem:$0x1D100] =	vst v63  }
0x28: {  	s0 =	sor.u32 s0, s30;
	_ =	swait.ge [sflag:s14], $0x2800  }
0x29: {  	s0 =	sshrl.u32 s0, $0x3;
	[sflag:s14] =	ssyncset.done $0x0  }
0x2a: {  	s0 =	sadd.s32 s6, s0;
	[sflag:s14] =	ssyncadd.s32 $0xFFFFD800  }
0x2b: {  	[tilespmem:s17], [sflag:$0x3] =	stream.linear.gather [hbm4b:s0+s3], $0x80, $0x38;
	[tilespmem:$0x1D100] =	vst v63  }
0x2c: {  	s21 =	simm.s32 $0x100  }
0x2d: {  	[tilespmem:s19], [sflag:$0x1] =	stream.indirect.gather [hbm4b:s5+s18], $0x80, s21, s18, $0xb8;
	[tilespmem:$0x1D100] =	vst v63  }
0x2e: {  	_ =	swait.ge [sflag:s25], $0x80  }
0x2f: {  	[sflag:s25] =	ssyncset.done $0x0  }
0x30: {  	[sflag:s25] =	ssyncadd.s32 $0xFFFFFF80  }
0x31: {  	s28 =	simm.s32 $0x180;
	_ =	swait.ge [sflag:s26], $0x2800  }
0x32: {  	s30 =	sand.u32 $0x7C00, s28;
	[sflag:s26] =	ssyncset.done $0x0  }
0x33: {  	s30 =	sadd.s32 s4, s30;
	s0 =	sand.u32 $0x380, s28;
	[sflag:s26] =	ssyncadd.s32 $0xFFFFD800  }
0x34: {  	[spmem:s2] =	stream.indirect.scatter.add.f32 [tilespmem:s22], [sflag:$0x5], $0x80, s20, s18, $0xb8;
	[tilespmem:$0x1D100] =	vst v63  }
0x35: {  	s0 =	sor.u32 s0, s30;
	_ =	swait.ge [sflag:s14], $0x2800  }
0x36: {  	s0 =	sshrl.u32 s0, $0x3;
	[sflag:s14] =	ssyncset.done $0x0  }
0x37: {  	s0 =	sadd.s32 s6, s0;
	[sflag:s14] =	ssyncadd.s32 $0xFFFFD800  }
0x38: {  	[tilespmem:s20], [sflag:$0x4] =	stream.linear.gather [hbm4b:s0+s3], $0x80, $0x38;
	[tilespmem:$0x1D100] =	vst v63  }
0x39: {  	s31 =	simm.s32 $0x180;
	s30 =	simm.s32 $0x280;
	s0 =	simm.s32 $0x200  }
.LBB2_2:
0x3a: {  	s1 =	sadd.s32 $0x80, s0  }
0x3b: {  	p0 =	sne.s32 s30, $0x3D80;
	s21 =	smov.u32 s30;
	s30 =	sadd.s32 $0x100, s30  }
0x3c: {  	[tilespmem:s22], [sflag:$0x2] =	stream.indirect.gather [hbm4b:s5+s18], $0x80, s31, s18, $0xb8;
	[tilespmem:$0x1D100] =	vst v63  }
0x3d: {  	s31 =	smov.u32 s1;
	_ =	swait.ge [sflag:s23], $0x80  }
0x3e: {  	[sflag:s23] =	ssyncset.done $0x0  }
0x3f: {  	[sflag:s23] =	ssyncadd.s32 $0xFFFFFF80  }
0x40: {  	_ =	swait.ge [sflag:s24], $0x2800  }
0x41: {  	s1 =	sadd.s32 $0xFFFFFF80, s21;
	[sflag:s24] =	ssyncset.done $0x0  }
0x42: {  	s28 =	sand.u32 $0x7C00, s1;
	s1 =	sand.u32 $0x300, s1;
	[sflag:s24] =	ssyncadd.s32 $0xFFFFD800  }
0x43: {  	[spmem:s2] =	stream.indirect.scatter.add.f32 [tilespmem:s19], [sflag:$0x5], $0x80, s17, s18, $0xb8;
	[tilespmem:$0x1D100] =	vst v63  }
0x44: {  	s28 =	sadd.s32 s4, s28;
	_ =	swait.ge [sflag:s14], $0x2800  }
0x45: {  	s1 =	sor.u32 s1, s28;
	[sflag:s14] =	ssyncset.done $0x0  }
0x46: {  	s1 =	sshrl.u32 s1, $0x3;
	[sflag:s14] =	ssyncadd.s32 $0xFFFFD800  }
0x47: {  	s1 =	sadd.s32 s6, s1  }
0x48: {  	[tilespmem:s17], [sflag:$0x3] =	stream.linear.gather [hbm4b:s1+s3], $0x80, $0x38;
	[tilespmem:$0x1D100] =	vst v63  }
0x49: {  	_ = 	snop  }
0x4a: {  	[tilespmem:s19], [sflag:$0x1] =	stream.indirect.gather [hbm4b:s5+s18], $0x80, s0, s18, $0xb8;
	[tilespmem:$0x1D100] =	vst v63  }
0x4b: {  	_ =	swait.ge [sflag:s25], $0x80  }
0x4c: {  	[sflag:s25] =	ssyncset.done $0x0  }
0x4d: {  	[sflag:s25] =	ssyncadd.s32 $0xFFFFFF80  }
0x4e: {  	_ =	swait.ge [sflag:s26], $0x2800  }
0x4f: {  	s1 =	sand.u32 $0x7C00, s21;
	[sflag:s26] =	ssyncset.done $0x0  }
0x50: {  	s21 =	sand.u32 $0x380, s21;
	s1 =	sadd.s32 s4, s1;
	[sflag:s26] =	ssyncadd.s32 $0xFFFFD800  }
0x51: {  	[spmem:s2] =	stream.indirect.scatter.add.f32 [tilespmem:s22], [sflag:$0x5], $0x80, s20, s18, $0xb8;
	[tilespmem:$0x1D100] =	vst v63  }
.Ltmp0:
0x52: {  	_ = 	snop;
	(pc) =	sbr.rel @p0 .LBB2_2-.Ltmp0, $4  }
0x53: {  	s1 =	sor.u32 s21, s1;
	_ =	swait.ge [sflag:s14], $0x2800  }
0x54: {  	s1 =	sshrl.u32 s1, $0x3;
	[sflag:s14] =	ssyncset.done $0x0  }
0x55: {  	s0 =	sadd.s32 $0x100, s0;
	s1 =	sadd.s32 s6, s1;
	[sflag:s14] =	ssyncadd.s32 $0xFFFFD800  }
0x56: {  	[tilespmem:s20], [sflag:$0x4] =	stream.linear.gather [hbm4b:s1+s3], $0x80, $0x38;
	[tilespmem:$0x1D100] =	vst v63  }
0x57: {  	[tilespmem:s22], [sflag:$0x2] =	stream.indirect.gather [hbm4b:s5+s18], $0x80, s31, s18, $0xb8;
	[tilespmem:$0x1D100] =	vst v63  }
0x58: {  	_ =	swait.ge [sflag:s23], $0x80  }
0x59: {  	[sflag:s23] =	ssyncset.done $0x0  }
0x5a: {  	[sflag:s23] =	ssyncadd.s32 $0xFFFFFF80  }
0x5b: {  	_ =	swait.ge [sflag:s24], $0x2800  }
0x5c: {  	[sflag:s24] =	ssyncset.done $0x0  }
0x5d: {  	[sflag:s24] =	ssyncadd.s32 $0xFFFFD800  }
0x5e: {  	[spmem:s2] =	stream.indirect.scatter.add.f32 [tilespmem:s19], [sflag:$0x5], $0x80, s17, s18, $0xb8;
	[tilespmem:$0x1D100] =	vst v63  }
0x5f: {  	_ =	swait.ge [sflag:s14], $0x2800  }
0x60: {  	[sflag:s14] =	ssyncset.done $0x0  }
0x61: {  	[sflag:s14] =	ssyncadd.s32 $0xFFFFD800  }
0x62: {  	[tilespmem:s17], [sflag:$0x3] =	stream.linear.gather [hbm4b:s13+s3], $0x80, $0x38;
	[tilespmem:$0x1D100] =	vst v63  }
0x63: {  	s0 =	simm.s32 $0x3E00  }
0x64: {  	[tilespmem:s19], [sflag:$0x1] =	stream.indirect.gather [hbm4b:s5+s18], $0x80, s0, s18, $0xb8;
	[tilespmem:$0x1D100] =	vst v63  }
0x65: {  	_ =	swait.ge [sflag:s25], $0x80  }
0x66: {  	[sflag:s25] =	ssyncset.done $0x0  }
0x67: {  	[sflag:s25] =	ssyncadd.s32 $0xFFFFFF80  }
0x68: {  	_ =	swait.ge [sflag:s26], $0x2800  }
0x69: {  	[sflag:s26] =	ssyncset.done $0x0  }
0x6a: {  	[sflag:s26] =	ssyncadd.s32 $0xFFFFD800  }
0x6b: {  	[spmem:s2] =	stream.indirect.scatter.add.f32 [tilespmem:s22], [sflag:$0x5], $0x80, s20, s18, $0xb8;
	[tilespmem:$0x1D100] =	vst v63  }
0x6c: {  	_ =	swait.ge [sflag:s14], $0x2800  }
0x6d: {  	[sflag:s14] =	ssyncset.done $0x0  }
0x6e: {  	[sflag:s14] =	ssyncadd.s32 $0xFFFFD800  }
0x6f: {  	_ =	swait.ge [sflag:s23], $0x80  }
0x70: {  	[sflag:s23] =	ssyncset.done $0x0  }
0x71: {  	[sflag:s23] =	ssyncadd.s32 $0xFFFFFF80  }
0x72: {  	_ =	swait.ge [sflag:s24], $0x2800  }
0x73: {  	[sflag:s24] =	ssyncset.done $0x0  }
0x74: {  	[sflag:s24] =	ssyncadd.s32 $0xFFFFD800  }
0x75: {  	[spmem:s2] =	stream.indirect.scatter.add.f32 [tilespmem:s19], [sflag:$0x5], $0x80, s17, s18, $0xb8;
	[tilespmem:$0x1D100] =	vst v63  }
0x76: {  	_ =	swait.ge [sflag:s14], $0x2800  }
0x77: {  	s29 =	sadd.s32 $0x1, s29;
	[sflag:s14] =	ssyncset.done $0x0  }
0x78: {  	p0 =	sne.s32 s29, s12;
	[sflag:s14] =	ssyncadd.s32 $0xFFFFD800  }
.Ltmp1:
0x79: {  	[bflag:$0x0] =	sbarrier.arrive $0xFFFF;
	(pc) =	sbr.rel @p0 .LBB2_1-.Ltmp1, $4  }
0x7a: {  	[hbm:s11], [sflag:s15] =	dma.local [spmem:s16], $0x2800  }
0x7b: {  	_ =	swait.ge [sflag:s14], $0x2800  }
0x7c: {  	[sflag:s14] =	ssyncset.done $0x0  }
0x7d: {  	[sflag:s14] =	ssyncadd.s32 $0xFFFFD800  }
0x7e: {  	_ =	sfence.sel $0x180000  }
0x7f: {  	[bflag:$0x0] =	sbarrier.arrive $0xFFFF  }
0x80: {  	_ =	strace $0x9000004D  }
0x81: {  	s0 =	stileid.u32;
	[bflag:$0x2] =	sbarrier.arrive $0xFFFF  }
0x82: {  	p0 =	sne.s32 s0, $0x0;
	s0 =	rddreg [dreg:$0x2]  }
0x83: {  	s0 =	sadd.s32 @!p0 $0x100000, s0  }
0x84: {  	[sflag:s0] =	ssyncadd.tile.s32 @!p0 $0x1;
	_ =	shalt  }
.Lfunc_end2:
_tile_overlayer_lowered:
.L_overlay_start_2:
0x85: {  	(tag) =	ssettag $0x2  }
0x86: {  	s0 =	rddreg [dreg:$0x0];
	s2 =	stileid.u32  }
0x87: {  	s1 =	rddreg [dreg:$0x1];
	p0 =	sne.s32 s2, $0x0  }
0x88: {  	s3 =	rddreg [dreg:$0x2];
	[bflag:$0x3] =	sbarrier.arrive $0xFFFF;
	s2 =	simm.s32 @!p0 $0x1C05  }
0x89: {  	[timem:s3], [sflag:s2] =	dma.local @!p0 [hbm:s0], s1  }
0x8a: {  	s0 =	simm.s32 @!p0 $0x5  }
0x8b: {  	_ =	swait.ge @!p0 [sflag:s0], s1  }
0x8c: {  	s1 =	ssub.s32 @!p0 $0x0, s1;
	[sflag:s0] =	ssyncset.done @!p0 $0x0  }
0x8d: {  	[sflag:s0] =	ssyncadd.s32 @!p0 s1  }
0x8e: {  	[bflag:$0x3] =	sbarrier.arrive $0xFFFF  }
0x8f: {  	_ =	shalt  }

// kernel: kernel.8.cloned.1.call-start
scs
__scs_entry_jumppad:
0x0: {  	(pc) =	sbr.rel $0x88, $3  }
0x1: {  	(tag) =	ssettag $0x0;
	lr =	simm.s32 $0x1  }
0x2: {  	[smem:$0x3F95] =	sst lr;
	_ =	strace $0xD0000000  }
0x3: {  	_ = 	snop  }
0x4: {  	_ = 	snop  }
0x5: {  	_ = 	snop  }
0x6: {  	_ = 	snop  }
0x7: {  	_ = 	snop  }
__scs_overlays_trampoline_lowered:
0x8: {  	[smem:$0x3FA4] =	sst s0  }
0x9: {  	[smem:$0x3FA5] =	sst s1  }
0xa: {  	[smem:$0x3FA6] =	sst s2  }
0xb: {  	[smem:$0x3FA7] =	sst s3  }
0xc: {  	[smem:$0x3FA8] =	sst s4  }
0xd: {  	[smem:$0x3FA9] =	sst s5  }
0xe: {  	[smem:$0x3FAA] =	sst s6  }
0xf: {  	[smem:$0x3FAB] =	sst s7  }
0x10: {  	[smem:$0x3FAC] =	sst s8  }
0x11: {  	[smem:$0x3FAD] =	sst s9;
	s0 =	simm.s32 @!p0 $0x0  }
0x12: {  	s1 =	sld [smem:$0x3F93];
	s0 =	simm.s32 @p0 $0x1  }
0x13: {  	[smem:$0x3FAE] =	sst s0;
	s0 =	simm.s32 @!p1 $0x0  }
0x14: {  	s2 =	sld [smem:$0x3F92];
	s0 =	simm.s32 @p1 $0x1  }
0x15: {  	[smem:$0x3FAF] =	sst s0;
	s0 =	simm.s32 @!p2 $0x0  }
0x16: {  	s3 =	sld [smem:$0x3FDB];
	s0 =	simm.s32 @p2 $0x1  }
0x17: {  	s4 =	simm.s32 $0x1BF5;
	[smem:$0x3FB1] =	sst s0  }
0x18: {  	s0 =	sld [smem:$0x3F94];
	_ =	swait.ge [sflag:s4], $0x0  }
0x19: {  	s7 =	sld [smem:$0x3F95]  }
0x1a: {  	s8 =	sadd.s32 $0xFFFFE003, lr  }
0x1b: {  	s9 =	sadd.s32 $0xFFFFFEF7, lr;
	s5 =	simm.s32 $0xFFFFFFFF;
	p2 =	slt.u32 s8, $0xFFFFF086  }
0x1c: {  	p1 =	slt.u32 s9, $0xF7A;
	s5 =	simm.s32 @!p2 $0x0  }
0x1d: {  	s5 =	simm.s32 @p1 $0x1;
	p0 =	seq.s32 s7, s2  }
0x1e: {  	s7 =	smul.u32 @!p0 $0xF7A, s2;
	p2 =	seq.s32 @!p0 s5, $0x0  }
0x1f: {  	s9 =	smul.u32 $0xF7A, s1;
	s8 =	simm.s32 @!p0 $0x1BF5;
	p2 =	por !p2, p0  }
0x20: {  	[sflag:s8] =	ssyncset.s32 @!p0 $0xFFFFF086;
	s6 =	sadd.s32 @!p0 s3, s7;
	s7 =	simm.s32 @!p0 $0x108  }
0x21: {  	s3 =	sadd.s32 s3, s9;
	s6 =	sadd.s32 @!p0 $0x88, s6;
	s7 =	simm.s32 @p2 $0x1082  }
0x22: {  	[simem:s7], [sflag:s8] =	dma.local @!p0 [hbm:s6], $0xF7A  }
0x23: {  	s9 =	sor.u32 $0xD0000000, s2;
	s6 =	simm.s32 $0x108;
	_ =	swait.ge @!p0 [sflag:s8], $0x0  }
0x24: {  	s3 =	sadd.s32 $0x88, s3;
	s6 =	simm.s32 @!p1 $0x1082;
	[sflag:s4] =	ssyncset.s32 $0xFFFFF086  }
0x25: {  	[simem:s6], [sflag:s4] =	dma.local [hbm:s3], $0xF7A  }
0x26: {  	[smem:$0x3F95] =	sst s1;
	(tag) =	ssettag s2;
	_ =	strace s9  }
0x27: {  	s1 =	sld [smem:$0x3FA5]  }
0x28: {  	s2 =	sld [smem:$0x3FA6]  }
0x29: {  	s4 =	sld [smem:$0x3FA8]  }
0x2a: {  	p0 =	seq.s32 s5, $0x0;
	s5 =	sld [smem:$0x3FA9]  }
0x2b: {  	s6 =	sld [smem:$0x3FAA]  }
0x2c: {  	s7 =	sld [smem:$0x3FAB]  }
0x2d: {  	s3 =	simm.s32 $0x108;
	s8 =	sld [smem:$0x3FAC]  }
0x2e: {  	s3 =	simm.s32 @!p0 $0x1082;
	s9 =	sld [smem:$0x3FAD]  }
0x2f: {  	lr =	sadd.s32 s0, s3;
	s0 =	sld [smem:$0x3FA4]  }
0x30: {  	s3 =	sld [smem:$0x3FA7]  }
0x31: {  	[smem:$0x3FB0] =	sst s10  }
0x32: {  	s10 =	sld [smem:$0x3FAE];
	_ =	sdelay $0x3  }
0x33: {  	p0 =	seq.s32 s10, $0x1;
	s10 =	sld [smem:$0x3FB0];
	_ =	sdelay $0x3  }
0x34: {  	[smem:$0x3FB0] =	sst s10  }
0x35: {  	s10 =	sld [smem:$0x3FAF];
	_ =	sdelay $0x3  }
0x36: {  	p1 =	seq.s32 s10, $0x1;
	s10 =	sld [smem:$0x3FB0];
	_ =	sdelay $0x3  }
0x37: {  	[smem:$0x3FB0] =	sst s10  }
0x38: {  	s10 =	sld [smem:$0x3FB1]  }
0x39: {  	_ = 	snop;
	(pc) =	sbr.ind lr, $3  }
0x3a: {  	_ = 	snop  }
0x3b: {  	_ = 	snop  }
0x3c: {  	p2 =	seq.s32 s10, $0x1;
	s10 =	sld [smem:$0x3FB0]  }
0x3d: {  	_ =	shalt  }
0x3e: {  	_ =	shalt  }
0x3f: {  	_ =	shalt  }
0x40: {  	_ =	shalt  }
0x41: {  	_ =	shalt  }
0x42: {  	_ =	shalt  }
0x43: {  	_ =	shalt  }
0x44: {  	_ =	shalt  }
0x45: {  	_ =	shalt  }
0x46: {  	_ =	shalt  }
0x47: {  	_ =	shalt  }
0x48: {  	_ =	shalt  }
0x49: {  	_ =	shalt  }
0x4a: {  	_ =	shalt  }
0x4b: {  	_ =	shalt  }
0x4c: {  	_ =	shalt  }
0x4d: {  	_ =	shalt  }
0x4e: {  	_ =	shalt  }
0x4f: {  	_ =	shalt  }
0x50: {  	_ =	shalt  }
0x51: {  	_ =	shalt  }
0x52: {  	_ =	shalt  }
0x53: {  	_ =	shalt  }
0x54: {  	_ =	shalt  }
0x55: {  	_ =	shalt  }
0x56: {  	_ =	shalt  }
0x57: {  	_ =	shalt  }
0x58: {  	_ =	shalt  }
0x59: {  	_ =	shalt  }
0x5a: {  	_ =	shalt  }
0x5b: {  	_ =	shalt  }
0x5c: {  	_ =	shalt  }
0x5d: {  	_ =	shalt  }
0x5e: {  	_ =	shalt  }
0x5f: {  	_ =	shalt  }
0x60: {  	_ =	shalt  }
0x61: {  	_ =	shalt  }
0x62: {  	_ =	shalt  }
0x63: {  	_ =	shalt  }
0x64: {  	_ =	shalt  }
0x65: {  	_ =	shalt  }
0x66: {  	_ =	shalt  }
0x67: {  	_ =	shalt  }
0x68: {  	_ =	shalt  }
0x69: {  	_ =	shalt  }
0x6a: {  	_ =	shalt  }
0x6b: {  	_ =	shalt  }
0x6c: {  	_ =	shalt  }
0x6d: {  	_ =	shalt  }
0x6e: {  	_ =	shalt  }
0x6f: {  	_ =	shalt  }
0x70: {  	_ =	shalt  }
0x71: {  	_ =	shalt  }
0x72: {  	_ =	shalt  }
0x73: {  	_ =	shalt  }
0x74: {  	_ =	shalt  }
0x75: {  	_ =	shalt  }
0x76: {  	_ =	shalt  }
0x77: {  	_ =	shalt  }
0x78: {  	_ =	shalt  }
0x79: {  	_ =	shalt  }
0x7a: {  	_ =	shalt  }
0x7b: {  	_ =	shalt  }
0x7c: {  	_ =	shalt  }
0x7d: {  	_ =	shalt  }
0x7e: {  	_ =	shalt  }
0x7f: {  	_ =	shalt  }
0x80: {  	_ =	shalt  }
0x81: {  	_ =	shalt  }
0x82: {  	_ =	shalt  }
0x83: {  	_ =	shalt  }
0x84: {  	_ =	shalt  }
0x85: {  	_ =	shalt  }
0x86: {  	_ =	shalt  }
0x87: {  	_ =	shalt  }
.Lfunc_end0:
.L_simem_size_0:
called_computation_lowered:
.L_overlay_start_0:
0x88: {  	s2 =	sld [smem:$0x3FD9]  }
0x89: {  	s3 =	sld [smem:$0x3FFE];
	_ =	sdelay $0x1  }
0x8a: {  	s1 =	srdreg.scid  }
0x8b: {  	s0 =	sand.u32 $0x1, s1  }
0x8c: {  	s16 =	sshll.u32 s0, $0xA;
	s2 =	sadd.s32 s3, s2  }
0x8d: {  	s2 =	sadd.s32 s2, s16  }
0x8e: {  	[smem:$0x3FBC] =	sst s2  }
0x8f: {  	_ = 	snop  }
0x90: {  	(tm) =	ssettm $0x1  }
0x91: {  	s17 =	sld [smem:$0x3FFB];
	_ =	sdelay $0x3  }
0x92: {  	_ =	strace s17  }
0x93: {  	s2 =	sld [smem:$0x3FFC];
	_ =	sdelay $0x3  }
0x94: {  	_ =	strace s2  }
0x95: {  	s2 =	sld [smem:$0x3FFD];
	_ =	sdelay $0x3  }
0x96: {  	_ =	strace s2  }
0x97: {  	_ =	strace $0x8FFFFFFF  }
0x98: {  	s18 =	sld [smem:$0x3FDB];
	_ =	sdelay $0x1  }
0x99: {  	s19 =	simm.s32 $_scs_section_size  }
0x9a: {  	s4 =	simm.s32 $_size__tile_overlayer_lowered;
	s5 =	simm.s32 $_tile_overlayer_lowered  }
0x9b: {  	s22 =	simm.s32 $0x1BFF;
	s21 =	sshll.u32 s5, $0x1;
	s2 =	sadd.s32 s19, s18  }
0x9c: {  	s6 =	simm.s32 $0x0;
	s20 =	sshll.u32 s4, $0x1;
	s4 =	sadd.s32 s21, s2  }
0x9d: {  	[timem:s6], [sflag:s22] =	dma.local [hbm:s4], s20  }
0x9e: {  	_ =	swait.ge [sflag:s22], s20  }
0x9f: {  	s3 =	ssub.s32 $0x0, s20;
	[sflag:s22] =	ssyncset.done $0x0  }
0xa0: {  	[sflag:s22] =	ssyncadd.s32 s3;
	_ =	sdelay $0x1  }
0xa1: {  	s23 =	simm.s32 $0x1B8B  }
0xa2: {  	_ =	swait.ge [sflag:s23], $0x1  }
0xa3: {  	[sflag:s23] =	ssyncset.done $0x0  }
0xa4: {  	s25 =	simm.s32 $0x1B8E;
	s24 =	sld [smem:$0x3FFE];
	[sflag:s23] =	ssyncadd.s32 $0xFFFFFFFF  }
0xa5: {  	s26 =	simm.s32 $execute0_lowered;
	[smem:$0x3FD2] =	sst s25  }
0xa6: {  	s4 =	sshll.u32 s26, $0x1;
	_ =	strace $0x80000046;
	[dreg:$0x1] =	wrdreg $0xFFFFFFFF  }
0xa7: {  	s28 =	simm.s32 $_size_execute0_lowered;
	s2 =	sadd.s32 s2, s4;
	[dreg:$0x0] =	wrdreg $0x0  }
0xa8: {  	s4 =	sshll.u32 s28, $0x1;
	[dreg:$0x2] =	wrdreg s2  }
0xa9: {  	[dreg:$0x3] =	wrdreg s4  }
0xaa: {  	[dreg:$0x4] =	wrdreg $0xC0  }
0xab: {  	_ =	task [dreg:s6], $0x5FFFF  }
0xac: {  	[dreg:$0x1] =	wrdreg $0xFFFFFFFF  }
0xad: {  	[dreg:$0x0] =	wrdreg $0x60  }
0xae: {  	[dreg:$0x2] =	wrdreg s24  }
0xaf: {  	[dreg:$0x3] =	wrdreg $0x68000  }
0xb0: {  	[dreg:$0x4] =	wrdreg $0x9  }
0xb1: {  	_ =	task.clear_ibuf [dreg:s6], $0x5FFFF;
	_ =	strace $0x90000046  }
0xb2: {  	s29 =	simm.s32 $0x9;
	_ =	strace $0x80000048  }
0xb3: {  	_ =	swait.ge [sflag:s29], $0x1  }
0xb4: {  	[sflag:s29] =	ssyncadd.s32 $0xFFFFFFFF  }
0xb5: {  	_ =	strace $0x90000048  }
0xb6: {  	_ =	sfence  }
0xb7: {  	s30 =	sld [smem:$0x0];
	_ =	sdelay $0x2  }
0xb8: {  	s31 =	sshll.u32 s1, $0xD;
	s1 =	sshrl.u32 s1, $0x2  }
0xb9: {  	s3 =	sand.u32 $0x4000, s31;
	s1 =	sadd.s32 s1, s30  }
0xba: {  	s0 =	sor.u32 s3, s0;
	s1 =	sshll.u32 s1, $0x11  }
0xbb: {  	s0 =	sor.u32 s1, s0  }
0xbc: {  	s0 =	sadd.s32 $0x8F2B, s0  }
0xbd: {  	[sflag:s0] =	ssyncadd.remote.s32 $0x1  }
0xbe: {  	_ =	sfence.sel $0xFFFF  }
0xbf: {  	[dreg:$0x0] =	wrdreg $0xFFFFFFFF;
	(pc) =	sbr.abs _section_cstart, $3  }
0xc0: {  	[dreg:$0x1] =	wrdreg $0xFFFFFFFF  }
0xc1: {  	_ =	task.clear_ibuf [dreg:s6], $0x2FFFF;
	_ =	strace $0x9FFFFFFF  }
0xc2: {  	(tm) =	ssettm $0x7FFFFFFF  }
0xc3: {  	_ =	shalt  }
tec
execute0_lowered:
.L_overlay_start_1:
0x0: {  	(tag) =	ssettag $0x1  }
0x1: {  	s6 =	rddreg [dreg:$0x0]  }
0x2: {  	s1 =	rddreg [dreg:$0x1]  }
0x3: {  	s2 =	srdreg.scid;
	s0 =	rddreg [dreg:$0x2]  }
0x4: {  	s3 =	simm.s32 $0x0;
	s13 =	simm.s32 $0x50;
	s14 =	simm.s32 $0x1  }
0x5: {  	s15 =	simm.s32 $0x0;
	s7 =	sand.u32 $0x1, s2;
	s2 =	stileid.u32  }
0x6: {  	[smem:$0x7FF] =	sst s3;
	s5 =	sadd.s32 $0x13200, s6;
	s8 =	smul.u32 $0x140000, s7  }
0x7: {  	s4 =	sshll.u32 s2, $0xB;
	s9 =	smul.u32 $0x14000, s2;
	_ =	strace $0x80000047  }
0x8: {  	s26 =	ssub.s32 $0x2, s7;
	s11 =	smul.u32 $0x50000, s2;
	s7 =	sshll.u32 s7, $0xF  }
0x9: {  	s31 =	sshll.u32 s2, $0x6;
	s10 =	sadd.s32 s4, s6;
	s28 =	sshrl.u32 s26, $0x1  }
0xa: {  	s4 =	sadd.s32 $0x15A00, s6;
	s8 =	sadd.s32 s9, s8;
	s9 =	ssub.s32 s26, s28  }
0xb: {  	s29 =	sadd.s32 s7, s10;
	s30 =	sshrl.u32 s11, $0x2;
	s10 =	simm.s32 $0x4000  }
0xc: {  	s11 =	sor.u32 $0x1C02, s31;
	s8 =	sshrl.u32 s8, $0x3;
	s12 =	sadd.s32 s30, s1  }
0xd: {  	s8 =	sadd.s32 s8, s6;
	s6 =	sadd.s32 $0x3200, s29;
	s12 =	sshrl.u32 s12, $0x3  }
0xe: {  	s7 =	sadd.s32 $0x16000, s8;
	s8 =	smax.u32 s9, $0x1;
	s9 =	simm.s32 $0x2  }
.LBB2_1:
0xf: {  	[tilespmem:s3], [sflag:$0x2] =	stream.linear.gather [hbm4b:s6+s3], $0x3E80, $0x38;
	[tilespmem:$0x1A800] =	vst v63  }
0x10: {  	_ =	swait.ge [sflag:s9], $0x3E80  }
0x11: {  	[sflag:s9] =	ssyncset.done $0x0  }
0x12: {  	[sflag:s9] =	ssyncadd.s32 $0xFFFFC180  }
0x13: {  	[tilespmem:s10], [sflag:$0x2] =	stream.linear.gather [hbm4b:s4+s3], $0x2800, $0x38;
	[tilespmem:$0x1A800] =	vst v63  }
0x14: {  	_ =	swait.ge [sflag:s9], $0x2800  }
0x15: {  	[sflag:s9] =	ssyncset.done $0x0  }
0x16: {  	[sflag:s9] =	ssyncadd.s32 $0xFFFFD800  }
0x17: {  	[spmem:s12], [sflag:s11] =	dma.local [hbm:s5], $0x2800  }
0x18: {  	_ =	swait.ge [sflag:s9], $0x2800  }
0x19: {  	[sflag:s9] =	ssyncset.done $0x0  }
0x1a: {  	[sflag:s9] =	ssyncadd.s32 $0xFFFFD800  }
0x1b: {  	s16 =	simm.s32 $0x0;
	[bflag:$0x0] =	sbarrier.arrive $0xFFFF  }
0x1c: {  	[spmem:s1] =	stream.indirect.scatter.add.f32 [tilespmem:s10], [sflag:$0x1], $0x80, s16, s13, $0xb8;
	[tilespmem:$0x1A800] =	vst v63  }
0x1d: {  	s21 =	simm.s32 $0x80  }
0x1e: {  	[spmem:s1] =	stream.indirect.scatter.add.f32 [tilespmem:s10], [sflag:$0x1], $0x80, s21, s13, $0xb8;
	[tilespmem:$0x1A800] =	vst v63  }
0x1f: {  	s22 =	simm.s32 $0x100  }
0x20: {  	[spmem:s1] =	stream.indirect.scatter.add.f32 [tilespmem:s10], [sflag:$0x1], $0x80, s22, s13, $0xb8;
	[tilespmem:$0x1A800] =	vst v63  }
0x21: {  	s23 =	simm.s32 $0x180  }
0x22: {  	[spmem:s1] =	stream.indirect.scatter.add.f32 [tilespmem:s10], [sflag:$0x1], $0x80, s23, s13, $0xb8;
	[tilespmem:$0x1A800] =	vst v63  }
0x23: {  	s24 =	simm.s32 $0x200  }
0x24: {  	[spmem:s1] =	stream.indirect.scatter.add.f32 [tilespmem:s10], [sflag:$0x1], $0x80, s24, s13, $0xb8;
	[tilespmem:$0x1A800] =	vst v63  }
0x25: {  	s25 =	simm.s32 $0x280  }
0x26: {  	[spmem:s1] =	stream.indirect.scatter.add.f32 [tilespmem:s10], [sflag:$0x1], $0x80, s25, s13, $0xb8;
	[tilespmem:$0x1A800] =	vst v63  }
0x27: {  	s26 =	simm.s32 $0x300  }
0x28: {  	[spmem:s1] =	stream.indirect.scatter.add.f32 [tilespmem:s10], [sflag:$0x1], $0x80, s26, s13, $0xb8;
	[tilespmem:$0x1A800] =	vst v63  }
0x29: {  	s28 =	simm.s32 $0x380  }
0x2a: {  	[spmem:s1] =	stream.indirect.scatter.add.f32 [tilespmem:s10], [sflag:$0x1], $0x80, s28, s13, $0xb8;
	[tilespmem:$0x1A800] =	vst v63  }
0x2b: {  	s29 =	simm.s32 $0x400  }
0x2c: {  	[spmem:s1] =	stream.indirect.scatter.add.f32 [tilespmem:s10], [sflag:$0x1], $0x80, s29, s13, $0xb8;
	[tilespmem:$0x1A800] =	vst v63  }
0x2d: {  	s30 =	simm.s32 $0x480  }
0x2e: {  	[spmem:s1] =	stream.indirect.scatter.add.f32 [tilespmem:s10], [sflag:$0x1], $0x80, s30, s13, $0xb8;
	[tilespmem:$0x1A800] =	vst v63  }
0x2f: {  	s31 =	simm.s32 $0x500  }
0x30: {  	[spmem:s1] =	stream.indirect.scatter.add.f32 [tilespmem:s10], [sflag:$0x1], $0x80, s31, s13, $0xb8;
	[tilespmem:$0x1A800] =	vst v63  }
0x31: {  	s17 =	simm.s32 $0x580  }
0x32: {  	[spmem:s1] =	stream.indirect.scatter.add.f32 [tilespmem:s10], [sflag:$0x1], $0x80, s17, s13, $0xb8;
	[tilespmem:$0x1A800] =	vst v63  }
0x33: {  	s18 =	simm.s32 $0x600  }
0x34: {  	[spmem:s1] =	stream.indirect.scatter.add.f32 [tilespmem:s10], [sflag:$0x1], $0x80, s18, s13, $0xb8;
	[tilespmem:$0x1A800] =	vst v63  }
0x35: {  	s19 =	simm.s32 $0x680  }
0x36: {  	[spmem:s1] =	stream.indirect.scatter.add.f32 [tilespmem:s10], [sflag:$0x1], $0x80, s19, s13, $0xb8;
	[tilespmem:$0x1A800] =	vst v63  }
0x37: {  	s20 =	simm.s32 $0x700  }
0x38: {  	[spmem:s1] =	stream.indirect.scatter.add.f32 [tilespmem:s10], [sflag:$0x1], $0x80, s20, s13, $0xb8;
	[tilespmem:$0x1A800] =	vst v63  }
0x39: {  	s21 =	simm.s32 $0x780  }
0x3a: {  	[spmem:s1] =	stream.indirect.scatter.add.f32 [tilespmem:s10], [sflag:$0x1], $0x80, s21, s13, $0xb8;
	[tilespmem:$0x1A800] =	vst v63  }
0x3b: {  	s22 =	simm.s32 $0x800  }
0x3c: {  	[spmem:s1] =	stream.indirect.scatter.add.f32 [tilespmem:s10], [sflag:$0x1], $0x80, s22, s13, $0xb8;
	[tilespmem:$0x1A800] =	vst v63  }
0x3d: {  	s23 =	simm.s32 $0x880  }
0x3e: {  	[spmem:s1] =	stream.indirect.scatter.add.f32 [tilespmem:s10], [sflag:$0x1], $0x80, s23, s13, $0xb8;
	[tilespmem:$0x1A800] =	vst v63  }
0x3f: {  	s24 =	simm.s32 $0x900  }
0x40: {  	[spmem:s1] =	stream.indirect.scatter.add.f32 [tilespmem:s10], [sflag:$0x1], $0x80, s24, s13, $0xb8;
	[tilespmem:$0x1A800] =	vst v63  }
0x41: {  	s25 =	simm.s32 $0x980  }
0x42: {  	[spmem:s1] =	stream.indirect.scatter.add.f32 [tilespmem:s10], [sflag:$0x1], $0x80, s25, s13, $0xb8;
	[tilespmem:$0x1A800] =	vst v63  }
0x43: {  	s26 =	simm.s32 $0xA00  }
0x44: {  	[spmem:s1] =	stream.indirect.scatter.add.f32 [tilespmem:s10], [sflag:$0x1], $0x80, s26, s13, $0xb8;
	[tilespmem:$0x1A800] =	vst v63  }
0x45: {  	s28 =	simm.s32 $0xA80  }
0x46: {  	[spmem:s1] =	stream.indirect.scatter.add.f32 [tilespmem:s10], [sflag:$0x1], $0x80, s28, s13, $0xb8;
	[tilespmem:$0x1A800] =	vst v63  }
0x47: {  	s29 =	simm.s32 $0xB00  }
0x48: {  	[spmem:s1] =	stream.indirect.scatter.add.f32 [tilespmem:s10], [sflag:$0x1], $0x80, s29, s13, $0xb8;
	[tilespmem:$0x1A800] =	vst v63  }
0x49: {  	s30 =	simm.s32 $0xB80  }
0x4a: {  	[spmem:s1] =	stream.indirect.scatter.add.f32 [tilespmem:s10], [sflag:$0x1], $0x80, s30, s13, $0xb8;
	[tilespmem:$0x1A800] =	vst v63  }
0x4b: {  	s31 =	simm.s32 $0xC00  }
0x4c: {  	[spmem:s1] =	stream.indirect.scatter.add.f32 [tilespmem:s10], [sflag:$0x1], $0x80, s31, s13, $0xb8;
	[tilespmem:$0x1A800] =	vst v63  }
0x4d: {  	_ =	swait.ge [sflag:s14], $0x2800  }
0x4e: {  	[sflag:s14] =	ssyncset.done $0x0  }
0x4f: {  	[sflag:s14] =	ssyncadd.s32 $0xFFFFD800  }
0x50: {  	_ =	swait.ge [sflag:s14], $0x2800  }
0x51: {  	[sflag:s14] =	ssyncset.done $0x0  }
0x52: {  	[sflag:s14] =	ssyncadd.s32 $0xFFFFD800  }
0x53: {  	_ =	swait.ge [sflag:s14], $0x2800  }
0x54: {  	[sflag:s14] =	ssyncset.done $0x0  }
0x55: {  	[sflag:s14] =	ssyncadd.s32 $0xFFFFD800  }
0x56: {  	_ =	swait.ge [sflag:s14], $0x2800  }
0x57: {  	[sflag:s14] =	ssyncset.done $0x0  }
0x58: {  	[sflag:s14] =	ssyncadd.s32 $0xFFFFD800  }
0x59: {  	_ =	swait.ge [sflag:s14], $0x2800  }
0x5a: {  	[sflag:s14] =	ssyncset.done $0x0  }
0x5b: {  	[sflag:s14] =	ssyncadd.s32 $0xFFFFD800  }
0x5c: {  	_ =	swait.ge [sflag:s14], $0x2800  }
0x5d: {  	[sflag:s14] =	ssyncset.done $0x0  }
0x5e: {  	[sflag:s14] =	ssyncadd.s32 $0xFFFFD800  }
0x5f: {  	_ =	swait.ge [sflag:s14], $0x2800  }
0x60: {  	[sflag:s14] =	ssyncset.done $0x0  }
0x61: {  	[sflag:s14] =	ssyncadd.s32 $0xFFFFD800  }
0x62: {  	_ =	swait.ge [sflag:s14], $0x2800  }
0x63: {  	[sflag:s14] =	ssyncset.done $0x0  }
0x64: {  	[sflag:s14] =	ssyncadd.s32 $0xFFFFD800  }
0x65: {  	_ =	swait.ge [sflag:s14], $0x2800  }
0x66: {  	[sflag:s14] =	ssyncset.done $0x0  }
0x67: {  	[sflag:s14] =	ssyncadd.s32 $0xFFFFD800  }
0x68: {  	_ =	swait.ge [sflag:s14], $0x2800  }
0x69: {  	[sflag:s14] =	ssyncset.done $0x0  }
0x6a: {  	[sflag:s14] =	ssyncadd.s32 $0xFFFFD800  }
0x6b: {  	_ =	swait.ge [sflag:s14], $0x2800  }
0x6c: {  	[sflag:s14] =	ssyncset.done $0x0  }
0x6d: {  	[sflag:s14] =	ssyncadd.s32 $0xFFFFD800  }
0x6e: {  	_ =	swait.ge [sflag:s14], $0x2800  }
0x6f: {  	[sflag:s14] =	ssyncset.done $0x0  }
0x70: {  	[sflag:s14] =	ssyncadd.s32 $0xFFFFD800  }
0x71: {  	_ =	swait.ge [sflag:s14], $0x2800  }
0x72: {  	[sflag:s14] =	ssyncset.done $0x0  }
0x73: {  	[sflag:s14] =	ssyncadd.s32 $0xFFFFD800  }
0x74: {  	_ =	swait.ge [sflag:s14], $0x2800  }
0x75: {  	[sflag:s14] =	ssyncset.done $0x0  }
0x76: {  	[sflag:s14] =	ssyncadd.s32 $0xFFFFD800  }
0x77: {  	_ =	swait.ge [sflag:s14], $0x2800  }
0x78: {  	[sflag:s14] =	ssyncset.done $0x0  }
0x79: {  	[sflag:s14] =	ssyncadd.s32 $0xFFFFD800  }
0x7a: {  	_ =	swait.ge [sflag:s14], $0x2800  }
0x7b: {  	[sflag:s14] =	ssyncset.done $0x0  }
0x7c: {  	[sflag:s14] =	ssyncadd.s32 $0xFFFFD800  }
0x7d: {  	_ =	swait.ge [sflag:s14], $0x2800  }
0x7e: {  	[sflag:s14] =	ssyncset.done $0x0  }
0x7f: {  	[sflag:s14] =	ssyncadd.s32 $0xFFFFD800  }
0x80: {  	_ =	swait.ge [sflag:s14], $0x2800  }
0x81: {  	[sflag:s14] =	ssyncset.done $0x0  }
0x82: {  	[sflag:s14] =	ssyncadd.s32 $0xFFFFD800  }
0x83: {  	_ =	swait.ge [sflag:s14], $0x2800  }
0x84: {  	[sflag:s14] =	ssyncset.done $0x0  }
0x85: {  	[sflag:s14] =	ssyncadd.s32 $0xFFFFD800  }
0x86: {  	_ =	swait.ge [sflag:s14], $0x2800  }
0x87: {  	[sflag:s14] =	ssyncset.done $0x0  }
0x88: {  	[sflag:s14] =	ssyncadd.s32 $0xFFFFD800  }
0x89: {  	_ =	swait.ge [sflag:s14], $0x2800  }
0x8a: {  	[sflag:s14] =	ssyncset.done $0x0  }
0x8b: {  	[sflag:s14] =	ssyncadd.s32 $0xFFFFD800  }
0x8c: {  	_ =	swait.ge [sflag:s14], $0x2800  }
0x8d: {  	[sflag:s14] =	ssyncset.done $0x0  }
0x8e: {  	[sflag:s14] =	ssyncadd.s32 $0xFFFFD800  }
0x8f: {  	_ =	swait.ge [sflag:s14], $0x2800  }
0x90: {  	[sflag:s14] =	ssyncset.done $0x0  }
0x91: {  	[sflag:s14] =	ssyncadd.s32 $0xFFFFD800  }
0x92: {  	_ =	swait.ge [sflag:s14], $0x2800  }
0x93: {  	[sflag:s14] =	ssyncset.done $0x0  }
0x94: {  	[sflag:s14] =	ssyncadd.s32 $0xFFFFD800  }
0x95: {  	_ =	swait.ge [sflag:s14], $0x2800  }
0x96: {  	s16 =	simm.s32 $0x3200;
	s19 =	simm.s32 $0x6400;
	[sflag:s14] =	ssyncset.done $0x0  }
.LBB2_2:
0x97: {  	s18 =	sshra.s32 s16, $0x2  }
0x98: {  	[sflag:s14] =	ssyncadd.s32 $0xFFFFD800;
	s16 =	smov.u32 s19;
	s17 =	sadd.s32 $0x3200, s19  }
0x99: {  	[spmem:s1] =	stream.indirect.scatter.add.f32 [tilespmem:s10], [sflag:$0x1], $0x80, s18, s13, $0xb8;
	[tilespmem:$0x1A800] =	vst v63  }
0x9a: {  	p0 =	sne.s32 s19, $0xC800;
	s19 =	sadd.s32 $0x80, s18  }
0x9b: {  	[spmem:s1] =	stream.indirect.scatter.add.f32 [tilespmem:s10], [sflag:$0x1], $0x80, s19, s13, $0xb8;
	[tilespmem:$0x1A800] =	vst v63  }
0x9c: {  	s19 =	sadd.s32 $0x100, s18  }
0x9d: {  	[spmem:s1] =	stream.indirect.scatter.add.f32 [tilespmem:s10], [sflag:$0x1], $0x80, s19, s13, $0xb8;
	[tilespmem:$0x1A800] =	vst v63  }
0x9e: {  	s19 =	sadd.s32 $0x180, s18  }
0x9f: {  	[spmem:s1] =	stream.indirect.scatter.add.f32 [tilespmem:s10], [sflag:$0x1], $0x80, s19, s13, $0xb8;
	[tilespmem:$0x1A800] =	vst v63  }
0xa0: {  	s19 =	sadd.s32 $0x200, s18  }
0xa1: {  	[spmem:s1] =	stream.indirect.scatter.add.f32 [tilespmem:s10], [sflag:$0x1], $0x80, s19, s13, $0xb8;
	[tilespmem:$0x1A800] =	vst v63  }
0xa2: {  	s19 =	sadd.s32 $0x280, s18  }
0xa3: {  	[spmem:s1] =	stream.indirect.scatter.add.f32 [tilespmem:s10], [sflag:$0x1], $0x80, s19, s13, $0xb8;
	[tilespmem:$0x1A800] =	vst v63  }
0xa4: {  	s19 =	sadd.s32 $0x300, s18  }
0xa5: {  	[spmem:s1] =	stream.indirect.scatter.add.f32 [tilespmem:s10], [sflag:$0x1], $0x80, s19, s13, $0xb8;
	[tilespmem:$0x1A800] =	vst v63  }
0xa6: {  	s19 =	sadd.s32 $0x380, s18  }
0xa7: {  	[spmem:s1] =	stream.indirect.scatter.add.f32 [tilespmem:s10], [sflag:$0x1], $0x80, s19, s13, $0xb8;
	[tilespmem:$0x1A800] =	vst v63  }
0xa8: {  	s19 =	sadd.s32 $0x400, s18  }
0xa9: {  	[spmem:s1] =	stream.indirect.scatter.add.f32 [tilespmem:s10], [sflag:$0x1], $0x80, s19, s13, $0xb8;
	[tilespmem:$0x1A800] =	vst v63  }
0xaa: {  	s19 =	sadd.s32 $0x480, s18  }
0xab: {  	[spmem:s1] =	stream.indirect.scatter.add.f32 [tilespmem:s10], [sflag:$0x1], $0x80, s19, s13, $0xb8;
	[tilespmem:$0x1A800] =	vst v63  }
0xac: {  	s19 =	sadd.s32 $0x500, s18  }
0xad: {  	[spmem:s1] =	stream.indirect.scatter.add.f32 [tilespmem:s10], [sflag:$0x1], $0x80, s19, s13, $0xb8;
	[tilespmem:$0x1A800] =	vst v63  }
0xae: {  	s19 =	sadd.s32 $0x580, s18  }
0xaf: {  	[spmem:s1] =	stream.indirect.scatter.add.f32 [tilespmem:s10], [sflag:$0x1], $0x80, s19, s13, $0xb8;
	[tilespmem:$0x1A800] =	vst v63  }
0xb0: {  	s19 =	sadd.s32 $0x600, s18  }
0xb1: {  	[spmem:s1] =	stream.indirect.scatter.add.f32 [tilespmem:s10], [sflag:$0x1], $0x80, s19, s13, $0xb8;
	[tilespmem:$0x1A800] =	vst v63  }
0xb2: {  	s19 =	sadd.s32 $0x680, s18  }
0xb3: {  	[spmem:s1] =	stream.indirect.scatter.add.f32 [tilespmem:s10], [sflag:$0x1], $0x80, s19, s13, $0xb8;
	[tilespmem:$0x1A800] =	vst v63  }
0xb4: {  	s19 =	sadd.s32 $0x700, s18  }
0xb5: {  	[spmem:s1] =	stream.indirect.scatter.add.f32 [tilespmem:s10], [sflag:$0x1], $0x80, s19, s13, $0xb8;
	[tilespmem:$0x1A800] =	vst v63  }
0xb6: {  	s19 =	sadd.s32 $0x780, s18  }
0xb7: {  	[spmem:s1] =	stream.indirect.scatter.add.f32 [tilespmem:s10], [sflag:$0x1], $0x80, s19, s13, $0xb8;
	[tilespmem:$0x1A800] =	vst v63  }
0xb8: {  	s19 =	sadd.s32 $0x800, s18  }
0xb9: {  	[spmem:s1] =	stream.indirect.scatter.add.f32 [tilespmem:s10], [sflag:$0x1], $0x80, s19, s13, $0xb8;
	[tilespmem:$0x1A800] =	vst v63  }
0xba: {  	s19 =	sadd.s32 $0x880, s18  }
0xbb: {  	[spmem:s1] =	stream.indirect.scatter.add.f32 [tilespmem:s10], [sflag:$0x1], $0x80, s19, s13, $0xb8;
	[tilespmem:$0x1A800] =	vst v63  }
0xbc: {  	s19 =	sadd.s32 $0x900, s18  }
0xbd: {  	[spmem:s1] =	stream.indirect.scatter.add.f32 [tilespmem:s10], [sflag:$0x1], $0x80, s19, s13, $0xb8;
	[tilespmem:$0x1A800] =	vst v63  }
0xbe: {  	s19 =	sadd.s32 $0x980, s18  }
0xbf: {  	[spmem:s1] =	stream.indirect.scatter.add.f32 [tilespmem:s10], [sflag:$0x1], $0x80, s19, s13, $0xb8;
	[tilespmem:$0x1A800] =	vst v63  }
0xc0: {  	s19 =	sadd.s32 $0xA00, s18  }
0xc1: {  	[spmem:s1] =	stream.indirect.scatter.add.f32 [tilespmem:s10], [sflag:$0x1], $0x80, s19, s13, $0xb8;
	[tilespmem:$0x1A800] =	vst v63  }
0xc2: {  	s19 =	sadd.s32 $0xA80, s18  }
0xc3: {  	[spmem:s1] =	stream.indirect.scatter.add.f32 [tilespmem:s10], [sflag:$0x1], $0x80, s19, s13, $0xb8;
	[tilespmem:$0x1A800] =	vst v63  }
0xc4: {  	s19 =	sadd.s32 $0xB00, s18  }
0xc5: {  	[spmem:s1] =	stream.indirect.scatter.add.f32 [tilespmem:s10], [sflag:$0x1], $0x80, s19, s13, $0xb8;
	[tilespmem:$0x1A800] =	vst v63  }
0xc6: {  	s19 =	sadd.s32 $0xB80, s18  }
0xc7: {  	[spmem:s1] =	stream.indirect.scatter.add.f32 [tilespmem:s10], [sflag:$0x1], $0x80, s19, s13, $0xb8;
	[tilespmem:$0x1A800] =	vst v63  }
0xc8: {  	s18 =	sadd.s32 $0xC00, s18  }
0xc9: {  	[spmem:s1] =	stream.indirect.scatter.add.f32 [tilespmem:s10], [sflag:$0x1], $0x80, s18, s13, $0xb8;
	[tilespmem:$0x1A800] =	vst v63  }
0xca: {  	_ =	swait.ge [sflag:s14], $0x2800  }
0xcb: {  	[sflag:s14] =	ssyncset.done $0x0  }
0xcc: {  	[sflag:s14] =	ssyncadd.s32 $0xFFFFD800  }
0xcd: {  	_ =	swait.ge [sflag:s14], $0x2800  }
0xce: {  	[sflag:s14] =	ssyncset.done $0x0  }
0xcf: {  	[sflag:s14] =	ssyncadd.s32 $0xFFFFD800  }
0xd0: {  	_ =	swait.ge [sflag:s14], $0x2800  }
0xd1: {  	[sflag:s14] =	ssyncset.done $0x0  }
0xd2: {  	[sflag:s14] =	ssyncadd.s32 $0xFFFFD800  }
0xd3: {  	_ =	swait.ge [sflag:s14], $0x2800  }
0xd4: {  	[sflag:s14] =	ssyncset.done $0x0  }
0xd5: {  	[sflag:s14] =	ssyncadd.s32 $0xFFFFD800  }
0xd6: {  	_ =	swait.ge [sflag:s14], $0x2800  }
0xd7: {  	[sflag:s14] =	ssyncset.done $0x0  }
0xd8: {  	[sflag:s14] =	ssyncadd.s32 $0xFFFFD800  }
0xd9: {  	_ =	swait.ge [sflag:s14], $0x2800  }
0xda: {  	[sflag:s14] =	ssyncset.done $0x0  }
0xdb: {  	[sflag:s14] =	ssyncadd.s32 $0xFFFFD800  }
0xdc: {  	_ =	swait.ge [sflag:s14], $0x2800  }
0xdd: {  	[sflag:s14] =	ssyncset.done $0x0  }
0xde: {  	[sflag:s14] =	ssyncadd.s32 $0xFFFFD800  }
0xdf: {  	_ =	swait.ge [sflag:s14], $0x2800  }
0xe0: {  	[sflag:s14] =	ssyncset.done $0x0  }
0xe1: {  	[sflag:s14] =	ssyncadd.s32 $0xFFFFD800  }
0xe2: {  	_ =	swait.ge [sflag:s14], $0x2800  }
0xe3: {  	[sflag:s14] =	ssyncset.done $0x0  }
0xe4: {  	[sflag:s14] =	ssyncadd.s32 $0xFFFFD800  }
0xe5: {  	_ =	swait.ge [sflag:s14], $0x2800  }
0xe6: {  	[sflag:s14] =	ssyncset.done $0x0  }
0xe7: {  	[sflag:s14] =	ssyncadd.s32 $0xFFFFD800  }
0xe8: {  	_ =	swait.ge [sflag:s14], $0x2800  }
0xe9: {  	[sflag:s14] =	ssyncset.done $0x0  }
0xea: {  	[sflag:s14] =	ssyncadd.s32 $0xFFFFD800  }
0xeb: {  	_ =	swait.ge [sflag:s14], $0x2800  }
0xec: {  	[sflag:s14] =	ssyncset.done $0x0  }
0xed: {  	[sflag:s14] =	ssyncadd.s32 $0xFFFFD800  }
0xee: {  	_ =	swait.ge [sflag:s14], $0x2800  }
0xef: {  	[sflag:s14] =	ssyncset.done $0x0  }
0xf0: {  	[sflag:s14] =	ssyncadd.s32 $0xFFFFD800  }
0xf1: {  	_ =	swait.ge [sflag:s14], $0x2800  }
0xf2: {  	[sflag:s14] =	ssyncset.done $0x0  }
0xf3: {  	[sflag:s14] =	ssyncadd.s32 $0xFFFFD800  }
0xf4: {  	_ =	swait.ge [sflag:s14], $0x2800  }
0xf5: {  	[sflag:s14] =	ssyncset.done $0x0  }
0xf6: {  	[sflag:s14] =	ssyncadd.s32 $0xFFFFD800  }
0xf7: {  	_ =	swait.ge [sflag:s14], $0x2800  }
0xf8: {  	[sflag:s14] =	ssyncset.done $0x0  }
0xf9: {  	[sflag:s14] =	ssyncadd.s32 $0xFFFFD800  }
0xfa: {  	_ =	swait.ge [sflag:s14], $0x2800  }
0xfb: {  	[sflag:s14] =	ssyncset.done $0x0  }
0xfc: {  	[sflag:s14] =	ssyncadd.s32 $0xFFFFD800  }
0xfd: {  	_ =	swait.ge [sflag:s14], $0x2800  }
0xfe: {  	[sflag:s14] =	ssyncset.done $0x0  }
0xff: {  	[sflag:s14] =	ssyncadd.s32 $0xFFFFD800  }
0x100: {  	_ =	swait.ge [sflag:s14], $0x2800  }
0x101: {  	[sflag:s14] =	ssyncset.done $0x0  }
0x102: {  	[sflag:s14] =	ssyncadd.s32 $0xFFFFD800  }
0x103: {  	_ =	swait.ge [sflag:s14], $0x2800  }
0x104: {  	[sflag:s14] =	ssyncset.done $0x0  }
0x105: {  	[sflag:s14] =	ssyncadd.s32 $0xFFFFD800  }
0x106: {  	_ =	swait.ge [sflag:s14], $0x2800  }
0x107: {  	[sflag:s14] =	ssyncset.done $0x0  }
0x108: {  	[sflag:s14] =	ssyncadd.s32 $0xFFFFD800  }
0x109: {  	_ =	swait.ge [sflag:s14], $0x2800  }
0x10a: {  	[sflag:s14] =	ssyncset.done $0x0  }
0x10b: {  	[sflag:s14] =	ssyncadd.s32 $0xFFFFD800  }
0x10c: {  	_ =	swait.ge [sflag:s14], $0x2800  }
0x10d: {  	[sflag:s14] =	ssyncset.done $0x0  }
0x10e: {  	[sflag:s14] =	ssyncadd.s32 $0xFFFFD800  }
.Ltmp0:
0x10f: {  	_ =	swait.ge [sflag:s14], $0x2800;
	(pc) =	sbr.rel @p0 .LBB2_2-.Ltmp0, $4  }
0x110: {  	[sflag:s14] =	ssyncset.done $0x0  }
0x111: {  	[sflag:s14] =	ssyncadd.s32 $0xFFFFD800  }
0x112: {  	_ =	swait.ge [sflag:s14], $0x2800  }
0x113: {  	s19 =	smov.u32 s17;
	[sflag:s14] =	ssyncset.done $0x0  }
0x114: {  	s16 =	sshra.s32 s16, $0x2;
	[sflag:s14] =	ssyncadd.s32 $0xFFFFD800  }
0x115: {  	[spmem:s1] =	stream.indirect.scatter.add.f32 [tilespmem:s10], [sflag:$0x1], $0x80, s16, s13, $0xb8;
	[tilespmem:$0x1A800] =	vst v63  }
0x116: {  	s17 =	sadd.s32 $0x80, s16  }
0x117: {  	[spmem:s1] =	stream.indirect.scatter.add.f32 [tilespmem:s10], [sflag:$0x1], $0x80, s17, s13, $0xb8;
	[tilespmem:$0x1A800] =	vst v63  }
0x118: {  	s22 =	sadd.s32 $0x100, s16  }
0x119: {  	[spmem:s1] =	stream.indirect.scatter.add.f32 [tilespmem:s10], [sflag:$0x1], $0x80, s22, s13, $0xb8;
	[tilespmem:$0x1A800] =	vst v63  }
0x11a: {  	s23 =	sadd.s32 $0x180, s16  }
0x11b: {  	[spmem:s1] =	stream.indirect.scatter.add.f32 [tilespmem:s10], [sflag:$0x1], $0x80, s23, s13, $0xb8;
	[tilespmem:$0x1A800] =	vst v63  }
0x11c: {  	s24 =	sadd.s32 $0x200, s16  }
0x11d: {  	[spmem:s1] =	stream.indirect.scatter.add.f32 [tilespmem:s10], [sflag:$0x1], $0x80, s24, s13, $0xb8;
	[tilespmem:$0x1A800] =	vst v63  }
0x11e: {  	s25 =	sadd.s32 $0x280, s16  }
0x11f: {  	[spmem:s1] =	stream.indirect.scatter.add.f32 [tilespmem:s10], [sflag:$0x1], $0x80, s25, s13, $0xb8;
	[tilespmem:$0x1A800] =	vst v63  }
0x120: {  	s26 =	sadd.s32 $0x300, s16  }
0x121: {  	[spmem:s1] =	stream.indirect.scatter.add.f32 [tilespmem:s10], [sflag:$0x1], $0x80, s26, s13, $0xb8;
	[tilespmem:$0x1A800] =	vst v63  }
0x122: {  	s28 =	sadd.s32 $0x380, s16  }
0x123: {  	[spmem:s1] =	stream.indirect.scatter.add.f32 [tilespmem:s10], [sflag:$0x1], $0x80, s28, s13, $0xb8;
	[tilespmem:$0x1A800] =	vst v63  }
0x124: {  	s29 =	sadd.s32 $0x400, s16  }
0x125: {  	[spmem:s1] =	stream.indirect.scatter.add.f32 [tilespmem:s10], [sflag:$0x1], $0x80, s29, s13, $0xb8;
	[tilespmem:$0x1A800] =	vst v63  }
0x126: {  	s30 =	sadd.s32 $0x480, s16  }
0x127: {  	[spmem:s1] =	stream.indirect.scatter.add.f32 [tilespmem:s10], [sflag:$0x1], $0x80, s30, s13, $0xb8;
	[tilespmem:$0x1A800] =	vst v63  }
0x128: {  	s31 =	sadd.s32 $0x500, s16  }
0x129: {  	[spmem:s1] =	stream.indirect.scatter.add.f32 [tilespmem:s10], [sflag:$0x1], $0x80, s31, s13, $0xb8;
	[tilespmem:$0x1A800] =	vst v63  }
0x12a: {  	s18 =	sadd.s32 $0x580, s16  }
0x12b: {  	[spmem:s1] =	stream.indirect.scatter.add.f32 [tilespmem:s10], [sflag:$0x1], $0x80, s18, s13, $0xb8;
	[tilespmem:$0x1A800] =	vst v63  }
0x12c: {  	s19 =	sadd.s32 $0x600, s16  }
0x12d: {  	[spmem:s1] =	stream.indirect.scatter.add.f32 [tilespmem:s10], [sflag:$0x1], $0x80, s19, s13, $0xb8;
	[tilespmem:$0x1A800] =	vst v63  }
0x12e: {  	s20 =	sadd.s32 $0x680, s16  }
0x12f: {  	[spmem:s1] =	stream.indirect.scatter.add.f32 [tilespmem:s10], [sflag:$0x1], $0x80, s20, s13, $0xb8;
	[tilespmem:$0x1A800] =	vst v63  }
0x130: {  	s21 =	sadd.s32 $0x700, s16  }
0x131: {  	[spmem:s1] =	stream.indirect.scatter.add.f32 [tilespmem:s10], [sflag:$0x1], $0x80, s21, s13, $0xb8;
	[tilespmem:$0x1A800] =	vst v63  }
0x132: {  	s22 =	sadd.s32 $0x780, s16  }
0x133: {  	[spmem:s1] =	stream.indirect.scatter.add.f32 [tilespmem:s10], [sflag:$0x1], $0x80, s22, s13, $0xb8;
	[tilespmem:$0x1A800] =	vst v63  }
0x134: {  	s23 =	sadd.s32 $0x800, s16  }
0x135: {  	[spmem:s1] =	stream.indirect.scatter.add.f32 [tilespmem:s10], [sflag:$0x1], $0x80, s23, s13, $0xb8;
	[tilespmem:$0x1A800] =	vst v63  }
0x136: {  	s24 =	sadd.s32 $0x880, s16  }
0x137: {  	[spmem:s1] =	stream.indirect.scatter.add.f32 [tilespmem:s10], [sflag:$0x1], $0x80, s24, s13, $0xb8;
	[tilespmem:$0x1A800] =	vst v63  }
0x138: {  	s25 =	sadd.s32 $0x900, s16  }
0x139: {  	[spmem:s1] =	stream.indirect.scatter.add.f32 [tilespmem:s10], [sflag:$0x1], $0x80, s25, s13, $0xb8;
	[tilespmem:$0x1A800] =	vst v63  }
0x13a: {  	s26 =	sadd.s32 $0x980, s16  }
0x13b: {  	[spmem:s1] =	stream.indirect.scatter.add.f32 [tilespmem:s10], [sflag:$0x1], $0x80, s26, s13, $0xb8;
	[tilespmem:$0x1A800] =	vst v63  }
0x13c: {  	s28 =	sadd.s32 $0xA00, s16  }
0x13d: {  	[spmem:s1] =	stream.indirect.scatter.add.f32 [tilespmem:s10], [sflag:$0x1], $0x80, s28, s13, $0xb8;
	[tilespmem:$0x1A800] =	vst v63  }
0x13e: {  	s29 =	sadd.s32 $0xA80, s16  }
0x13f: {  	[spmem:s1] =	stream.indirect.scatter.add.f32 [tilespmem:s10], [sflag:$0x1], $0x80, s29, s13, $0xb8;
	[tilespmem:$0x1A800] =	vst v63  }
0x140: {  	s30 =	sadd.s32 $0xB00, s16  }
0x141: {  	[spmem:s1] =	stream.indirect.scatter.add.f32 [tilespmem:s10], [sflag:$0x1], $0x80, s30, s13, $0xb8;
	[tilespmem:$0x1A800] =	vst v63  }
0x142: {  	s31 =	sadd.s32 $0xB80, s16  }
0x143: {  	[spmem:s1] =	stream.indirect.scatter.add.f32 [tilespmem:s10], [sflag:$0x1], $0x80, s31, s13, $0xb8;
	[tilespmem:$0x1A800] =	vst v63  }
0x144: {  	s16 =	sadd.s32 $0xC00, s16  }
0x145: {  	[spmem:s1] =	stream.indirect.scatter.add.f32 [tilespmem:s10], [sflag:$0x1], $0x80, s16, s13, $0xb8;
	[tilespmem:$0x1A800] =	vst v63  }
0x146: {  	_ =	swait.ge [sflag:s14], $0x2800  }
0x147: {  	[sflag:s14] =	ssyncset.done $0x0  }
0x148: {  	[sflag:s14] =	ssyncadd.s32 $0xFFFFD800  }
0x149: {  	_ =	swait.ge [sflag:s14], $0x2800  }
0x14a: {  	[sflag:s14] =	ssyncset.done $0x0  }
0x14b: {  	[sflag:s14] =	ssyncadd.s32 $0xFFFFD800  }
0x14c: {  	_ =	swait.ge [sflag:s14], $0x2800  }
0x14d: {  	[sflag:s14] =	ssyncset.done $0x0  }
0x14e: {  	[sflag:s14] =	ssyncadd.s32 $0xFFFFD800  }
0x14f: {  	_ =	swait.ge [sflag:s14], $0x2800  }
0x150: {  	[sflag:s14] =	ssyncset.done $0x0  }
0x151: {  	[sflag:s14] =	ssyncadd.s32 $0xFFFFD800  }
0x152: {  	_ =	swait.ge [sflag:s14], $0x2800  }
0x153: {  	[sflag:s14] =	ssyncset.done $0x0  }
0x154: {  	[sflag:s14] =	ssyncadd.s32 $0xFFFFD800  }
0x155: {  	_ =	swait.ge [sflag:s14], $0x2800  }
0x156: {  	[sflag:s14] =	ssyncset.done $0x0  }
0x157: {  	[sflag:s14] =	ssyncadd.s32 $0xFFFFD800  }
0x158: {  	_ =	swait.ge [sflag:s14], $0x2800  }
0x159: {  	[sflag:s14] =	ssyncset.done $0x0  }
0x15a: {  	[sflag:s14] =	ssyncadd.s32 $0xFFFFD800  }
0x15b: {  	_ =	swait.ge [sflag:s14], $0x2800  }
0x15c: {  	[sflag:s14] =	ssyncset.done $0x0  }
0x15d: {  	[sflag:s14] =	ssyncadd.s32 $0xFFFFD800  }
0x15e: {  	_ =	swait.ge [sflag:s14], $0x2800  }
0x15f: {  	[sflag:s14] =	ssyncset.done $0x0  }
0x160: {  	[sflag:s14] =	ssyncadd.s32 $0xFFFFD800  }
0x161: {  	_ =	swait.ge [sflag:s14], $0x2800  }
0x162: {  	[sflag:s14] =	ssyncset.done $0x0  }
0x163: {  	[sflag:s14] =	ssyncadd.s32 $0xFFFFD800  }
0x164: {  	_ =	swait.ge [sflag:s14], $0x2800  }
0x165: {  	[sflag:s14] =	ssyncset.done $0x0  }
0x166: {  	[sflag:s14] =	ssyncadd.s32 $0xFFFFD800  }
0x167: {  	_ =	swait.ge [sflag:s14], $0x2800  }
0x168: {  	[sflag:s14] =	ssyncset.done $0x0  }
0x169: {  	[sflag:s14] =	ssyncadd.s32 $0xFFFFD800  }
0x16a: {  	_ =	swait.ge [sflag:s14], $0x2800  }
0x16b: {  	[sflag:s14] =	ssyncset.done $0x0  }
0x16c: {  	[sflag:s14] =	ssyncadd.s32 $0xFFFFD800  }
0x16d: {  	_ =	swait.ge [sflag:s14], $0x2800  }
0x16e: {  	[sflag:s14] =	ssyncset.done $0x0  }
0x16f: {  	[sflag:s14] =	ssyncadd.s32 $0xFFFFD800  }
0x170: {  	_ =	swait.ge [sflag:s14], $0x2800  }
0x171: {  	[sflag:s14] =	ssyncset.done $0x0  }
0x172: {  	[sflag:s14] =	ssyncadd.s32 $0xFFFFD800  }
0x173: {  	_ =	swait.ge [sflag:s14], $0x2800  }
0x174: {  	[sflag:s14] =	ssyncset.done $0x0  }
0x175: {  	[sflag:s14] =	ssyncadd.s32 $0xFFFFD800  }
0x176: {  	_ =	swait.ge [sflag:s14], $0x2800  }
0x177: {  	[sflag:s14] =	ssyncset.done $0x0  }
0x178: {  	[sflag:s14] =	ssyncadd.s32 $0xFFFFD800  }
0x179: {  	_ =	swait.ge [sflag:s14], $0x2800  }
0x17a: {  	[sflag:s14] =	ssyncset.done $0x0  }
0x17b: {  	[sflag:s14] =	ssyncadd.s32 $0xFFFFD800  }
0x17c: {  	_ =	swait.ge [sflag:s14], $0x2800  }
0x17d: {  	[sflag:s14] =	ssyncset.done $0x0  }
0x17e: {  	[sflag:s14] =	ssyncadd.s32 $0xFFFFD800  }
0x17f: {  	_ =	swait.ge [sflag:s14], $0x2800  }
0x180: {  	[sflag:s14] =	ssyncset.done $0x0  }
0x181: {  	[sflag:s14] =	ssyncadd.s32 $0xFFFFD800  }
0x182: {  	_ =	swait.ge [sflag:s14], $0x2800  }
0x183: {  	[sflag:s14] =	ssyncset.done $0x0  }
0x184: {  	[sflag:s14] =	ssyncadd.s32 $0xFFFFD800  }
0x185: {  	_ =	swait.ge [sflag:s14], $0x2800  }
0x186: {  	[sflag:s14] =	ssyncset.done $0x0  }
0x187: {  	[sflag:s14] =	ssyncadd.s32 $0xFFFFD800  }
0x188: {  	_ =	swait.ge [sflag:s14], $0x2800  }
0x189: {  	[sflag:s14] =	ssyncset.done $0x0  }
0x18a: {  	[sflag:s14] =	ssyncadd.s32 $0xFFFFD800  }
0x18b: {  	_ =	swait.ge [sflag:s14], $0x2800  }
0x18c: {  	[sflag:s14] =	ssyncset.done $0x0  }
0x18d: {  	[sflag:s14] =	ssyncadd.s32 $0xFFFFD800  }
0x18e: {  	_ =	swait.ge [sflag:s14], $0x2800  }
0x18f: {  	s15 =	sadd.s32 $0x1, s15;
	[sflag:s14] =	ssyncset.done $0x0  }
0x190: {  	p0 =	sne.s32 s15, s8;
	[sflag:s14] =	ssyncadd.s32 $0xFFFFD800  }
.Ltmp1:
0x191: {  	[bflag:$0x0] =	sbarrier.arrive $0xFFFF;
	(pc) =	sbr.rel @p0 .LBB2_1-.Ltmp1, $4  }
0x192: {  	[hbm:s7], [sflag:s11] =	dma.local [spmem:s12], $0x2800  }
0x193: {  	_ =	swait.ge [sflag:s9], $0x2800  }
0x194: {  	[sflag:s9] =	ssyncset.done $0x0  }
0x195: {  	[sflag:s9] =	ssyncadd.s32 $0xFFFFD800  }
0x196: {  	_ =	sfence.sel $0x180000  }
0x197: {  	[bflag:$0x0] =	sbarrier.arrive $0xFFFF  }
0x198: {  	p0 =	sne.s32 s2, $0x0;
	_ =	strace $0x90000047  }
0x199: {  	s0 =	sadd.s32 @!p0 $0x100000, s0;
	[bflag:$0x2] =	sbarrier.arrive $0xFFFF  }
0x19a: {  	[sflag:s0] =	ssyncadd.tile.s32 @!p0 $0x1;
	_ =	shalt  }
.Lfunc_end2:
_tile_overlayer_lowered:
.L_overlay_start_2:
0x19b: {  	(tag) =	ssettag $0x2  }
0x19c: {  	s0 =	rddreg [dreg:$0x0];
	s2 =	stileid.u32  }
0x19d: {  	s1 =	rddreg [dreg:$0x1];
	p0 =	sne.s32 s2, $0x0  }
0x19e: {  	s3 =	rddreg [dreg:$0x2];
	[bflag:$0x3] =	sbarrier.arrive $0xFFFF;
	s2 =	simm.s32 @!p0 $0x1C02  }
0x19f: {  	[timem:s3], [sflag:s2] =	dma.local @!p0 [hbm:s0], s1  }
0x1a0: {  	s0 =	simm.s32 @!p0 $0x2  }
0x1a1: {  	_ =	swait.ge @!p0 [sflag:s0], s1  }
0x1a2: {  	s1 =	ssub.s32 @!p0 $0x0, s1;
	[sflag:s0] =	ssyncset.done @!p0 $0x0  }
0x1a3: {  	[sflag:s0] =	ssyncadd.s32 @!p0 s1  }
0x1a4: {  	[bflag:$0x3] =	sbarrier.arrive $0xFFFF  }
0x1a5: {  	_ =	shalt  }

</sc_bundles>
